<compile_context>
chip_gen: v7x
topology: tpu7x:2x2x1
jax: 0.10.2.dev20260603
libtpu: 0.0.44.dev20260713+nightly
codegen_flags: <defaults>
</compile_context>

<pallas_src>
import functools

import jax
import jax.numpy as jnp
from jax import lax
from jax.experimental import pallas as pl
from jax.experimental.pallas import tpu as pltpu
from jax.experimental.pallas import tpu_sc as plsc

IN_N = 2048
M_TOTAL = 16384
NC, NS = 2, 16
NW = NC * NS
ROWS_PER_W = M_TOTAL // NW
CH = 16
NCHUNK = ROWS_PER_W // CH
NBUF = 3


def _sc_copy(x_hbm, o_hbm, *scratch):
    wid = lax.axis_index("s") * NC + lax.axis_index("c")
    base = wid * ROWS_PER_W
    bufs = scratch[:NBUF]
    rsem, wsem = scratch[NBUF], scratch[NBUF + 1]

    def rd(c, b):
        return pltpu.make_async_copy(
            x_hbm.at[pl.ds(base + c * CH, CH), :], bufs[b], rsem.at[b])

    def wr(c, b):
        return pltpu.make_async_copy(
            bufs[b], o_hbm.at[pl.ds(base + c * CH, CH), :], wsem.at[b])

    for i in range(NBUF):
        rd(i, i).start()
    for c in range(NCHUNK):
        b = c % NBUF
        rd(c, b).wait()
        wr(c, b).start()
        j = c - (NBUF - 1)
        if 0 <= j < NCHUNK - NBUF:
            bj = j % NBUF
            wr(j, bj).wait()
            rd(j + NBUF, bj).start()
    for j in range(max(0, NCHUNK - NBUF), NCHUNK):
        wr(j, j % NBUF).wait()


def kernel(input):
    x = input.reshape(-1, IN_N)
    mesh = plsc.VectorSubcoreMesh(core_axis_name="c", subcore_axis_name="s")
    f = functools.partial(
        pl.kernel,
        mesh=mesh,
        out_type=jax.ShapeDtypeStruct((M_TOTAL, IN_N), jnp.float32),
        scratch_types=(
            [pltpu.VMEM((CH, IN_N), jnp.float32) for _ in range(NBUF)]
            + [pltpu.SemaphoreType.DMA((NBUF,)),
               pltpu.SemaphoreType.DMA((NBUF,))]
        ),
    )(_sc_copy)
    return f(x)

# --- scband reference (transcript-rebuilt; emitter-appended) ---
"""Pipeline reference for scband-proposer-54503134986918 (READ-ONLY COPY).

The authoritative reference and input builder live on the scoring server;
editing this copy changes nothing except your own understanding.
"""

import jax, jax.numpy as jnp
import numpy as np

IN_N = 2048

def setup_inputs(seed: int = 0) -> dict:
    key = jax.random.key(seed)
    x = jax.random.normal(key, (4, 4096, IN_N), dtype=jnp.float32)
    return {"input": x}

def reference(input):
    # Decorrelation.forward: reshape to [-1, in_n]; in training mode it also
    # accumulates the second moment x^T x as a stateful side effect (does not
    # affect the returned value).
    x = input.reshape(-1, IN_N)
    _second_moment = jnp.matmul(x.T, x)  # side-effect state in torch; output unaffected
    if x.shape[0] == 1:
        return x[0]
    return x

if __name__ == "__main__":
    import jax
    _d = setup_inputs()
    print(jax.jit(kernel)(*tuple(_d.values())))

</pallas_src>

<mosaic_0001>
#map = affine_map<(d0, d1) -> (0, 0)>
module attributes {stable_mosaic.version = 14 : i64} {
  func.func @_sc_copy(%arg0: i32, %arg1: i32, %arg2: memref<16384x2048xf32, #tpu.memory_space<hbm>>, %arg3: memref<16384x2048xf32, #tpu.memory_space<hbm>>, %arg4: memref<16x2048xf32, #tpu.memory_space<vmem>>, %arg5: memref<16x2048xf32, #tpu.memory_space<vmem>>, %arg6: memref<16x2048xf32, #tpu.memory_space<vmem>>, %arg7: memref<3x!tpu.dma_semaphore, #tpu.memory_space<semaphore_mem>>, %arg8: memref<3x!tpu.dma_semaphore, #tpu.memory_space<semaphore_mem>>) attributes {dimension_semantics = [#tpu.dimension_semantics<core_parallel>, #tpu.dimension_semantics<subcore_parallel>], iteration_bounds = array<i64: 2, 16>, scalar_prefetch = 0 : i64, scratch_operands = 5 : i64, tpu.core_type = #tpu.core_type<sc_vector_subcore>, window_params = [{transform_indices = #map}, {transform_indices = #map}]} {
    %mul3A = arith.constant 2 : i32
    %mul3A_0 = arith.muli %arg1, %mul3A : i32
    %add3A = arith.addi %mul3A_0, %arg0 : i32
    %mul3A_1 = arith.constant 512 : i32
    %mul3A_2 = arith.muli %add3A, %mul3A_1 : i32
    %add3A_3 = arith.constant 0 : i32
    %add3A_4 = arith.addi %mul3A_2, %add3A_3 : i32
    %dma_start3A = arith.constant 0 : i32
    %dma_start3A_5 = arith.constant 0 : i32
    %dma_start3A_6 = tpu.memref_slice %arg2[%add3A_4, %dma_start3A_5] : memref<16384x2048xf32, #tpu.memory_space<hbm>> -> memref<16x2048xf32, #tpu.memory_space<hbm>>
    %dma_start3A_7 = tpu.memref_slice %arg7[%dma_start3A] : memref<3x!tpu.dma_semaphore, #tpu.memory_space<semaphore_mem>> -> memref<1x!tpu.dma_semaphore, #tpu.memory_space<semaphore_mem>>
    %dma_start3A_8 = tpu.memref_squeeze %dma_start3A_7 : memref<1x!tpu.dma_semaphore, #tpu.memory_space<semaphore_mem>> -> memref<!tpu.dma_semaphore, #tpu.memory_space<semaphore_mem>>
    %dma_start3A_9 = arith.constant 0 : i32
    %dma_start3A_10 = tpu.memref_slice %arg2[%add3A_4, %dma_start3A_9] : memref<16384x2048xf32, #tpu.memory_space<hbm>> -> memref<16x2048xf32, #tpu.memory_space<hbm>>
    tpu.enqueue_dma source(%dma_start3A_10 : memref<16x2048xf32, #tpu.memory_space<hbm>>) target(%arg4 : memref<16x2048xf32, #tpu.memory_space<vmem>>) target_semaphore(%dma_start3A_8 : memref<!tpu.dma_semaphore, #tpu.memory_space<semaphore_mem>>)
    %add3A_11 = arith.constant 16 : i32
    %add3A_12 = arith.addi %mul3A_2, %add3A_11 : i32
    %dma_start3A_13 = arith.constant 1 : i32
    %dma_start3A_14 = arith.constant 0 : i32
    %dma_start3A_15 = tpu.memref_slice %arg2[%add3A_12, %dma_start3A_14] : memref<16384x2048xf32, #tpu.memory_space<hbm>> -> memref<16x2048xf32, #tpu.memory_space<hbm>>
    %dma_start3A_16 = tpu.memref_slice %arg7[%dma_start3A_13] : memref<3x!tpu.dma_semaphore, #tpu.memory_space<semaphore_mem>> -> memref<1x!tpu.dma_semaphore, #tpu.memory_space<semaphore_mem>>
    %dma_start3A_17 = tpu.memref_squeeze %dma_start3A_16 : memref<1x!tpu.dma_semaphore, #tpu.memory_space<semaphore_mem>> -> memref<!tpu.dma_semaphore, #tpu.memory_space<semaphore_mem>>
    %dma_start3A_18 = arith.constant 0 : i32
    %dma_start3A_19 = tpu.memref_slice %arg2[%add3A_12, %dma_start3A_18] : memref<16384x2048xf32, #tpu.memory_space<hbm>> -> memref<16x2048xf32, #tpu.memory_space<hbm>>
    tpu.enqueue_dma source(%dma_start3A_19 : memref<16x2048xf32, #tpu.memory_space<hbm>>) target(%arg5 : memref<16x2048xf32, #tpu.memory_space<vmem>>) target_semaphore(%dma_start3A_17 : memref<!tpu.dma_semaphore, #tpu.memory_space<semaphore_mem>>)
    %add3A_20 = arith.constant 32 : i32
    %add3A_21 = arith.addi %mul3A_2, %add3A_20 : i32
    %dma_start3A_22 = arith.constant 2 : i32
    %dma_start3A_23 = arith.constant 0 : i32
    %dma_start3A_24 = tpu.memref_slice %arg2[%add3A_21, %dma_start3A_23] : memref<16384x2048xf32, #tpu.memory_space<hbm>> -> memref<16x2048xf32, #tpu.memory_space<hbm>>
    %dma_start3A_25 = tpu.memref_slice %arg7[%dma_start3A_22] : memref<3x!tpu.dma_semaphore, #tpu.memory_space<semaphore_mem>> -> memref<1x!tpu.dma_semaphore, #tpu.memory_space<semaphore_mem>>
    %dma_start3A_26 = tpu.memref_squeeze %dma_start3A_25 : memref<1x!tpu.dma_semaphore, #tpu.memory_space<semaphore_mem>> -> memref<!tpu.dma_semaphore, #tpu.memory_space<semaphore_mem>>
    %dma_start3A_27 = arith.constant 0 : i32
    %dma_start3A_28 = tpu.memref_slice %arg2[%add3A_21, %dma_start3A_27] : memref<16384x2048xf32, #tpu.memory_space<hbm>> -> memref<16x2048xf32, #tpu.memory_space<hbm>>
    tpu.enqueue_dma source(%dma_start3A_28 : memref<16x2048xf32, #tpu.memory_space<hbm>>) target(%arg6 : memref<16x2048xf32, #tpu.memory_space<vmem>>) target_semaphore(%dma_start3A_26 : memref<!tpu.dma_semaphore, #tpu.memory_space<semaphore_mem>>)
    %add3A_29 = arith.constant 0 : i32
    %add3A_30 = arith.addi %mul3A_2, %add3A_29 : i32
    %dma_wait3A = arith.constant 0 : i32
    %dma_wait3A_31 = arith.constant 0 : i32
    %dma_wait3A_32 = tpu.memref_slice %arg2[%add3A_30, %dma_wait3A_31] : memref<16384x2048xf32, #tpu.memory_space<hbm>> -> memref<16x2048xf32, #tpu.memory_space<hbm>>
    %dma_wait3A_33 = tpu.memref_slice %arg7[%dma_wait3A] : memref<3x!tpu.dma_semaphore, #tpu.memory_space<semaphore_mem>> -> memref<1x!tpu.dma_semaphore, #tpu.memory_space<semaphore_mem>>
    %dma_wait3A_34 = tpu.memref_squeeze %dma_wait3A_33 : memref<1x!tpu.dma_semaphore, #tpu.memory_space<semaphore_mem>> -> memref<!tpu.dma_semaphore, #tpu.memory_space<semaphore_mem>>
    %dma_wait3A_35 = arith.constant 0 : i32
    %dma_wait3A_36 = tpu.memref_slice %arg2[%add3A_30, %dma_wait3A_35] : memref<16384x2048xf32, #tpu.memory_space<hbm>> -> memref<16x2048xf32, #tpu.memory_space<hbm>>
    tpu.wait_dma2 semaphore(%dma_wait3A_34 : memref<!tpu.dma_semaphore, #tpu.memory_space<semaphore_mem>>) src(%dma_wait3A_36 : memref<16x2048xf32, #tpu.memory_space<hbm>>) dst(%arg4 : memref<16x2048xf32, #tpu.memory_space<vmem>>)
    %add3A_37 = arith.constant 0 : i32
    %add3A_38 = arith.addi %mul3A_2, %add3A_37 : i32
    %dma_start3A_39 = arith.constant 0 : i32
    %dma_start3A_40 = arith.constant 0 : i32
    %dma_start3A_41 = tpu.memref_slice %arg3[%add3A_38, %dma_start3A_40] : memref<16384x2048xf32, #tpu.memory_space<hbm>> -> memref<16x2048xf32, #tpu.memory_space<hbm>>
    %dma_start3A_42 = tpu.memref_slice %arg8[%dma_start3A_39] : memref<3x!tpu.dma_semaphore, #tpu.memory_space<semaphore_mem>> -> memref<1x!tpu.dma_semaphore, #tpu.memory_space<semaphore_mem>>
    %dma_start3A_43 = tpu.memref_squeeze %dma_start3A_42 : memref<1x!tpu.dma_semaphore, #tpu.memory_space<semaphore_mem>> -> memref<!tpu.dma_semaphore, #tpu.memory_space<semaphore_mem>>
    %dma_start3A_44 = arith.constant 0 : i32
    %dma_start3A_45 = tpu.memref_slice %arg3[%add3A_38, %dma_start3A_44] : memref<16384x2048xf32, #tpu.memory_space<hbm>> -> memref<16x2048xf32, #tpu.memory_space<hbm>>
    tpu.enqueue_dma source(%arg4 : memref<16x2048xf32, #tpu.memory_space<vmem>>) target(%dma_start3A_45 : memref<16x2048xf32, #tpu.memory_space<hbm>>) target_semaphore(%dma_start3A_43 : memref<!tpu.dma_semaphore, #tpu.memory_space<semaphore_mem>>)
    %add3A_46 = arith.constant 16 : i32
    %add3A_47 = arith.addi %mul3A_2, %add3A_46 : i32
    %dma_wait3A_48 = arith.constant 1 : i32
    %dma_wait3A_49 = arith.constant 0 : i32
    %dma_wait3A_50 = tpu.memref_slice %arg2[%add3A_47, %dma_wait3A_49] : memref<16384x2048xf32, #tpu.memory_space<hbm>> -> memref<16x2048xf32, #tpu.memory_space<hbm>>
    %dma_wait3A_51 = tpu.memref_slice %arg7[%dma_wait3A_48] : memref<3x!tpu.dma_semaphore, #tpu.memory_space<semaphore_mem>> -> memref<1x!tpu.dma_semaphore, #tpu.memory_space<semaphore_mem>>
    %dma_wait3A_52 = tpu.memref_squeeze %dma_wait3A_51 : memref<1x!tpu.dma_semaphore, #tpu.memory_space<semaphore_mem>> -> memref<!tpu.dma_semaphore, #tpu.memory_space<semaphore_mem>>
    %dma_wait3A_53 = arith.constant 0 : i32
    %dma_wait3A_54 = tpu.memref_slice %arg2[%add3A_47, %dma_wait3A_53] : memref<16384x2048xf32, #tpu.memory_space<hbm>> -> memref<16x2048xf32, #tpu.memory_space<hbm>>
    tpu.wait_dma2 semaphore(%dma_wait3A_52 : memref<!tpu.dma_semaphore, #tpu.memory_space<semaphore_mem>>) src(%dma_wait3A_54 : memref<16x2048xf32, #tpu.memory_space<hbm>>) dst(%arg5 : memref<16x2048xf32, #tpu.memory_space<vmem>>)
    %add3A_55 = arith.constant 16 : i32
    %add3A_56 = arith.addi %mul3A_2, %add3A_55 : i32
    %dma_start3A_57 = arith.constant 1 : i32
    %dma_start3A_58 = arith.constant 0 : i32
    %dma_start3A_59 = tpu.memref_slice %arg3[%add3A_56, %dma_start3A_58] : memref<16384x2048xf32, #tpu.memory_space<hbm>> -> memref<16x2048xf32, #tpu.memory_space<hbm>>
    %dma_start3A_60 = tpu.memref_slice %arg8[%dma_start3A_57] : memref<3x!tpu.dma_semaphore, #tpu.memory_space<semaphore_mem>> -> memref<1x!tpu.dma_semaphore, #tpu.memory_space<semaphore_mem>>
    %dma_start3A_61 = tpu.memref_squeeze %dma_start3A_60 : memref<1x!tpu.dma_semaphore, #tpu.memory_space<semaphore_mem>> -> memref<!tpu.dma_semaphore, #tpu.memory_space<semaphore_mem>>
    %dma_start3A_62 = arith.constant 0 : i32
    %dma_start3A_63 = tpu.memref_slice %arg3[%add3A_56, %dma_start3A_62] : memref<16384x2048xf32, #tpu.memory_space<hbm>> -> memref<16x2048xf32, #tpu.memory_space<hbm>>
    tpu.enqueue_dma source(%arg5 : memref<16x2048xf32, #tpu.memory_space<vmem>>) target(%dma_start3A_63 : memref<16x2048xf32, #tpu.memory_space<hbm>>) target_semaphore(%dma_start3A_61 : memref<!tpu.dma_semaphore, #tpu.memory_space<semaphore_mem>>)
    %add3A_64 = arith.constant 32 : i32
    %add3A_65 = arith.addi %mul3A_2, %add3A_64 : i32
    %dma_wait3A_66 = arith.constant 2 : i32
    %dma_wait3A_67 = arith.constant 0 : i32
    %dma_wait3A_68 = tpu.memref_slice %arg2[%add3A_65, %dma_wait3A_67] : memref<16384x2048xf32, #tpu.memory_space<hbm>> -> memref<16x2048xf32, #tpu.memory_space<hbm>>
    %dma_wait3A_69 = tpu.memref_slice %arg7[%dma_wait3A_66] : memref<3x!tpu.dma_semaphore, #tpu.memory_space<semaphore_mem>> -> memref<1x!tpu.dma_semaphore, #tpu.memory_space<semaphore_mem>>
    %dma_wait3A_70 = tpu.memref_squeeze %dma_wait3A_69 : memref<1x!tpu.dma_semaphore, #tpu.memory_space<semaphore_mem>> -> memref<!tpu.dma_semaphore, #tpu.memory_space<semaphore_mem>>
    %dma_wait3A_71 = arith.constant 0 : i32
    %dma_wait3A_72 = tpu.memref_slice %arg2[%add3A_65, %dma_wait3A_71] : memref<16384x2048xf32, #tpu.memory_space<hbm>> -> memref<16x2048xf32, #tpu.memory_space<hbm>>
    tpu.wait_dma2 semaphore(%dma_wait3A_70 : memref<!tpu.dma_semaphore, #tpu.memory_space<semaphore_mem>>) src(%dma_wait3A_72 : memref<16x2048xf32, #tpu.memory_space<hbm>>) dst(%arg6 : memref<16x2048xf32, #tpu.memory_space<vmem>>)
    %add3A_73 = arith.constant 32 : i32
    %add3A_74 = arith.addi %mul3A_2, %add3A_73 : i32
    %dma_start3A_75 = arith.constant 2 : i32
    %dma_start3A_76 = arith.constant 0 : i32
    %dma_start3A_77 = tpu.memref_slice %arg3[%add3A_74, %dma_start3A_76] : memref<16384x2048xf32, #tpu.memory_space<hbm>> -> memref<16x2048xf32, #tpu.memory_space<hbm>>
    %dma_start3A_78 = tpu.memref_slice %arg8[%dma_start3A_75] : memref<3x!tpu.dma_semaphore, #tpu.memory_space<semaphore_mem>> -> memref<1x!tpu.dma_semaphore, #tpu.memory_space<semaphore_mem>>
    %dma_start3A_79 = tpu.memref_squeeze %dma_start3A_78 : memref<1x!tpu.dma_semaphore, #tpu.memory_space<semaphore_mem>> -> memref<!tpu.dma_semaphore, #tpu.memory_space<semaphore_mem>>
    %dma_start3A_80 = arith.constant 0 : i32
    %dma_start3A_81 = tpu.memref_slice %arg3[%add3A_74, %dma_start3A_80] : memref<16384x2048xf32, #tpu.memory_space<hbm>> -> memref<16x2048xf32, #tpu.memory_space<hbm>>
    tpu.enqueue_dma source(%arg6 : memref<16x2048xf32, #tpu.memory_space<vmem>>) target(%dma_start3A_81 : memref<16x2048xf32, #tpu.memory_space<hbm>>) target_semaphore(%dma_start3A_79 : memref<!tpu.dma_semaphore, #tpu.memory_space<semaphore_mem>>)
    %add3A_82 = arith.constant 0 : i32
    %add3A_83 = arith.addi %mul3A_2, %add3A_82 : i32
    %dma_wait3A_84 = arith.constant 0 : i32
    %dma_wait3A_85 = arith.constant 0 : i32
    %dma_wait3A_86 = tpu.memref_slice %arg3[%add3A_83, %dma_wait3A_85] : memref<16384x2048xf32, #tpu.memory_space<hbm>> -> memref<16x2048xf32, #tpu.memory_space<hbm>>
    %dma_wait3A_87 = tpu.memref_slice %arg8[%dma_wait3A_84] : memref<3x!tpu.dma_semaphore, #tpu.memory_space<semaphore_mem>> -> memref<1x!tpu.dma_semaphore, #tpu.memory_space<semaphore_mem>>
    %dma_wait3A_88 = tpu.memref_squeeze %dma_wait3A_87 : memref<1x!tpu.dma_semaphore, #tpu.memory_space<semaphore_mem>> -> memref<!tpu.dma_semaphore, #tpu.memory_space<semaphore_mem>>
    %dma_wait3A_89 = arith.constant 0 : i32
    %dma_wait3A_90 = tpu.memref_slice %arg3[%add3A_83, %dma_wait3A_89] : memref<16384x2048xf32, #tpu.memory_space<hbm>> -> memref<16x2048xf32, #tpu.memory_space<hbm>>
    tpu.wait_dma2 semaphore(%dma_wait3A_88 : memref<!tpu.dma_semaphore, #tpu.memory_space<semaphore_mem>>) src(%arg4 : memref<16x2048xf32, #tpu.memory_space<vmem>>) dst(%dma_wait3A_90 : memref<16x2048xf32, #tpu.memory_space<hbm>>)
    %add3A_91 = arith.constant 48 : i32
    %add3A_92 = arith.addi %mul3A_2, %add3A_91 : i32
    %dma_start3A_93 = arith.constant 0 : i32
    %dma_start3A_94 = arith.constant 0 : i32
    %dma_start3A_95 = tpu.memref_slice %arg2[%add3A_92, %dma_start3A_94] : memref<16384x2048xf32, #tpu.memory_space<hbm>> -> memref<16x2048xf32, #tpu.memory_space<hbm>>
    %dma_start3A_96 = tpu.memref_slice %arg7[%dma_start3A_93] : memref<3x!tpu.dma_semaphore, #tpu.memory_space<semaphore_mem>> -> memref<1x!tpu.dma_semaphore, #tpu.memory_space<semaphore_mem>>
    %dma_start3A_97 = tpu.memref_squeeze %dma_start3A_96 : memref<1x!tpu.dma_semaphore, #tpu.memory_space<semaphore_mem>> -> memref<!tpu.dma_semaphore, #tpu.memory_space<semaphore_mem>>
    %dma_start3A_98 = arith.constant 0 : i32
    %dma_start3A_99 = tpu.memref_slice %arg2[%add3A_92, %dma_start3A_98] : memref<16384x2048xf32, #tpu.memory_space<hbm>> -> memref<16x2048xf32, #tpu.memory_space<hbm>>
    tpu.enqueue_dma source(%dma_start3A_99 : memref<16x2048xf32, #tpu.memory_space<hbm>>) target(%arg4 : memref<16x2048xf32, #tpu.memory_space<vmem>>) target_semaphore(%dma_start3A_97 : memref<!tpu.dma_semaphore, #tpu.memory_space<semaphore_mem>>)
    %add3A_100 = arith.constant 48 : i32
    %add3A_101 = arith.addi %mul3A_2, %add3A_100 : i32
    %dma_wait3A_102 = arith.constant 0 : i32
    %dma_wait3A_103 = arith.constant 0 : i32
    %dma_wait3A_104 = tpu.memref_slice %arg2[%add3A_101, %dma_wait3A_103] : memref<16384x2048xf32, #tpu.memory_space<hbm>> -> memref<16x2048xf32, #tpu.memory_space<hbm>>
    %dma_wait3A_105 = tpu.memref_slice %arg7[%dma_wait3A_102] : memref<3x!tpu.dma_semaphore, #tpu.memory_space<semaphore_mem>> -> memref<1x!tpu.dma_semaphore, #tpu.memory_space<semaphore_mem>>
    %dma_wait3A_106 = tpu.memref_squeeze %dma_wait3A_105 : memref<1x!tpu.dma_semaphore, #tpu.memory_space<semaphore_mem>> -> memref<!tpu.dma_semaphore, #tpu.memory_space<semaphore_mem>>
    %dma_wait3A_107 = arith.constant 0 : i32
    %dma_wait3A_108 = tpu.memref_slice %arg2[%add3A_101, %dma_wait3A_107] : memref<16384x2048xf32, #tpu.memory_space<hbm>> -> memref<16x2048xf32, #tpu.memory_space<hbm>>
    tpu.wait_dma2 semaphore(%dma_wait3A_106 : memref<!tpu.dma_semaphore, #tpu.memory_space<semaphore_mem>>) src(%dma_wait3A_108 : memref<16x2048xf32, #tpu.memory_space<hbm>>) dst(%arg4 : memref<16x2048xf32, #tpu.memory_space<vmem>>)
    %add3A_109 = arith.constant 48 : i32
    %add3A_110 = arith.addi %mul3A_2, %add3A_109 : i32
    %dma_start3A_111 = arith.constant 0 : i32
    %dma_start3A_112 = arith.constant 0 : i32
    %dma_start3A_113 = tpu.memref_slice %arg3[%add3A_110, %dma_start3A_112] : memref<16384x2048xf32, #tpu.memory_space<hbm>> -> memref<16x2048xf32, #tpu.memory_space<hbm>>
    %dma_start3A_114 = tpu.memref_slice %arg8[%dma_start3A_111] : memref<3x!tpu.dma_semaphore, #tpu.memory_space<semaphore_mem>> -> memref<1x!tpu.dma_semaphore, #tpu.memory_space<semaphore_mem>>
    %dma_start3A_115 = tpu.memref_squeeze %dma_start3A_114 : memref<1x!tpu.dma_semaphore, #tpu.memory_space<semaphore_mem>> -> memref<!tpu.dma_semaphore, #tpu.memory_space<semaphore_mem>>
    %dma_start3A_116 = arith.constant 0 : i32
    %dma_start3A_117 = tpu.memref_slice %arg3[%add3A_110, %dma_start3A_116] : memref<16384x2048xf32, #tpu.memory_space<hbm>> -> memref<16x2048xf32, #tpu.memory_space<hbm>>
    tpu.enqueue_dma source(%arg4 : memref<16x2048xf32, #tpu.memory_space<vmem>>) target(%dma_start3A_117 : memref<16x2048xf32, #tpu.memory_space<hbm>>) target_semaphore(%dma_start3A_115 : memref<!tpu.dma_semaphore, #tpu.memory_space<semaphore_mem>>)
    %add3A_118 = arith.constant 16 : i32
    %add3A_119 = arith.addi %mul3A_2, %add3A_118 : i32
    %dma_wait3A_120 = arith.constant 1 : i32
    %dma_wait3A_121 = arith.constant 0 : i32
    %dma_wait3A_122 = tpu.memref_slice %arg3[%add3A_119, %dma_wait3A_121] : memref<16384x2048xf32, #tpu.memory_space<hbm>> -> memref<16x2048xf32, #tpu.memory_space<hbm>>
    %dma_wait3A_123 = tpu.memref_slice %arg8[%dma_wait3A_120] : memref<3x!tpu.dma_semaphore, #tpu.memory_space<semaphore_mem>> -> memref<1x!tpu.dma_semaphore, #tpu.memory_space<semaphore_mem>>
    %dma_wait3A_124 = tpu.memref_squeeze %dma_wait3A_123 : memref<1x!tpu.dma_semaphore, #tpu.memory_space<semaphore_mem>> -> memref<!tpu.dma_semaphore, #tpu.memory_space<semaphore_mem>>
    %dma_wait3A_125 = arith.constant 0 : i32
    %dma_wait3A_126 = tpu.memref_slice %arg3[%add3A_119, %dma_wait3A_125] : memref<16384x2048xf32, #tpu.memory_space<hbm>> -> memref<16x2048xf32, #tpu.memory_space<hbm>>
    tpu.wait_dma2 semaphore(%dma_wait3A_124 : memref<!tpu.dma_semaphore, #tpu.memory_space<semaphore_mem>>) src(%arg5 : memref<16x2048xf32, #tpu.memory_space<vmem>>) dst(%dma_wait3A_126 : memref<16x2048xf32, #tpu.memory_space<hbm>>)
    %add3A_127 = arith.constant 64 : i32
    %add3A_128 = arith.addi %mul3A_2, %add3A_127 : i32
    %dma_start3A_129 = arith.constant 1 : i32
    %dma_start3A_130 = arith.constant 0 : i32
    %dma_start3A_131 = tpu.memref_slice %arg2[%add3A_128, %dma_start3A_130] : memref<16384x2048xf32, #tpu.memory_space<hbm>> -> memref<16x2048xf32, #tpu.memory_space<hbm>>
    %dma_start3A_132 = tpu.memref_slice %arg7[%dma_start3A_129] : memref<3x!tpu.dma_semaphore, #tpu.memory_space<semaphore_mem>> -> memref<1x!tpu.dma_semaphore, #tpu.memory_space<semaphore_mem>>
    %dma_start3A_133 = tpu.memref_squeeze %dma_start3A_132 : memref<1x!tpu.dma_semaphore, #tpu.memory_space<semaphore_mem>> -> memref<!tpu.dma_semaphore, #tpu.memory_space<semaphore_mem>>
    %dma_start3A_134 = arith.constant 0 : i32
    %dma_start3A_135 = tpu.memref_slice %arg2[%add3A_128, %dma_start3A_134] : memref<16384x2048xf32, #tpu.memory_space<hbm>> -> memref<16x2048xf32, #tpu.memory_space<hbm>>
    tpu.enqueue_dma source(%dma_start3A_135 : memref<16x2048xf32, #tpu.memory_space<hbm>>) target(%arg5 : memref<16x2048xf32, #tpu.memory_space<vmem>>) target_semaphore(%dma_start3A_133 : memref<!tpu.dma_semaphore, #tpu.memory_space<semaphore_mem>>)
    %add3A_136 = arith.constant 64 : i32
    %add3A_137 = arith.addi %mul3A_2, %add3A_136 : i32
    %dma_wait3A_138 = arith.constant 1 : i32
    %dma_wait3A_139 = arith.constant 0 : i32
    %dma_wait3A_140 = tpu.memref_slice %arg2[%add3A_137, %dma_wait3A_139] : memref<16384x2048xf32, #tpu.memory_space<hbm>> -> memref<16x2048xf32, #tpu.memory_space<hbm>>
    %dma_wait3A_141 = tpu.memref_slice %arg7[%dma_wait3A_138] : memref<3x!tpu.dma_semaphore, #tpu.memory_space<semaphore_mem>> -> memref<1x!tpu.dma_semaphore, #tpu.memory_space<semaphore_mem>>
    %dma_wait3A_142 = tpu.memref_squeeze %dma_wait3A_141 : memref<1x!tpu.dma_semaphore, #tpu.memory_space<semaphore_mem>> -> memref<!tpu.dma_semaphore, #tpu.memory_space<semaphore_mem>>
    %dma_wait3A_143 = arith.constant 0 : i32
    %dma_wait3A_144 = tpu.memref_slice %arg2[%add3A_137, %dma_wait3A_143] : memref<16384x2048xf32, #tpu.memory_space<hbm>> -> memref<16x2048xf32, #tpu.memory_space<hbm>>
    tpu.wait_dma2 semaphore(%dma_wait3A_142 : memref<!tpu.dma_semaphore, #tpu.memory_space<semaphore_mem>>) src(%dma_wait3A_144 : memref<16x2048xf32, #tpu.memory_space<hbm>>) dst(%arg5 : memref<16x2048xf32, #tpu.memory_space<vmem>>)
    %add3A_145 = arith.constant 64 : i32
    %add3A_146 = arith.addi %mul3A_2, %add3A_145 : i32
    %dma_start3A_147 = arith.constant 1 : i32
    %dma_start3A_148 = arith.constant 0 : i32
    %dma_start3A_149 = tpu.memref_slice %arg3[%add3A_146, %dma_start3A_148] : memref<16384x2048xf32, #tpu.memory_space<hbm>> -> memref<16x2048xf32, #tpu.memory_space<hbm>>
    %dma_start3A_150 = tpu.memref_slice %arg8[%dma_start3A_147] : memref<3x!tpu.dma_semaphore, #tpu.memory_space<semaphore_mem>> -> memref<1x!tpu.dma_semaphore, #tpu.memory_space<semaphore_mem>>
    %dma_start3A_151 = tpu.memref_squeeze %dma_start3A_150 : memref<1x!tpu.dma_semaphore, #tpu.memory_space<semaphore_mem>> -> memref<!tpu.dma_semaphore, #tpu.memory_space<semaphore_mem>>
    %dma_start3A_152 = arith.constant 0 : i32
    %dma_start3A_153 = tpu.memref_slice %arg3[%add3A_146, %dma_start3A_152] : memref<16384x2048xf32, #tpu.memory_space<hbm>> -> memref<16x2048xf32, #tpu.memory_space<hbm>>
    tpu.enqueue_dma source(%arg5 : memref<16x2048xf32, #tpu.memory_space<vmem>>) target(%dma_start3A_153 : memref<16x2048xf32, #tpu.memory_space<hbm>>) target_semaphore(%dma_start3A_151 : memref<!tpu.dma_semaphore, #tpu.memory_space<semaphore_mem>>)
    %add3A_154 = arith.constant 32 : i32
    %add3A_155 = arith.addi %mul3A_2, %add3A_154 : i32
    %dma_wait3A_156 = arith.constant 2 : i32
    %dma_wait3A_157 = arith.constant 0 : i32
    %dma_wait3A_158 = tpu.memref_slice %arg3[%add3A_155, %dma_wait3A_157] : memref<16384x2048xf32, #tpu.memory_space<hbm>> -> memref<16x2048xf32, #tpu.memory_space<hbm>>
    %dma_wait3A_159 = tpu.memref_slice %arg8[%dma_wait3A_156] : memref<3x!tpu.dma_semaphore, #tpu.memory_space<semaphore_mem>> -> memref<1x!tpu.dma_semaphore, #tpu.memory_space<semaphore_mem>>
    %dma_wait3A_160 = tpu.memref_squeeze %dma_wait3A_159 : memref<1x!tpu.dma_semaphore, #tpu.memory_space<semaphore_mem>> -> memref<!tpu.dma_semaphore, #tpu.memory_space<semaphore_mem>>
    %dma_wait3A_161 = arith.constant 0 : i32
    %dma_wait3A_162 = tpu.memref_slice %arg3[%add3A_155, %dma_wait3A_161] : memref<16384x2048xf32, #tpu.memory_space<hbm>> -> memref<16x2048xf32, #tpu.memory_space<hbm>>
    tpu.wait_dma2 semaphore(%dma_wait3A_160 : memref<!tpu.dma_semaphore, #tpu.memory_space<semaphore_mem>>) src(%arg6 : memref<16x2048xf32, #tpu.memory_space<vmem>>) dst(%dma_wait3A_162 : memref<16x2048xf32, #tpu.memory_space<hbm>>)
    %add3A_163 = arith.constant 80 : i32
    %add3A_164 = arith.addi %mul3A_2, %add3A_163 : i32
    %dma_start3A_165 = arith.constant 2 : i32
    %dma_start3A_166 = arith.constant 0 : i32
    %dma_start3A_167 = tpu.memref_slice %arg2[%add3A_164, %dma_start3A_166] : memref<16384x2048xf32, #tpu.memory_space<hbm>> -> memref<16x2048xf32, #tpu.memory_space<hbm>>
    %dma_start3A_168 = tpu.memref_slice %arg7[%dma_start3A_165] : memref<3x!tpu.dma_semaphore, #tpu.memory_space<semaphore_mem>> -> memref<1x!tpu.dma_semaphore, #tpu.memory_space<semaphore_mem>>
    %dma_start3A_169 = tpu.memref_squeeze %dma_start3A_168 : memref<1x!tpu.dma_semaphore, #tpu.memory_space<semaphore_mem>> -> memref<!tpu.dma_semaphore, #tpu.memory_space<semaphore_mem>>
    %dma_start3A_170 = arith.constant 0 : i32
    %dma_start3A_171 = tpu.memref_slice %arg2[%add3A_164, %dma_start3A_170] : memref<16384x2048xf32, #tpu.memory_space<hbm>> -> memref<16x2048xf32, #tpu.memory_space<hbm>>
    tpu.enqueue_dma source(%dma_start3A_171 : memref<16x2048xf32, #tpu.memory_space<hbm>>) target(%arg6 : memref<16x2048xf32, #tpu.memory_space<vmem>>) target_semaphore(%dma_start3A_169 : memref<!tpu.dma_semaphore, #tpu.memory_space<semaphore_mem>>)
    %add3A_172 = arith.constant 80 : i32
    %add3A_173 = arith.addi %mul3A_2, %add3A_172 : i32
    %dma_wait3A_174 = arith.constant 2 : i32
    %dma_wait3A_175 = arith.constant 0 : i32
    %dma_wait3A_176 = tpu.memref_slice %arg2[%add3A_173, %dma_wait3A_175] : memref<16384x2048xf32, #tpu.memory_space<hbm>> -> memref<16x2048xf32, #tpu.memory_space<hbm>>
    %dma_wait3A_177 = tpu.memref_slice %arg7[%dma_wait3A_174] : memref<3x!tpu.dma_semaphore, #tpu.memory_space<semaphore_mem>> -> memref<1x!tpu.dma_semaphore, #tpu.memory_space<semaphore_mem>>
    %dma_wait3A_178 = tpu.memref_squeeze %dma_wait3A_177 : memref<1x!tpu.dma_semaphore, #tpu.memory_space<semaphore_mem>> -> memref<!tpu.dma_semaphore, #tpu.memory_space<semaphore_mem>>
    %dma_wait3A_179 = arith.constant 0 : i32
    %dma_wait3A_180 = tpu.memref_slice %arg2[%add3A_173, %dma_wait3A_179] : memref<16384x2048xf32, #tpu.memory_space<hbm>> -> memref<16x2048xf32, #tpu.memory_space<hbm>>
    tpu.wait_dma2 semaphore(%dma_wait3A_178 : memref<!tpu.dma_semaphore, #tpu.memory_space<semaphore_mem>>) src(%dma_wait3A_180 : memref<16x2048xf32, #tpu.memory_space<hbm>>) dst(%arg6 : memref<16x2048xf32, #tpu.memory_space<vmem>>)
    %add3A_181 = arith.constant 80 : i32
    %add3A_182 = arith.addi %mul3A_2, %add3A_181 : i32
    %dma_start3A_183 = arith.constant 2 : i32
    %dma_start3A_184 = arith.constant 0 : i32
    %dma_start3A_185 = tpu.memref_slice %arg3[%add3A_182, %dma_start3A_184] : memref<16384x2048xf32, #tpu.memory_space<hbm>> -> memref<16x2048xf32, #tpu.memory_space<hbm>>
    %dma_start3A_186 = tpu.memref_slice %arg8[%dma_start3A_183] : memref<3x!tpu.dma_semaphore, #tpu.memory_space<semaphore_mem>> -> memref<1x!tpu.dma_semaphore, #tpu.memory_space<semaphore_mem>>
    %dma_start3A_187 = tpu.memref_squeeze %dma_start3A_186 : memref<1x!tpu.dma_semaphore, #tpu.memory_space<semaphore_mem>> -> memref<!tpu.dma_semaphore, #tpu.memory_space<semaphore_mem>>
    %dma_start3A_188 = arith.constant 0 : i32
    %dma_start3A_189 = tpu.memref_slice %arg3[%add3A_182, %dma_start3A_188] : memref<16384x2048xf32, #tpu.memory_space<hbm>> -> memref<16x2048xf32, #tpu.memory_space<hbm>>
    tpu.enqueue_dma source(%arg6 : memref<16x2048xf32, #tpu.memory_space<vmem>>) target(%dma_start3A_189 : memref<16x2048xf32, #tpu.memory_space<hbm>>) target_semaphore(%dma_start3A_187 : memref<!tpu.dma_semaphore, #tpu.memory_space<semaphore_mem>>)
    %add3A_190 = arith.constant 48 : i32
    %add3A_191 = arith.addi %mul3A_2, %add3A_190 : i32
    %dma_wait3A_192 = arith.constant 0 : i32
    %dma_wait3A_193 = arith.constant 0 : i32
    %dma_wait3A_194 = tpu.memref_slice %arg3[%add3A_191, %dma_wait3A_193] : memref<16384x2048xf32, #tpu.memory_space<hbm>> -> memref<16x2048xf32, #tpu.memory_space<hbm>>
    %dma_wait3A_195 = tpu.memref_slice %arg8[%dma_wait3A_192] : memref<3x!tpu.dma_semaphore, #tpu.memory_space<semaphore_mem>> -> memref<1x!tpu.dma_semaphore, #tpu.memory_space<semaphore_mem>>
    %dma_wait3A_196 = tpu.memref_squeeze %dma_wait3A_195 : memref<1x!tpu.dma_semaphore, #tpu.memory_space<semaphore_mem>> -> memref<!tpu.dma_semaphore, #tpu.memory_space<semaphore_mem>>
    %dma_wait3A_197 = arith.constant 0 : i32
    %dma_wait3A_198 = tpu.memref_slice %arg3[%add3A_191, %dma_wait3A_197] : memref<16384x2048xf32, #tpu.memory_space<hbm>> -> memref<16x2048xf32, #tpu.memory_space<hbm>>
    tpu.wait_dma2 semaphore(%dma_wait3A_196 : memref<!tpu.dma_semaphore, #tpu.memory_space<semaphore_mem>>) src(%arg4 : memref<16x2048xf32, #tpu.memory_space<vmem>>) dst(%dma_wait3A_198 : memref<16x2048xf32, #tpu.memory_space<hbm>>)
    %add3A_199 = arith.constant 96 : i32
    %add3A_200 = arith.addi %mul3A_2, %add3A_199 : i32
    %dma_start3A_201 = arith.constant 0 : i32
    %dma_start3A_202 = arith.constant 0 : i32
    %dma_start3A_203 = tpu.memref_slice %arg2[%add3A_200, %dma_start3A_202] : memref<16384x2048xf32, #tpu.memory_space<hbm>> -> memref<16x2048xf32, #tpu.memory_space<hbm>>
    %dma_start3A_204 = tpu.memref_slice %arg7[%dma_start3A_201] : memref<3x!tpu.dma_semaphore, #tpu.memory_space<semaphore_mem>> -> memref<1x!tpu.dma_semaphore, #tpu.memory_space<semaphore_mem>>
    %dma_start3A_205 = tpu.memref_squeeze %dma_start3A_204 : memref<1x!tpu.dma_semaphore, #tpu.memory_space<semaphore_mem>> -> memref<!tpu.dma_semaphore, #tpu.memory_space<semaphore_mem>>
    %dma_start3A_206 = arith.constant 0 : i32
    %dma_start3A_207 = tpu.memref_slice %arg2[%add3A_200, %dma_start3A_206] : memref<16384x2048xf32, #tpu.memory_space<hbm>> -> memref<16x2048xf32, #tpu.memory_space<hbm>>
    tpu.enqueue_dma source(%dma_start3A_207 : memref<16x2048xf32, #tpu.memory_space<hbm>>) target(%arg4 : memref<16x2048xf32, #tpu.memory_space<vmem>>) target_semaphore(%dma_start3A_205 : memref<!tpu.dma_semaphore, #tpu.memory_space<semaphore_mem>>)
    %add3A_208 = arith.constant 96 : i32
    %add3A_209 = arith.addi %mul3A_2, %add3A_208 : i32
    %dma_wait3A_210 = arith.constant 0 : i32
    %dma_wait3A_211 = arith.constant 0 : i32
    %dma_wait3A_212 = tpu.memref_slice %arg2[%add3A_209, %dma_wait3A_211] : memref<16384x2048xf32, #tpu.memory_space<hbm>> -> memref<16x2048xf32, #tpu.memory_space<hbm>>
    %dma_wait3A_213 = tpu.memref_slice %arg7[%dma_wait3A_210] : memref<3x!tpu.dma_semaphore, #tpu.memory_space<semaphore_mem>> -> memref<1x!tpu.dma_semaphore, #tpu.memory_space<semaphore_mem>>
    %dma_wait3A_214 = tpu.memref_squeeze %dma_wait3A_213 : memref<1x!tpu.dma_semaphore, #tpu.memory_space<semaphore_mem>> -> memref<!tpu.dma_semaphore, #tpu.memory_space<semaphore_mem>>
    %dma_wait3A_215 = arith.constant 0 : i32
    %dma_wait3A_216 = tpu.memref_slice %arg2[%add3A_209, %dma_wait3A_215] : memref<16384x2048xf32, #tpu.memory_space<hbm>> -> memref<16x2048xf32, #tpu.memory_space<hbm>>
    tpu.wait_dma2 semaphore(%dma_wait3A_214 : memref<!tpu.dma_semaphore, #tpu.memory_space<semaphore_mem>>) src(%dma_wait3A_216 : memref<16x2048xf32, #tpu.memory_space<hbm>>) dst(%arg4 : memref<16x2048xf32, #tpu.memory_space<vmem>>)
    %add3A_217 = arith.constant 96 : i32
    %add3A_218 = arith.addi %mul3A_2, %add3A_217 : i32
    %dma_start3A_219 = arith.constant 0 : i32
    %dma_start3A_220 = arith.constant 0 : i32
    %dma_start3A_221 = tpu.memref_slice %arg3[%add3A_218, %dma_start3A_220] : memref<16384x2048xf32, #tpu.memory_space<hbm>> -> memref<16x2048xf32, #tpu.memory_space<hbm>>
    %dma_start3A_222 = tpu.memref_slice %arg8[%dma_start3A_219] : memref<3x!tpu.dma_semaphore, #tpu.memory_space<semaphore_mem>> -> memref<1x!tpu.dma_semaphore, #tpu.memory_space<semaphore_mem>>
    %dma_start3A_223 = tpu.memref_squeeze %dma_start3A_222 : memref<1x!tpu.dma_semaphore, #tpu.memory_space<semaphore_mem>> -> memref<!tpu.dma_semaphore, #tpu.memory_space<semaphore_mem>>
    %dma_start3A_224 = arith.constant 0 : i32
    %dma_start3A_225 = tpu.memref_slice %arg3[%add3A_218, %dma_start3A_224] : memref<16384x2048xf32, #tpu.memory_space<hbm>> -> memref<16x2048xf32, #tpu.memory_space<hbm>>
    tpu.enqueue_dma source(%arg4 : memref<16x2048xf32, #tpu.memory_space<vmem>>) target(%dma_start3A_225 : memref<16x2048xf32, #tpu.memory_space<hbm>>) target_semaphore(%dma_start3A_223 : memref<!tpu.dma_semaphore, #tpu.memory_space<semaphore_mem>>)
    %add3A_226 = arith.constant 64 : i32
    %add3A_227 = arith.addi %mul3A_2, %add3A_226 : i32
    %dma_wait3A_228 = arith.constant 1 : i32
    %dma_wait3A_229 = arith.constant 0 : i32
    %dma_wait3A_230 = tpu.memref_slice %arg3[%add3A_227, %dma_wait3A_229] : memref<16384x2048xf32, #tpu.memory_space<hbm>> -> memref<16x2048xf32, #tpu.memory_space<hbm>>
    %dma_wait3A_231 = tpu.memref_slice %arg8[%dma_wait3A_228] : memref<3x!tpu.dma_semaphore, #tpu.memory_space<semaphore_mem>> -> memref<1x!tpu.dma_semaphore, #tpu.memory_space<semaphore_mem>>
    %dma_wait3A_232 = tpu.memref_squeeze %dma_wait3A_231 : memref<1x!tpu.dma_semaphore, #tpu.memory_space<semaphore_mem>> -> memref<!tpu.dma_semaphore, #tpu.memory_space<semaphore_mem>>
    %dma_wait3A_233 = arith.constant 0 : i32
    %dma_wait3A_234 = tpu.memref_slice %arg3[%add3A_227, %dma_wait3A_233] : memref<16384x2048xf32, #tpu.memory_space<hbm>> -> memref<16x2048xf32, #tpu.memory_space<hbm>>
    tpu.wait_dma2 semaphore(%dma_wait3A_232 : memref<!tpu.dma_semaphore, #tpu.memory_space<semaphore_mem>>) src(%arg5 : memref<16x2048xf32, #tpu.memory_space<vmem>>) dst(%dma_wait3A_234 : memref<16x2048xf32, #tpu.memory_space<hbm>>)
    %add3A_235 = arith.constant 112 : i32
    %add3A_236 = arith.addi %mul3A_2, %add3A_235 : i32
    %dma_start3A_237 = arith.constant 1 : i32
    %dma_start3A_238 = arith.constant 0 : i32
    %dma_start3A_239 = tpu.memref_slice %arg2[%add3A_236, %dma_start3A_238] : memref<16384x2048xf32, #tpu.memory_space<hbm>> -> memref<16x2048xf32, #tpu.memory_space<hbm>>
    %dma_start3A_240 = tpu.memref_slice %arg7[%dma_start3A_237] : memref<3x!tpu.dma_semaphore, #tpu.memory_space<semaphore_mem>> -> memref<1x!tpu.dma_semaphore, #tpu.memory_space<semaphore_mem>>
    %dma_start3A_241 = tpu.memref_squeeze %dma_start3A_240 : memref<1x!tpu.dma_semaphore, #tpu.memory_space<semaphore_mem>> -> memref<!tpu.dma_semaphore, #tpu.memory_space<semaphore_mem>>
    %dma_start3A_242 = arith.constant 0 : i32
    %dma_start3A_243 = tpu.memref_slice %arg2[%add3A_236, %dma_start3A_242] : memref<16384x2048xf32, #tpu.memory_space<hbm>> -> memref<16x2048xf32, #tpu.memory_space<hbm>>
    tpu.enqueue_dma source(%dma_start3A_243 : memref<16x2048xf32, #tpu.memory_space<hbm>>) target(%arg5 : memref<16x2048xf32, #tpu.memory_space<vmem>>) target_semaphore(%dma_start3A_241 : memref<!tpu.dma_semaphore, #tpu.memory_space<semaphore_mem>>)
    %add3A_244 = arith.constant 112 : i32
    %add3A_245 = arith.addi %mul3A_2, %add3A_244 : i32
    %dma_wait3A_246 = arith.constant 1 : i32
    %dma_wait3A_247 = arith.constant 0 : i32
    %dma_wait3A_248 = tpu.memref_slice %arg2[%add3A_245, %dma_wait3A_247] : memref<16384x2048xf32, #tpu.memory_space<hbm>> -> memref<16x2048xf32, #tpu.memory_space<hbm>>
    %dma_wait3A_249 = tpu.memref_slice %arg7[%dma_wait3A_246] : memref<3x!tpu.dma_semaphore, #tpu.memory_space<semaphore_mem>> -> memref<1x!tpu.dma_semaphore, #tpu.memory_space<semaphore_mem>>
    %dma_wait3A_250 = tpu.memref_squeeze %dma_wait3A_249 : memref<1x!tpu.dma_semaphore, #tpu.memory_space<semaphore_mem>> -> memref<!tpu.dma_semaphore, #tpu.memory_space<semaphore_mem>>
    %dma_wait3A_251 = arith.constant 0 : i32
    %dma_wait3A_252 = tpu.memref_slice %arg2[%add3A_245, %dma_wait3A_251] : memref<16384x2048xf32, #tpu.memory_space<hbm>> -> memref<16x2048xf32, #tpu.memory_space<hbm>>
    tpu.wait_dma2 semaphore(%dma_wait3A_250 : memref<!tpu.dma_semaphore, #tpu.memory_space<semaphore_mem>>) src(%dma_wait3A_252 : memref<16x2048xf32, #tpu.memory_space<hbm>>) dst(%arg5 : memref<16x2048xf32, #tpu.memory_space<vmem>>)
    %add3A_253 = arith.constant 112 : i32
    %add3A_254 = arith.addi %mul3A_2, %add3A_253 : i32
    %dma_start3A_255 = arith.constant 1 : i32
    %dma_start3A_256 = arith.constant 0 : i32
    %dma_start3A_257 = tpu.memref_slice %arg3[%add3A_254, %dma_start3A_256] : memref<16384x2048xf32, #tpu.memory_space<hbm>> -> memref<16x2048xf32, #tpu.memory_space<hbm>>
    %dma_start3A_258 = tpu.memref_slice %arg8[%dma_start3A_255] : memref<3x!tpu.dma_semaphore, #tpu.memory_space<semaphore_mem>> -> memref<1x!tpu.dma_semaphore, #tpu.memory_space<semaphore_mem>>
    %dma_start3A_259 = tpu.memref_squeeze %dma_start3A_258 : memref<1x!tpu.dma_semaphore, #tpu.memory_space<semaphore_mem>> -> memref<!tpu.dma_semaphore, #tpu.memory_space<semaphore_mem>>
    %dma_start3A_260 = arith.constant 0 : i32
    %dma_start3A_261 = tpu.memref_slice %arg3[%add3A_254, %dma_start3A_260] : memref<16384x2048xf32, #tpu.memory_space<hbm>> -> memref<16x2048xf32, #tpu.memory_space<hbm>>
    tpu.enqueue_dma source(%arg5 : memref<16x2048xf32, #tpu.memory_space<vmem>>) target(%dma_start3A_261 : memref<16x2048xf32, #tpu.memory_space<hbm>>) target_semaphore(%dma_start3A_259 : memref<!tpu.dma_semaphore, #tpu.memory_space<semaphore_mem>>)
    %add3A_262 = arith.constant 80 : i32
    %add3A_263 = arith.addi %mul3A_2, %add3A_262 : i32
    %dma_wait3A_264 = arith.constant 2 : i32
    %dma_wait3A_265 = arith.constant 0 : i32
    %dma_wait3A_266 = tpu.memref_slice %arg3[%add3A_263, %dma_wait3A_265] : memref<16384x2048xf32, #tpu.memory_space<hbm>> -> memref<16x2048xf32, #tpu.memory_space<hbm>>
    %dma_wait3A_267 = tpu.memref_slice %arg8[%dma_wait3A_264] : memref<3x!tpu.dma_semaphore, #tpu.memory_space<semaphore_mem>> -> memref<1x!tpu.dma_semaphore, #tpu.memory_space<semaphore_mem>>
    %dma_wait3A_268 = tpu.memref_squeeze %dma_wait3A_267 : memref<1x!tpu.dma_semaphore, #tpu.memory_space<semaphore_mem>> -> memref<!tpu.dma_semaphore, #tpu.memory_space<semaphore_mem>>
    %dma_wait3A_269 = arith.constant 0 : i32
    %dma_wait3A_270 = tpu.memref_slice %arg3[%add3A_263, %dma_wait3A_269] : memref<16384x2048xf32, #tpu.memory_space<hbm>> -> memref<16x2048xf32, #tpu.memory_space<hbm>>
    tpu.wait_dma2 semaphore(%dma_wait3A_268 : memref<!tpu.dma_semaphore, #tpu.memory_space<semaphore_mem>>) src(%arg6 : memref<16x2048xf32, #tpu.memory_space<vmem>>) dst(%dma_wait3A_270 : memref<16x2048xf32, #tpu.memory_space<hbm>>)
    %add3A_271 = arith.constant 128 : i32
    %add3A_272 = arith.addi %mul3A_2, %add3A_271 : i32
    %dma_start3A_273 = arith.constant 2 : i32
    %dma_start3A_274 = arith.constant 0 : i32
    %dma_start3A_275 = tpu.memref_slice %arg2[%add3A_272, %dma_start3A_274] : memref<16384x2048xf32, #tpu.memory_space<hbm>> -> memref<16x2048xf32, #tpu.memory_space<hbm>>
    %dma_start3A_276 = tpu.memref_slice %arg7[%dma_start3A_273] : memref<3x!tpu.dma_semaphore, #tpu.memory_space<semaphore_mem>> -> memref<1x!tpu.dma_semaphore, #tpu.memory_space<semaphore_mem>>
    %dma_start3A_277 = tpu.memref_squeeze %dma_start3A_276 : memref<1x!tpu.dma_semaphore, #tpu.memory_space<semaphore_mem>> -> memref<!tpu.dma_semaphore, #tpu.memory_space<semaphore_mem>>
    %dma_start3A_278 = arith.constant 0 : i32
    %dma_start3A_279 = tpu.memref_slice %arg2[%add3A_272, %dma_start3A_278] : memref<16384x2048xf32, #tpu.memory_space<hbm>> -> memref<16x2048xf32, #tpu.memory_space<hbm>>
    tpu.enqueue_dma source(%dma_start3A_279 : memref<16x2048xf32, #tpu.memory_space<hbm>>) target(%arg6 : memref<16x2048xf32, #tpu.memory_space<vmem>>) target_semaphore(%dma_start3A_277 : memref<!tpu.dma_semaphore, #tpu.memory_space<semaphore_mem>>)
    %add3A_280 = arith.constant 128 : i32
    %add3A_281 = arith.addi %mul3A_2, %add3A_280 : i32
    %dma_wait3A_282 = arith.constant 2 : i32
    %dma_wait3A_283 = arith.constant 0 : i32
    %dma_wait3A_284 = tpu.memref_slice %arg2[%add3A_281, %dma_wait3A_283] : memref<16384x2048xf32, #tpu.memory_space<hbm>> -> memref<16x2048xf32, #tpu.memory_space<hbm>>
    %dma_wait3A_285 = tpu.memref_slice %arg7[%dma_wait3A_282] : memref<3x!tpu.dma_semaphore, #tpu.memory_space<semaphore_mem>> -> memref<1x!tpu.dma_semaphore, #tpu.memory_space<semaphore_mem>>
    %dma_wait3A_286 = tpu.memref_squeeze %dma_wait3A_285 : memref<1x!tpu.dma_semaphore, #tpu.memory_space<semaphore_mem>> -> memref<!tpu.dma_semaphore, #tpu.memory_space<semaphore_mem>>
    %dma_wait3A_287 = arith.constant 0 : i32
    %dma_wait3A_288 = tpu.memref_slice %arg2[%add3A_281, %dma_wait3A_287] : memref<16384x2048xf32, #tpu.memory_space<hbm>> -> memref<16x2048xf32, #tpu.memory_space<hbm>>
    tpu.wait_dma2 semaphore(%dma_wait3A_286 : memref<!tpu.dma_semaphore, #tpu.memory_space<semaphore_mem>>) src(%dma_wait3A_288 : memref<16x2048xf32, #tpu.memory_space<hbm>>) dst(%arg6 : memref<16x2048xf32, #tpu.memory_space<vmem>>)
    %add3A_289 = arith.constant 128 : i32
    %add3A_290 = arith.addi %mul3A_2, %add3A_289 : i32
    %dma_start3A_291 = arith.constant 2 : i32
    %dma_start3A_292 = arith.constant 0 : i32
    %dma_start3A_293 = tpu.memref_slice %arg3[%add3A_290, %dma_start3A_292] : memref<16384x2048xf32, #tpu.memory_space<hbm>> -> memref<16x2048xf32, #tpu.memory_space<hbm>>
    %dma_start3A_294 = tpu.memref_slice %arg8[%dma_start3A_291] : memref<3x!tpu.dma_semaphore, #tpu.memory_space<semaphore_mem>> -> memref<1x!tpu.dma_semaphore, #tpu.memory_space<semaphore_mem>>
    %dma_start3A_295 = tpu.memref_squeeze %dma_start3A_294 : memref<1x!tpu.dma_semaphore, #tpu.memory_space<semaphore_mem>> -> memref<!tpu.dma_semaphore, #tpu.memory_space<semaphore_mem>>
    %dma_start3A_296 = arith.constant 0 : i32
    %dma_start3A_297 = tpu.memref_slice %arg3[%add3A_290, %dma_start3A_296] : memref<16384x2048xf32, #tpu.memory_space<hbm>> -> memref<16x2048xf32, #tpu.memory_space<hbm>>
    tpu.enqueue_dma source(%arg6 : memref<16x2048xf32, #tpu.memory_space<vmem>>) target(%dma_start3A_297 : memref<16x2048xf32, #tpu.memory_space<hbm>>) target_semaphore(%dma_start3A_295 : memref<!tpu.dma_semaphore, #tpu.memory_space<semaphore_mem>>)
    %add3A_298 = arith.constant 96 : i32
    %add3A_299 = arith.addi %mul3A_2, %add3A_298 : i32
    %dma_wait3A_300 = arith.constant 0 : i32
    %dma_wait3A_301 = arith.constant 0 : i32
    %dma_wait3A_302 = tpu.memref_slice %arg3[%add3A_299, %dma_wait3A_301] : memref<16384x2048xf32, #tpu.memory_space<hbm>> -> memref<16x2048xf32, #tpu.memory_space<hbm>>
    %dma_wait3A_303 = tpu.memref_slice %arg8[%dma_wait3A_300] : memref<3x!tpu.dma_semaphore, #tpu.memory_space<semaphore_mem>> -> memref<1x!tpu.dma_semaphore, #tpu.memory_space<semaphore_mem>>
    %dma_wait3A_304 = tpu.memref_squeeze %dma_wait3A_303 : memref<1x!tpu.dma_semaphore, #tpu.memory_space<semaphore_mem>> -> memref<!tpu.dma_semaphore, #tpu.memory_space<semaphore_mem>>
    %dma_wait3A_305 = arith.constant 0 : i32
    %dma_wait3A_306 = tpu.memref_slice %arg3[%add3A_299, %dma_wait3A_305] : memref<16384x2048xf32, #tpu.memory_space<hbm>> -> memref<16x2048xf32, #tpu.memory_space<hbm>>
    tpu.wait_dma2 semaphore(%dma_wait3A_304 : memref<!tpu.dma_semaphore, #tpu.memory_space<semaphore_mem>>) src(%arg4 : memref<16x2048xf32, #tpu.memory_space<vmem>>) dst(%dma_wait3A_306 : memref<16x2048xf32, #tpu.memory_space<hbm>>)
    %add3A_307 = arith.constant 144 : i32
    %add3A_308 = arith.addi %mul3A_2, %add3A_307 : i32
    %dma_start3A_309 = arith.constant 0 : i32
    %dma_start3A_310 = arith.constant 0 : i32
    %dma_start3A_311 = tpu.memref_slice %arg2[%add3A_308, %dma_start3A_310] : memref<16384x2048xf32, #tpu.memory_space<hbm>> -> memref<16x2048xf32, #tpu.memory_space<hbm>>
    %dma_start3A_312 = tpu.memref_slice %arg7[%dma_start3A_309] : memref<3x!tpu.dma_semaphore, #tpu.memory_space<semaphore_mem>> -> memref<1x!tpu.dma_semaphore, #tpu.memory_space<semaphore_mem>>
    %dma_start3A_313 = tpu.memref_squeeze %dma_start3A_312 : memref<1x!tpu.dma_semaphore, #tpu.memory_space<semaphore_mem>> -> memref<!tpu.dma_semaphore, #tpu.memory_space<semaphore_mem>>
    %dma_start3A_314 = arith.constant 0 : i32
    %dma_start3A_315 = tpu.memref_slice %arg2[%add3A_308, %dma_start3A_314] : memref<16384x2048xf32, #tpu.memory_space<hbm>> -> memref<16x2048xf32, #tpu.memory_space<hbm>>
    tpu.enqueue_dma source(%dma_start3A_315 : memref<16x2048xf32, #tpu.memory_space<hbm>>) target(%arg4 : memref<16x2048xf32, #tpu.memory_space<vmem>>) target_semaphore(%dma_start3A_313 : memref<!tpu.dma_semaphore, #tpu.memory_space<semaphore_mem>>)
    %add3A_316 = arith.constant 144 : i32
    %add3A_317 = arith.addi %mul3A_2, %add3A_316 : i32
    %dma_wait3A_318 = arith.constant 0 : i32
    %dma_wait3A_319 = arith.constant 0 : i32
    %dma_wait3A_320 = tpu.memref_slice %arg2[%add3A_317, %dma_wait3A_319] : memref<16384x2048xf32, #tpu.memory_space<hbm>> -> memref<16x2048xf32, #tpu.memory_space<hbm>>
    %dma_wait3A_321 = tpu.memref_slice %arg7[%dma_wait3A_318] : memref<3x!tpu.dma_semaphore, #tpu.memory_space<semaphore_mem>> -> memref<1x!tpu.dma_semaphore, #tpu.memory_space<semaphore_mem>>
    %dma_wait3A_322 = tpu.memref_squeeze %dma_wait3A_321 : memref<1x!tpu.dma_semaphore, #tpu.memory_space<semaphore_mem>> -> memref<!tpu.dma_semaphore, #tpu.memory_space<semaphore_mem>>
    %dma_wait3A_323 = arith.constant 0 : i32
    %dma_wait3A_324 = tpu.memref_slice %arg2[%add3A_317, %dma_wait3A_323] : memref<16384x2048xf32, #tpu.memory_space<hbm>> -> memref<16x2048xf32, #tpu.memory_space<hbm>>
    tpu.wait_dma2 semaphore(%dma_wait3A_322 : memref<!tpu.dma_semaphore, #tpu.memory_space<semaphore_mem>>) src(%dma_wait3A_324 : memref<16x2048xf32, #tpu.memory_space<hbm>>) dst(%arg4 : memref<16x2048xf32, #tpu.memory_space<vmem>>)
    %add3A_325 = arith.constant 144 : i32
    %add3A_326 = arith.addi %mul3A_2, %add3A_325 : i32
    %dma_start3A_327 = arith.constant 0 : i32
    %dma_start3A_328 = arith.constant 0 : i32
    %dma_start3A_329 = tpu.memref_slice %arg3[%add3A_326, %dma_start3A_328] : memref<16384x2048xf32, #tpu.memory_space<hbm>> -> memref<16x2048xf32, #tpu.memory_space<hbm>>
    %dma_start3A_330 = tpu.memref_slice %arg8[%dma_start3A_327] : memref<3x!tpu.dma_semaphore, #tpu.memory_space<semaphore_mem>> -> memref<1x!tpu.dma_semaphore, #tpu.memory_space<semaphore_mem>>
    %dma_start3A_331 = tpu.memref_squeeze %dma_start3A_330 : memref<1x!tpu.dma_semaphore, #tpu.memory_space<semaphore_mem>> -> memref<!tpu.dma_semaphore, #tpu.memory_space<semaphore_mem>>
    %dma_start3A_332 = arith.constant 0 : i32
    %dma_start3A_333 = tpu.memref_slice %arg3[%add3A_326, %dma_start3A_332] : memref<16384x2048xf32, #tpu.memory_space<hbm>> -> memref<16x2048xf32, #tpu.memory_space<hbm>>
    tpu.enqueue_dma source(%arg4 : memref<16x2048xf32, #tpu.memory_space<vmem>>) target(%dma_start3A_333 : memref<16x2048xf32, #tpu.memory_space<hbm>>) target_semaphore(%dma_start3A_331 : memref<!tpu.dma_semaphore, #tpu.memory_space<semaphore_mem>>)
    %add3A_334 = arith.constant 112 : i32
    %add3A_335 = arith.addi %mul3A_2, %add3A_334 : i32
    %dma_wait3A_336 = arith.constant 1 : i32
    %dma_wait3A_337 = arith.constant 0 : i32
    %dma_wait3A_338 = tpu.memref_slice %arg3[%add3A_335, %dma_wait3A_337] : memref<16384x2048xf32, #tpu.memory_space<hbm>> -> memref<16x2048xf32, #tpu.memory_space<hbm>>
    %dma_wait3A_339 = tpu.memref_slice %arg8[%dma_wait3A_336] : memref<3x!tpu.dma_semaphore, #tpu.memory_space<semaphore_mem>> -> memref<1x!tpu.dma_semaphore, #tpu.memory_space<semaphore_mem>>
    %dma_wait3A_340 = tpu.memref_squeeze %dma_wait3A_339 : memref<1x!tpu.dma_semaphore, #tpu.memory_space<semaphore_mem>> -> memref<!tpu.dma_semaphore, #tpu.memory_space<semaphore_mem>>
    %dma_wait3A_341 = arith.constant 0 : i32
    %dma_wait3A_342 = tpu.memref_slice %arg3[%add3A_335, %dma_wait3A_341] : memref<16384x2048xf32, #tpu.memory_space<hbm>> -> memref<16x2048xf32, #tpu.memory_space<hbm>>
    tpu.wait_dma2 semaphore(%dma_wait3A_340 : memref<!tpu.dma_semaphore, #tpu.memory_space<semaphore_mem>>) src(%arg5 : memref<16x2048xf32, #tpu.memory_space<vmem>>) dst(%dma_wait3A_342 : memref<16x2048xf32, #tpu.memory_space<hbm>>)
    %add3A_343 = arith.constant 160 : i32
    %add3A_344 = arith.addi %mul3A_2, %add3A_343 : i32
    %dma_start3A_345 = arith.constant 1 : i32
    %dma_start3A_346 = arith.constant 0 : i32
    %dma_start3A_347 = tpu.memref_slice %arg2[%add3A_344, %dma_start3A_346] : memref<16384x2048xf32, #tpu.memory_space<hbm>> -> memref<16x2048xf32, #tpu.memory_space<hbm>>
    %dma_start3A_348 = tpu.memref_slice %arg7[%dma_start3A_345] : memref<3x!tpu.dma_semaphore, #tpu.memory_space<semaphore_mem>> -> memref<1x!tpu.dma_semaphore, #tpu.memory_space<semaphore_mem>>
    %dma_start3A_349 = tpu.memref_squeeze %dma_start3A_348 : memref<1x!tpu.dma_semaphore, #tpu.memory_space<semaphore_mem>> -> memref<!tpu.dma_semaphore, #tpu.memory_space<semaphore_mem>>
    %dma_start3A_350 = arith.constant 0 : i32
    %dma_start3A_351 = tpu.memref_slice %arg2[%add3A_344, %dma_start3A_350] : memref<16384x2048xf32, #tpu.memory_space<hbm>> -> memref<16x2048xf32, #tpu.memory_space<hbm>>
    tpu.enqueue_dma source(%dma_start3A_351 : memref<16x2048xf32, #tpu.memory_space<hbm>>) target(%arg5 : memref<16x2048xf32, #tpu.memory_space<vmem>>) target_semaphore(%dma_start3A_349 : memref<!tpu.dma_semaphore, #tpu.memory_space<semaphore_mem>>)
    %add3A_352 = arith.constant 160 : i32
    %add3A_353 = arith.addi %mul3A_2, %add3A_352 : i32
    %dma_wait3A_354 = arith.constant 1 : i32
    %dma_wait3A_355 = arith.constant 0 : i32
    %dma_wait3A_356 = tpu.memref_slice %arg2[%add3A_353, %dma_wait3A_355] : memref<16384x2048xf32, #tpu.memory_space<hbm>> -> memref<16x2048xf32, #tpu.memory_space<hbm>>
    %dma_wait3A_357 = tpu.memref_slice %arg7[%dma_wait3A_354] : memref<3x!tpu.dma_semaphore, #tpu.memory_space<semaphore_mem>> -> memref<1x!tpu.dma_semaphore, #tpu.memory_space<semaphore_mem>>
    %dma_wait3A_358 = tpu.memref_squeeze %dma_wait3A_357 : memref<1x!tpu.dma_semaphore, #tpu.memory_space<semaphore_mem>> -> memref<!tpu.dma_semaphore, #tpu.memory_space<semaphore_mem>>
    %dma_wait3A_359 = arith.constant 0 : i32
    %dma_wait3A_360 = tpu.memref_slice %arg2[%add3A_353, %dma_wait3A_359] : memref<16384x2048xf32, #tpu.memory_space<hbm>> -> memref<16x2048xf32, #tpu.memory_space<hbm>>
    tpu.wait_dma2 semaphore(%dma_wait3A_358 : memref<!tpu.dma_semaphore, #tpu.memory_space<semaphore_mem>>) src(%dma_wait3A_360 : memref<16x2048xf32, #tpu.memory_space<hbm>>) dst(%arg5 : memref<16x2048xf32, #tpu.memory_space<vmem>>)
    %add3A_361 = arith.constant 160 : i32
    %add3A_362 = arith.addi %mul3A_2, %add3A_361 : i32
    %dma_start3A_363 = arith.constant 1 : i32
    %dma_start3A_364 = arith.constant 0 : i32
    %dma_start3A_365 = tpu.memref_slice %arg3[%add3A_362, %dma_start3A_364] : memref<16384x2048xf32, #tpu.memory_space<hbm>> -> memref<16x2048xf32, #tpu.memory_space<hbm>>
    %dma_start3A_366 = tpu.memref_slice %arg8[%dma_start3A_363] : memref<3x!tpu.dma_semaphore, #tpu.memory_space<semaphore_mem>> -> memref<1x!tpu.dma_semaphore, #tpu.memory_space<semaphore_mem>>
    %dma_start3A_367 = tpu.memref_squeeze %dma_start3A_366 : memref<1x!tpu.dma_semaphore, #tpu.memory_space<semaphore_mem>> -> memref<!tpu.dma_semaphore, #tpu.memory_space<semaphore_mem>>
    %dma_start3A_368 = arith.constant 0 : i32
    %dma_start3A_369 = tpu.memref_slice %arg3[%add3A_362, %dma_start3A_368] : memref<16384x2048xf32, #tpu.memory_space<hbm>> -> memref<16x2048xf32, #tpu.memory_space<hbm>>
    tpu.enqueue_dma source(%arg5 : memref<16x2048xf32, #tpu.memory_space<vmem>>) target(%dma_start3A_369 : memref<16x2048xf32, #tpu.memory_space<hbm>>) target_semaphore(%dma_start3A_367 : memref<!tpu.dma_semaphore, #tpu.memory_space<semaphore_mem>>)
    %add3A_370 = arith.constant 128 : i32
    %add3A_371 = arith.addi %mul3A_2, %add3A_370 : i32
    %dma_wait3A_372 = arith.constant 2 : i32
    %dma_wait3A_373 = arith.constant 0 : i32
    %dma_wait3A_374 = tpu.memref_slice %arg3[%add3A_371, %dma_wait3A_373] : memref<16384x2048xf32, #tpu.memory_space<hbm>> -> memref<16x2048xf32, #tpu.memory_space<hbm>>
    %dma_wait3A_375 = tpu.memref_slice %arg8[%dma_wait3A_372] : memref<3x!tpu.dma_semaphore, #tpu.memory_space<semaphore_mem>> -> memref<1x!tpu.dma_semaphore, #tpu.memory_space<semaphore_mem>>
    %dma_wait3A_376 = tpu.memref_squeeze %dma_wait3A_375 : memref<1x!tpu.dma_semaphore, #tpu.memory_space<semaphore_mem>> -> memref<!tpu.dma_semaphore, #tpu.memory_space<semaphore_mem>>
    %dma_wait3A_377 = arith.constant 0 : i32
    %dma_wait3A_378 = tpu.memref_slice %arg3[%add3A_371, %dma_wait3A_377] : memref<16384x2048xf32, #tpu.memory_space<hbm>> -> memref<16x2048xf32, #tpu.memory_space<hbm>>
    tpu.wait_dma2 semaphore(%dma_wait3A_376 : memref<!tpu.dma_semaphore, #tpu.memory_space<semaphore_mem>>) src(%arg6 : memref<16x2048xf32, #tpu.memory_space<vmem>>) dst(%dma_wait3A_378 : memref<16x2048xf32, #tpu.memory_space<hbm>>)
    %add3A_379 = arith.constant 176 : i32
    %add3A_380 = arith.addi %mul3A_2, %add3A_379 : i32
    %dma_start3A_381 = arith.constant 2 : i32
    %dma_start3A_382 = arith.constant 0 : i32
    %dma_start3A_383 = tpu.memref_slice %arg2[%add3A_380, %dma_start3A_382] : memref<16384x2048xf32, #tpu.memory_space<hbm>> -> memref<16x2048xf32, #tpu.memory_space<hbm>>
    %dma_start3A_384 = tpu.memref_slice %arg7[%dma_start3A_381] : memref<3x!tpu.dma_semaphore, #tpu.memory_space<semaphore_mem>> -> memref<1x!tpu.dma_semaphore, #tpu.memory_space<semaphore_mem>>
    %dma_start3A_385 = tpu.memref_squeeze %dma_start3A_384 : memref<1x!tpu.dma_semaphore, #tpu.memory_space<semaphore_mem>> -> memref<!tpu.dma_semaphore, #tpu.memory_space<semaphore_mem>>
    %dma_start3A_386 = arith.constant 0 : i32
    %dma_start3A_387 = tpu.memref_slice %arg2[%add3A_380, %dma_start3A_386] : memref<16384x2048xf32, #tpu.memory_space<hbm>> -> memref<16x2048xf32, #tpu.memory_space<hbm>>
    tpu.enqueue_dma source(%dma_start3A_387 : memref<16x2048xf32, #tpu.memory_space<hbm>>) target(%arg6 : memref<16x2048xf32, #tpu.memory_space<vmem>>) target_semaphore(%dma_start3A_385 : memref<!tpu.dma_semaphore, #tpu.memory_space<semaphore_mem>>)
    %add3A_388 = arith.constant 176 : i32
    %add3A_389 = arith.addi %mul3A_2, %add3A_388 : i32
    %dma_wait3A_390 = arith.constant 2 : i32
    %dma_wait3A_391 = arith.constant 0 : i32
    %dma_wait3A_392 = tpu.memref_slice %arg2[%add3A_389, %dma_wait3A_391] : memref<16384x2048xf32, #tpu.memory_space<hbm>> -> memref<16x2048xf32, #tpu.memory_space<hbm>>
    %dma_wait3A_393 = tpu.memref_slice %arg7[%dma_wait3A_390] : memref<3x!tpu.dma_semaphore, #tpu.memory_space<semaphore_mem>> -> memref<1x!tpu.dma_semaphore, #tpu.memory_space<semaphore_mem>>
    %dma_wait3A_394 = tpu.memref_squeeze %dma_wait3A_393 : memref<1x!tpu.dma_semaphore, #tpu.memory_space<semaphore_mem>> -> memref<!tpu.dma_semaphore, #tpu.memory_space<semaphore_mem>>
    %dma_wait3A_395 = arith.constant 0 : i32
    %dma_wait3A_396 = tpu.memref_slice %arg2[%add3A_389, %dma_wait3A_395] : memref<16384x2048xf32, #tpu.memory_space<hbm>> -> memref<16x2048xf32, #tpu.memory_space<hbm>>
    tpu.wait_dma2 semaphore(%dma_wait3A_394 : memref<!tpu.dma_semaphore, #tpu.memory_space<semaphore_mem>>) src(%dma_wait3A_396 : memref<16x2048xf32, #tpu.memory_space<hbm>>) dst(%arg6 : memref<16x2048xf32, #tpu.memory_space<vmem>>)
    %add3A_397 = arith.constant 176 : i32
    %add3A_398 = arith.addi %mul3A_2, %add3A_397 : i32
    %dma_start3A_399 = arith.constant 2 : i32
    %dma_start3A_400 = arith.constant 0 : i32
    %dma_start3A_401 = tpu.memref_slice %arg3[%add3A_398, %dma_start3A_400] : memref<16384x2048xf32, #tpu.memory_space<hbm>> -> memref<16x2048xf32, #tpu.memory_space<hbm>>
    %dma_start3A_402 = tpu.memref_slice %arg8[%dma_start3A_399] : memref<3x!tpu.dma_semaphore, #tpu.memory_space<semaphore_mem>> -> memref<1x!tpu.dma_semaphore, #tpu.memory_space<semaphore_mem>>
    %dma_start3A_403 = tpu.memref_squeeze %dma_start3A_402 : memref<1x!tpu.dma_semaphore, #tpu.memory_space<semaphore_mem>> -> memref<!tpu.dma_semaphore, #tpu.memory_space<semaphore_mem>>
    %dma_start3A_404 = arith.constant 0 : i32
    %dma_start3A_405 = tpu.memref_slice %arg3[%add3A_398, %dma_start3A_404] : memref<16384x2048xf32, #tpu.memory_space<hbm>> -> memref<16x2048xf32, #tpu.memory_space<hbm>>
    tpu.enqueue_dma source(%arg6 : memref<16x2048xf32, #tpu.memory_space<vmem>>) target(%dma_start3A_405 : memref<16x2048xf32, #tpu.memory_space<hbm>>) target_semaphore(%dma_start3A_403 : memref<!tpu.dma_semaphore, #tpu.memory_space<semaphore_mem>>)
    %add3A_406 = arith.constant 144 : i32
    %add3A_407 = arith.addi %mul3A_2, %add3A_406 : i32
    %dma_wait3A_408 = arith.constant 0 : i32
    %dma_wait3A_409 = arith.constant 0 : i32
    %dma_wait3A_410 = tpu.memref_slice %arg3[%add3A_407, %dma_wait3A_409] : memref<16384x2048xf32, #tpu.memory_space<hbm>> -> memref<16x2048xf32, #tpu.memory_space<hbm>>
    %dma_wait3A_411 = tpu.memref_slice %arg8[%dma_wait3A_408] : memref<3x!tpu.dma_semaphore, #tpu.memory_space<semaphore_mem>> -> memref<1x!tpu.dma_semaphore, #tpu.memory_space<semaphore_mem>>
    %dma_wait3A_412 = tpu.memref_squeeze %dma_wait3A_411 : memref<1x!tpu.dma_semaphore, #tpu.memory_space<semaphore_mem>> -> memref<!tpu.dma_semaphore, #tpu.memory_space<semaphore_mem>>
    %dma_wait3A_413 = arith.constant 0 : i32
    %dma_wait3A_414 = tpu.memref_slice %arg3[%add3A_407, %dma_wait3A_413] : memref<16384x2048xf32, #tpu.memory_space<hbm>> -> memref<16x2048xf32, #tpu.memory_space<hbm>>
    tpu.wait_dma2 semaphore(%dma_wait3A_412 : memref<!tpu.dma_semaphore, #tpu.memory_space<semaphore_mem>>) src(%arg4 : memref<16x2048xf32, #tpu.memory_space<vmem>>) dst(%dma_wait3A_414 : memref<16x2048xf32, #tpu.memory_space<hbm>>)
    %add3A_415 = arith.constant 192 : i32
    %add3A_416 = arith.addi %mul3A_2, %add3A_415 : i32
    %dma_start3A_417 = arith.constant 0 : i32
    %dma_start3A_418 = arith.constant 0 : i32
    %dma_start3A_419 = tpu.memref_slice %arg2[%add3A_416, %dma_start3A_418] : memref<16384x2048xf32, #tpu.memory_space<hbm>> -> memref<16x2048xf32, #tpu.memory_space<hbm>>
    %dma_start3A_420 = tpu.memref_slice %arg7[%dma_start3A_417] : memref<3x!tpu.dma_semaphore, #tpu.memory_space<semaphore_mem>> -> memref<1x!tpu.dma_semaphore, #tpu.memory_space<semaphore_mem>>
    %dma_start3A_421 = tpu.memref_squeeze %dma_start3A_420 : memref<1x!tpu.dma_semaphore, #tpu.memory_space<semaphore_mem>> -> memref<!tpu.dma_semaphore, #tpu.memory_space<semaphore_mem>>
    %dma_start3A_422 = arith.constant 0 : i32
    %dma_start3A_423 = tpu.memref_slice %arg2[%add3A_416, %dma_start3A_422] : memref<16384x2048xf32, #tpu.memory_space<hbm>> -> memref<16x2048xf32, #tpu.memory_space<hbm>>
    tpu.enqueue_dma source(%dma_start3A_423 : memref<16x2048xf32, #tpu.memory_space<hbm>>) target(%arg4 : memref<16x2048xf32, #tpu.memory_space<vmem>>) target_semaphore(%dma_start3A_421 : memref<!tpu.dma_semaphore, #tpu.memory_space<semaphore_mem>>)
    %add3A_424 = arith.constant 192 : i32
    %add3A_425 = arith.addi %mul3A_2, %add3A_424 : i32
    %dma_wait3A_426 = arith.constant 0 : i32
    %dma_wait3A_427 = arith.constant 0 : i32
    %dma_wait3A_428 = tpu.memref_slice %arg2[%add3A_425, %dma_wait3A_427] : memref<16384x2048xf32, #tpu.memory_space<hbm>> -> memref<16x2048xf32, #tpu.memory_space<hbm>>
    %dma_wait3A_429 = tpu.memref_slice %arg7[%dma_wait3A_426] : memref<3x!tpu.dma_semaphore, #tpu.memory_space<semaphore_mem>> -> memref<1x!tpu.dma_semaphore, #tpu.memory_space<semaphore_mem>>
    %dma_wait3A_430 = tpu.memref_squeeze %dma_wait3A_429 : memref<1x!tpu.dma_semaphore, #tpu.memory_space<semaphore_mem>> -> memref<!tpu.dma_semaphore, #tpu.memory_space<semaphore_mem>>
    %dma_wait3A_431 = arith.constant 0 : i32
    %dma_wait3A_432 = tpu.memref_slice %arg2[%add3A_425, %dma_wait3A_431] : memref<16384x2048xf32, #tpu.memory_space<hbm>> -> memref<16x2048xf32, #tpu.memory_space<hbm>>
    tpu.wait_dma2 semaphore(%dma_wait3A_430 : memref<!tpu.dma_semaphore, #tpu.memory_space<semaphore_mem>>) src(%dma_wait3A_432 : memref<16x2048xf32, #tpu.memory_space<hbm>>) dst(%arg4 : memref<16x2048xf32, #tpu.memory_space<vmem>>)
    %add3A_433 = arith.constant 192 : i32
    %add3A_434 = arith.addi %mul3A_2, %add3A_433 : i32
    %dma_start3A_435 = arith.constant 0 : i32
    %dma_start3A_436 = arith.constant 0 : i32
    %dma_start3A_437 = tpu.memref_slice %arg3[%add3A_434, %dma_start3A_436] : memref<16384x2048xf32, #tpu.memory_space<hbm>> -> memref<16x2048xf32, #tpu.memory_space<hbm>>
    %dma_start3A_438 = tpu.memref_slice %arg8[%dma_start3A_435] : memref<3x!tpu.dma_semaphore, #tpu.memory_space<semaphore_mem>> -> memref<1x!tpu.dma_semaphore, #tpu.memory_space<semaphore_mem>>
    %dma_start3A_439 = tpu.memref_squeeze %dma_start3A_438 : memref<1x!tpu.dma_semaphore, #tpu.memory_space<semaphore_mem>> -> memref<!tpu.dma_semaphore, #tpu.memory_space<semaphore_mem>>
    %dma_start3A_440 = arith.constant 0 : i32
    %dma_start3A_441 = tpu.memref_slice %arg3[%add3A_434, %dma_start3A_440] : memref<16384x2048xf32, #tpu.memory_space<hbm>> -> memref<16x2048xf32, #tpu.memory_space<hbm>>
    tpu.enqueue_dma source(%arg4 : memref<16x2048xf32, #tpu.memory_space<vmem>>) target(%dma_start3A_441 : memref<16x2048xf32, #tpu.memory_space<hbm>>) target_semaphore(%dma_start3A_439 : memref<!tpu.dma_semaphore, #tpu.memory_space<semaphore_mem>>)
    %add3A_442 = arith.constant 160 : i32
    %add3A_443 = arith.addi %mul3A_2, %add3A_442 : i32
    %dma_wait3A_444 = arith.constant 1 : i32
    %dma_wait3A_445 = arith.constant 0 : i32
    %dma_wait3A_446 = tpu.memref_slice %arg3[%add3A_443, %dma_wait3A_445] : memref<16384x2048xf32, #tpu.memory_space<hbm>> -> memref<16x2048xf32, #tpu.memory_space<hbm>>
    %dma_wait3A_447 = tpu.memref_slice %arg8[%dma_wait3A_444] : memref<3x!tpu.dma_semaphore, #tpu.memory_space<semaphore_mem>> -> memref<1x!tpu.dma_semaphore, #tpu.memory_space<semaphore_mem>>
    %dma_wait3A_448 = tpu.memref_squeeze %dma_wait3A_447 : memref<1x!tpu.dma_semaphore, #tpu.memory_space<semaphore_mem>> -> memref<!tpu.dma_semaphore, #tpu.memory_space<semaphore_mem>>
    %dma_wait3A_449 = arith.constant 0 : i32
    %dma_wait3A_450 = tpu.memref_slice %arg3[%add3A_443, %dma_wait3A_449] : memref<16384x2048xf32, #tpu.memory_space<hbm>> -> memref<16x2048xf32, #tpu.memory_space<hbm>>
    tpu.wait_dma2 semaphore(%dma_wait3A_448 : memref<!tpu.dma_semaphore, #tpu.memory_space<semaphore_mem>>) src(%arg5 : memref<16x2048xf32, #tpu.memory_space<vmem>>) dst(%dma_wait3A_450 : memref<16x2048xf32, #tpu.memory_space<hbm>>)
    %add3A_451 = arith.constant 208 : i32
    %add3A_452 = arith.addi %mul3A_2, %add3A_451 : i32
    %dma_start3A_453 = arith.constant 1 : i32
    %dma_start3A_454 = arith.constant 0 : i32
    %dma_start3A_455 = tpu.memref_slice %arg2[%add3A_452, %dma_start3A_454] : memref<16384x2048xf32, #tpu.memory_space<hbm>> -> memref<16x2048xf32, #tpu.memory_space<hbm>>
    %dma_start3A_456 = tpu.memref_slice %arg7[%dma_start3A_453] : memref<3x!tpu.dma_semaphore, #tpu.memory_space<semaphore_mem>> -> memref<1x!tpu.dma_semaphore, #tpu.memory_space<semaphore_mem>>
    %dma_start3A_457 = tpu.memref_squeeze %dma_start3A_456 : memref<1x!tpu.dma_semaphore, #tpu.memory_space<semaphore_mem>> -> memref<!tpu.dma_semaphore, #tpu.memory_space<semaphore_mem>>
    %dma_start3A_458 = arith.constant 0 : i32
    %dma_start3A_459 = tpu.memref_slice %arg2[%add3A_452, %dma_start3A_458] : memref<16384x2048xf32, #tpu.memory_space<hbm>> -> memref<16x2048xf32, #tpu.memory_space<hbm>>
    tpu.enqueue_dma source(%dma_start3A_459 : memref<16x2048xf32, #tpu.memory_space<hbm>>) target(%arg5 : memref<16x2048xf32, #tpu.memory_space<vmem>>) target_semaphore(%dma_start3A_457 : memref<!tpu.dma_semaphore, #tpu.memory_space<semaphore_mem>>)
    %add3A_460 = arith.constant 208 : i32
    %add3A_461 = arith.addi %mul3A_2, %add3A_460 : i32
    %dma_wait3A_462 = arith.constant 1 : i32
    %dma_wait3A_463 = arith.constant 0 : i32
    %dma_wait3A_464 = tpu.memref_slice %arg2[%add3A_461, %dma_wait3A_463] : memref<16384x2048xf32, #tpu.memory_space<hbm>> -> memref<16x2048xf32, #tpu.memory_space<hbm>>
    %dma_wait3A_465 = tpu.memref_slice %arg7[%dma_wait3A_462] : memref<3x!tpu.dma_semaphore, #tpu.memory_space<semaphore_mem>> -> memref<1x!tpu.dma_semaphore, #tpu.memory_space<semaphore_mem>>
    %dma_wait3A_466 = tpu.memref_squeeze %dma_wait3A_465 : memref<1x!tpu.dma_semaphore, #tpu.memory_space<semaphore_mem>> -> memref<!tpu.dma_semaphore, #tpu.memory_space<semaphore_mem>>
    %dma_wait3A_467 = arith.constant 0 : i32
    %dma_wait3A_468 = tpu.memref_slice %arg2[%add3A_461, %dma_wait3A_467] : memref<16384x2048xf32, #tpu.memory_space<hbm>> -> memref<16x2048xf32, #tpu.memory_space<hbm>>
    tpu.wait_dma2 semaphore(%dma_wait3A_466 : memref<!tpu.dma_semaphore, #tpu.memory_space<semaphore_mem>>) src(%dma_wait3A_468 : memref<16x2048xf32, #tpu.memory_space<hbm>>) dst(%arg5 : memref<16x2048xf32, #tpu.memory_space<vmem>>)
    %add3A_469 = arith.constant 208 : i32
    %add3A_470 = arith.addi %mul3A_2, %add3A_469 : i32
    %dma_start3A_471 = arith.constant 1 : i32
    %dma_start3A_472 = arith.constant 0 : i32
    %dma_start3A_473 = tpu.memref_slice %arg3[%add3A_470, %dma_start3A_472] : memref<16384x2048xf32, #tpu.memory_space<hbm>> -> memref<16x2048xf32, #tpu.memory_space<hbm>>
    %dma_start3A_474 = tpu.memref_slice %arg8[%dma_start3A_471] : memref<3x!tpu.dma_semaphore, #tpu.memory_space<semaphore_mem>> -> memref<1x!tpu.dma_semaphore, #tpu.memory_space<semaphore_mem>>
    %dma_start3A_475 = tpu.memref_squeeze %dma_start3A_474 : memref<1x!tpu.dma_semaphore, #tpu.memory_space<semaphore_mem>> -> memref<!tpu.dma_semaphore, #tpu.memory_space<semaphore_mem>>
    %dma_start3A_476 = arith.constant 0 : i32
    %dma_start3A_477 = tpu.memref_slice %arg3[%add3A_470, %dma_start3A_476] : memref<16384x2048xf32, #tpu.memory_space<hbm>> -> memref<16x2048xf32, #tpu.memory_space<hbm>>
    tpu.enqueue_dma source(%arg5 : memref<16x2048xf32, #tpu.memory_space<vmem>>) target(%dma_start3A_477 : memref<16x2048xf32, #tpu.memory_space<hbm>>) target_semaphore(%dma_start3A_475 : memref<!tpu.dma_semaphore, #tpu.memory_space<semaphore_mem>>)
    %add3A_478 = arith.constant 176 : i32
    %add3A_479 = arith.addi %mul3A_2, %add3A_478 : i32
    %dma_wait3A_480 = arith.constant 2 : i32
    %dma_wait3A_481 = arith.constant 0 : i32
    %dma_wait3A_482 = tpu.memref_slice %arg3[%add3A_479, %dma_wait3A_481] : memref<16384x2048xf32, #tpu.memory_space<hbm>> -> memref<16x2048xf32, #tpu.memory_space<hbm>>
    %dma_wait3A_483 = tpu.memref_slice %arg8[%dma_wait3A_480] : memref<3x!tpu.dma_semaphore, #tpu.memory_space<semaphore_mem>> -> memref<1x!tpu.dma_semaphore, #tpu.memory_space<semaphore_mem>>
    %dma_wait3A_484 = tpu.memref_squeeze %dma_wait3A_483 : memref<1x!tpu.dma_semaphore, #tpu.memory_space<semaphore_mem>> -> memref<!tpu.dma_semaphore, #tpu.memory_space<semaphore_mem>>
    %dma_wait3A_485 = arith.constant 0 : i32
    %dma_wait3A_486 = tpu.memref_slice %arg3[%add3A_479, %dma_wait3A_485] : memref<16384x2048xf32, #tpu.memory_space<hbm>> -> memref<16x2048xf32, #tpu.memory_space<hbm>>
    tpu.wait_dma2 semaphore(%dma_wait3A_484 : memref<!tpu.dma_semaphore, #tpu.memory_space<semaphore_mem>>) src(%arg6 : memref<16x2048xf32, #tpu.memory_space<vmem>>) dst(%dma_wait3A_486 : memref<16x2048xf32, #tpu.memory_space<hbm>>)
    %add3A_487 = arith.constant 224 : i32
    %add3A_488 = arith.addi %mul3A_2, %add3A_487 : i32
    %dma_start3A_489 = arith.constant 2 : i32
    %dma_start3A_490 = arith.constant 0 : i32
    %dma_start3A_491 = tpu.memref_slice %arg2[%add3A_488, %dma_start3A_490] : memref<16384x2048xf32, #tpu.memory_space<hbm>> -> memref<16x2048xf32, #tpu.memory_space<hbm>>
    %dma_start3A_492 = tpu.memref_slice %arg7[%dma_start3A_489] : memref<3x!tpu.dma_semaphore, #tpu.memory_space<semaphore_mem>> -> memref<1x!tpu.dma_semaphore, #tpu.memory_space<semaphore_mem>>
    %dma_start3A_493 = tpu.memref_squeeze %dma_start3A_492 : memref<1x!tpu.dma_semaphore, #tpu.memory_space<semaphore_mem>> -> memref<!tpu.dma_semaphore, #tpu.memory_space<semaphore_mem>>
    %dma_start3A_494 = arith.constant 0 : i32
    %dma_start3A_495 = tpu.memref_slice %arg2[%add3A_488, %dma_start3A_494] : memref<16384x2048xf32, #tpu.memory_space<hbm>> -> memref<16x2048xf32, #tpu.memory_space<hbm>>
    tpu.enqueue_dma source(%dma_start3A_495 : memref<16x2048xf32, #tpu.memory_space<hbm>>) target(%arg6 : memref<16x2048xf32, #tpu.memory_space<vmem>>) target_semaphore(%dma_start3A_493 : memref<!tpu.dma_semaphore, #tpu.memory_space<semaphore_mem>>)
    %add3A_496 = arith.constant 224 : i32
    %add3A_497 = arith.addi %mul3A_2, %add3A_496 : i32
    %dma_wait3A_498 = arith.constant 2 : i32
    %dma_wait3A_499 = arith.constant 0 : i32
    %dma_wait3A_500 = tpu.memref_slice %arg2[%add3A_497, %dma_wait3A_499] : memref<16384x2048xf32, #tpu.memory_space<hbm>> -> memref<16x2048xf32, #tpu.memory_space<hbm>>
    %dma_wait3A_501 = tpu.memref_slice %arg7[%dma_wait3A_498] : memref<3x!tpu.dma_semaphore, #tpu.memory_space<semaphore_mem>> -> memref<1x!tpu.dma_semaphore, #tpu.memory_space<semaphore_mem>>
    %dma_wait3A_502 = tpu.memref_squeeze %dma_wait3A_501 : memref<1x!tpu.dma_semaphore, #tpu.memory_space<semaphore_mem>> -> memref<!tpu.dma_semaphore, #tpu.memory_space<semaphore_mem>>
    %dma_wait3A_503 = arith.constant 0 : i32
    %dma_wait3A_504 = tpu.memref_slice %arg2[%add3A_497, %dma_wait3A_503] : memref<16384x2048xf32, #tpu.memory_space<hbm>> -> memref<16x2048xf32, #tpu.memory_space<hbm>>
    tpu.wait_dma2 semaphore(%dma_wait3A_502 : memref<!tpu.dma_semaphore, #tpu.memory_space<semaphore_mem>>) src(%dma_wait3A_504 : memref<16x2048xf32, #tpu.memory_space<hbm>>) dst(%arg6 : memref<16x2048xf32, #tpu.memory_space<vmem>>)
    %add3A_505 = arith.constant 224 : i32
    %add3A_506 = arith.addi %mul3A_2, %add3A_505 : i32
    %dma_start3A_507 = arith.constant 2 : i32
    %dma_start3A_508 = arith.constant 0 : i32
    %dma_start3A_509 = tpu.memref_slice %arg3[%add3A_506, %dma_start3A_508] : memref<16384x2048xf32, #tpu.memory_space<hbm>> -> memref<16x2048xf32, #tpu.memory_space<hbm>>
    %dma_start3A_510 = tpu.memref_slice %arg8[%dma_start3A_507] : memref<3x!tpu.dma_semaphore, #tpu.memory_space<semaphore_mem>> -> memref<1x!tpu.dma_semaphore, #tpu.memory_space<semaphore_mem>>
    %dma_start3A_511 = tpu.memref_squeeze %dma_start3A_510 : memref<1x!tpu.dma_semaphore, #tpu.memory_space<semaphore_mem>> -> memref<!tpu.dma_semaphore, #tpu.memory_space<semaphore_mem>>
    %dma_start3A_512 = arith.constant 0 : i32
    %dma_start3A_513 = tpu.memref_slice %arg3[%add3A_506, %dma_start3A_512] : memref<16384x2048xf32, #tpu.memory_space<hbm>> -> memref<16x2048xf32, #tpu.memory_space<hbm>>
    tpu.enqueue_dma source(%arg6 : memref<16x2048xf32, #tpu.memory_space<vmem>>) target(%dma_start3A_513 : memref<16x2048xf32, #tpu.memory_space<hbm>>) target_semaphore(%dma_start3A_511 : memref<!tpu.dma_semaphore, #tpu.memory_space<semaphore_mem>>)
    %add3A_514 = arith.constant 192 : i32
    %add3A_515 = arith.addi %mul3A_2, %add3A_514 : i32
    %dma_wait3A_516 = arith.constant 0 : i32
    %dma_wait3A_517 = arith.constant 0 : i32
    %dma_wait3A_518 = tpu.memref_slice %arg3[%add3A_515, %dma_wait3A_517] : memref<16384x2048xf32, #tpu.memory_space<hbm>> -> memref<16x2048xf32, #tpu.memory_space<hbm>>
    %dma_wait3A_519 = tpu.memref_slice %arg8[%dma_wait3A_516] : memref<3x!tpu.dma_semaphore, #tpu.memory_space<semaphore_mem>> -> memref<1x!tpu.dma_semaphore, #tpu.memory_space<semaphore_mem>>
    %dma_wait3A_520 = tpu.memref_squeeze %dma_wait3A_519 : memref<1x!tpu.dma_semaphore, #tpu.memory_space<semaphore_mem>> -> memref<!tpu.dma_semaphore, #tpu.memory_space<semaphore_mem>>
    %dma_wait3A_521 = arith.constant 0 : i32
    %dma_wait3A_522 = tpu.memref_slice %arg3[%add3A_515, %dma_wait3A_521] : memref<16384x2048xf32, #tpu.memory_space<hbm>> -> memref<16x2048xf32, #tpu.memory_space<hbm>>
    tpu.wait_dma2 semaphore(%dma_wait3A_520 : memref<!tpu.dma_semaphore, #tpu.memory_space<semaphore_mem>>) src(%arg4 : memref<16x2048xf32, #tpu.memory_space<vmem>>) dst(%dma_wait3A_522 : memref<16x2048xf32, #tpu.memory_space<hbm>>)
    %add3A_523 = arith.constant 240 : i32
    %add3A_524 = arith.addi %mul3A_2, %add3A_523 : i32
    %dma_start3A_525 = arith.constant 0 : i32
    %dma_start3A_526 = arith.constant 0 : i32
    %dma_start3A_527 = tpu.memref_slice %arg2[%add3A_524, %dma_start3A_526] : memref<16384x2048xf32, #tpu.memory_space<hbm>> -> memref<16x2048xf32, #tpu.memory_space<hbm>>
    %dma_start3A_528 = tpu.memref_slice %arg7[%dma_start3A_525] : memref<3x!tpu.dma_semaphore, #tpu.memory_space<semaphore_mem>> -> memref<1x!tpu.dma_semaphore, #tpu.memory_space<semaphore_mem>>
    %dma_start3A_529 = tpu.memref_squeeze %dma_start3A_528 : memref<1x!tpu.dma_semaphore, #tpu.memory_space<semaphore_mem>> -> memref<!tpu.dma_semaphore, #tpu.memory_space<semaphore_mem>>
    %dma_start3A_530 = arith.constant 0 : i32
    %dma_start3A_531 = tpu.memref_slice %arg2[%add3A_524, %dma_start3A_530] : memref<16384x2048xf32, #tpu.memory_space<hbm>> -> memref<16x2048xf32, #tpu.memory_space<hbm>>
    tpu.enqueue_dma source(%dma_start3A_531 : memref<16x2048xf32, #tpu.memory_space<hbm>>) target(%arg4 : memref<16x2048xf32, #tpu.memory_space<vmem>>) target_semaphore(%dma_start3A_529 : memref<!tpu.dma_semaphore, #tpu.memory_space<semaphore_mem>>)
    %add3A_532 = arith.constant 240 : i32
    %add3A_533 = arith.addi %mul3A_2, %add3A_532 : i32
    %dma_wait3A_534 = arith.constant 0 : i32
    %dma_wait3A_535 = arith.constant 0 : i32
    %dma_wait3A_536 = tpu.memref_slice %arg2[%add3A_533, %dma_wait3A_535] : memref<16384x2048xf32, #tpu.memory_space<hbm>> -> memref<16x2048xf32, #tpu.memory_space<hbm>>
    %dma_wait3A_537 = tpu.memref_slice %arg7[%dma_wait3A_534] : memref<3x!tpu.dma_semaphore, #tpu.memory_space<semaphore_mem>> -> memref<1x!tpu.dma_semaphore, #tpu.memory_space<semaphore_mem>>
    %dma_wait3A_538 = tpu.memref_squeeze %dma_wait3A_537 : memref<1x!tpu.dma_semaphore, #tpu.memory_space<semaphore_mem>> -> memref<!tpu.dma_semaphore, #tpu.memory_space<semaphore_mem>>
    %dma_wait3A_539 = arith.constant 0 : i32
    %dma_wait3A_540 = tpu.memref_slice %arg2[%add3A_533, %dma_wait3A_539] : memref<16384x2048xf32, #tpu.memory_space<hbm>> -> memref<16x2048xf32, #tpu.memory_space<hbm>>
    tpu.wait_dma2 semaphore(%dma_wait3A_538 : memref<!tpu.dma_semaphore, #tpu.memory_space<semaphore_mem>>) src(%dma_wait3A_540 : memref<16x2048xf32, #tpu.memory_space<hbm>>) dst(%arg4 : memref<16x2048xf32, #tpu.memory_space<vmem>>)
    %add3A_541 = arith.constant 240 : i32
    %add3A_542 = arith.addi %mul3A_2, %add3A_541 : i32
    %dma_start3A_543 = arith.constant 0 : i32
    %dma_start3A_544 = arith.constant 0 : i32
    %dma_start3A_545 = tpu.memref_slice %arg3[%add3A_542, %dma_start3A_544] : memref<16384x2048xf32, #tpu.memory_space<hbm>> -> memref<16x2048xf32, #tpu.memory_space<hbm>>
    %dma_start3A_546 = tpu.memref_slice %arg8[%dma_start3A_543] : memref<3x!tpu.dma_semaphore, #tpu.memory_space<semaphore_mem>> -> memref<1x!tpu.dma_semaphore, #tpu.memory_space<semaphore_mem>>
    %dma_start3A_547 = tpu.memref_squeeze %dma_start3A_546 : memref<1x!tpu.dma_semaphore, #tpu.memory_space<semaphore_mem>> -> memref<!tpu.dma_semaphore, #tpu.memory_space<semaphore_mem>>
    %dma_start3A_548 = arith.constant 0 : i32
    %dma_start3A_549 = tpu.memref_slice %arg3[%add3A_542, %dma_start3A_548] : memref<16384x2048xf32, #tpu.memory_space<hbm>> -> memref<16x2048xf32, #tpu.memory_space<hbm>>
    tpu.enqueue_dma source(%arg4 : memref<16x2048xf32, #tpu.memory_space<vmem>>) target(%dma_start3A_549 : memref<16x2048xf32, #tpu.memory_space<hbm>>) target_semaphore(%dma_start3A_547 : memref<!tpu.dma_semaphore, #tpu.memory_space<semaphore_mem>>)
    %add3A_550 = arith.constant 208 : i32
    %add3A_551 = arith.addi %mul3A_2, %add3A_550 : i32
    %dma_wait3A_552 = arith.constant 1 : i32
    %dma_wait3A_553 = arith.constant 0 : i32
    %dma_wait3A_554 = tpu.memref_slice %arg3[%add3A_551, %dma_wait3A_553] : memref<16384x2048xf32, #tpu.memory_space<hbm>> -> memref<16x2048xf32, #tpu.memory_space<hbm>>
    %dma_wait3A_555 = tpu.memref_slice %arg8[%dma_wait3A_552] : memref<3x!tpu.dma_semaphore, #tpu.memory_space<semaphore_mem>> -> memref<1x!tpu.dma_semaphore, #tpu.memory_space<semaphore_mem>>
    %dma_wait3A_556 = tpu.memref_squeeze %dma_wait3A_555 : memref<1x!tpu.dma_semaphore, #tpu.memory_space<semaphore_mem>> -> memref<!tpu.dma_semaphore, #tpu.memory_space<semaphore_mem>>
    %dma_wait3A_557 = arith.constant 0 : i32
    %dma_wait3A_558 = tpu.memref_slice %arg3[%add3A_551, %dma_wait3A_557] : memref<16384x2048xf32, #tpu.memory_space<hbm>> -> memref<16x2048xf32, #tpu.memory_space<hbm>>
    tpu.wait_dma2 semaphore(%dma_wait3A_556 : memref<!tpu.dma_semaphore, #tpu.memory_space<semaphore_mem>>) src(%arg5 : memref<16x2048xf32, #tpu.memory_space<vmem>>) dst(%dma_wait3A_558 : memref<16x2048xf32, #tpu.memory_space<hbm>>)
    %add3A_559 = arith.constant 256 : i32
    %add3A_560 = arith.addi %mul3A_2, %add3A_559 : i32
    %dma_start3A_561 = arith.constant 1 : i32
    %dma_start3A_562 = arith.constant 0 : i32
    %dma_start3A_563 = tpu.memref_slice %arg2[%add3A_560, %dma_start3A_562] : memref<16384x2048xf32, #tpu.memory_space<hbm>> -> memref<16x2048xf32, #tpu.memory_space<hbm>>
    %dma_start3A_564 = tpu.memref_slice %arg7[%dma_start3A_561] : memref<3x!tpu.dma_semaphore, #tpu.memory_space<semaphore_mem>> -> memref<1x!tpu.dma_semaphore, #tpu.memory_space<semaphore_mem>>
    %dma_start3A_565 = tpu.memref_squeeze %dma_start3A_564 : memref<1x!tpu.dma_semaphore, #tpu.memory_space<semaphore_mem>> -> memref<!tpu.dma_semaphore, #tpu.memory_space<semaphore_mem>>
    %dma_start3A_566 = arith.constant 0 : i32
    %dma_start3A_567 = tpu.memref_slice %arg2[%add3A_560, %dma_start3A_566] : memref<16384x2048xf32, #tpu.memory_space<hbm>> -> memref<16x2048xf32, #tpu.memory_space<hbm>>
    tpu.enqueue_dma source(%dma_start3A_567 : memref<16x2048xf32, #tpu.memory_space<hbm>>) target(%arg5 : memref<16x2048xf32, #tpu.memory_space<vmem>>) target_semaphore(%dma_start3A_565 : memref<!tpu.dma_semaphore, #tpu.memory_space<semaphore_mem>>)
    %add3A_568 = arith.constant 256 : i32
    %add3A_569 = arith.addi %mul3A_2, %add3A_568 : i32
    %dma_wait3A_570 = arith.constant 1 : i32
    %dma_wait3A_571 = arith.constant 0 : i32
    %dma_wait3A_572 = tpu.memref_slice %arg2[%add3A_569, %dma_wait3A_571] : memref<16384x2048xf32, #tpu.memory_space<hbm>> -> memref<16x2048xf32, #tpu.memory_space<hbm>>
    %dma_wait3A_573 = tpu.memref_slice %arg7[%dma_wait3A_570] : memref<3x!tpu.dma_semaphore, #tpu.memory_space<semaphore_mem>> -> memref<1x!tpu.dma_semaphore, #tpu.memory_space<semaphore_mem>>
    %dma_wait3A_574 = tpu.memref_squeeze %dma_wait3A_573 : memref<1x!tpu.dma_semaphore, #tpu.memory_space<semaphore_mem>> -> memref<!tpu.dma_semaphore, #tpu.memory_space<semaphore_mem>>
    %dma_wait3A_575 = arith.constant 0 : i32
    %dma_wait3A_576 = tpu.memref_slice %arg2[%add3A_569, %dma_wait3A_575] : memref<16384x2048xf32, #tpu.memory_space<hbm>> -> memref<16x2048xf32, #tpu.memory_space<hbm>>
    tpu.wait_dma2 semaphore(%dma_wait3A_574 : memref<!tpu.dma_semaphore, #tpu.memory_space<semaphore_mem>>) src(%dma_wait3A_576 : memref<16x2048xf32, #tpu.memory_space<hbm>>) dst(%arg5 : memref<16x2048xf32, #tpu.memory_space<vmem>>)
    %add3A_577 = arith.constant 256 : i32
    %add3A_578 = arith.addi %mul3A_2, %add3A_577 : i32
    %dma_start3A_579 = arith.constant 1 : i32
    %dma_start3A_580 = arith.constant 0 : i32
    %dma_start3A_581 = tpu.memref_slice %arg3[%add3A_578, %dma_start3A_580] : memref<16384x2048xf32, #tpu.memory_space<hbm>> -> memref<16x2048xf32, #tpu.memory_space<hbm>>
    %dma_start3A_582 = tpu.memref_slice %arg8[%dma_start3A_579] : memref<3x!tpu.dma_semaphore, #tpu.memory_space<semaphore_mem>> -> memref<1x!tpu.dma_semaphore, #tpu.memory_space<semaphore_mem>>
    %dma_start3A_583 = tpu.memref_squeeze %dma_start3A_582 : memref<1x!tpu.dma_semaphore, #tpu.memory_space<semaphore_mem>> -> memref<!tpu.dma_semaphore, #tpu.memory_space<semaphore_mem>>
    %dma_start3A_584 = arith.constant 0 : i32
    %dma_start3A_585 = tpu.memref_slice %arg3[%add3A_578, %dma_start3A_584] : memref<16384x2048xf32, #tpu.memory_space<hbm>> -> memref<16x2048xf32, #tpu.memory_space<hbm>>
    tpu.enqueue_dma source(%arg5 : memref<16x2048xf32, #tpu.memory_space<vmem>>) target(%dma_start3A_585 : memref<16x2048xf32, #tpu.memory_space<hbm>>) target_semaphore(%dma_start3A_583 : memref<!tpu.dma_semaphore, #tpu.memory_space<semaphore_mem>>)
    %add3A_586 = arith.constant 224 : i32
    %add3A_587 = arith.addi %mul3A_2, %add3A_586 : i32
    %dma_wait3A_588 = arith.constant 2 : i32
    %dma_wait3A_589 = arith.constant 0 : i32
    %dma_wait3A_590 = tpu.memref_slice %arg3[%add3A_587, %dma_wait3A_589] : memref<16384x2048xf32, #tpu.memory_space<hbm>> -> memref<16x2048xf32, #tpu.memory_space<hbm>>
    %dma_wait3A_591 = tpu.memref_slice %arg8[%dma_wait3A_588] : memref<3x!tpu.dma_semaphore, #tpu.memory_space<semaphore_mem>> -> memref<1x!tpu.dma_semaphore, #tpu.memory_space<semaphore_mem>>
    %dma_wait3A_592 = tpu.memref_squeeze %dma_wait3A_591 : memref<1x!tpu.dma_semaphore, #tpu.memory_space<semaphore_mem>> -> memref<!tpu.dma_semaphore, #tpu.memory_space<semaphore_mem>>
    %dma_wait3A_593 = arith.constant 0 : i32
    %dma_wait3A_594 = tpu.memref_slice %arg3[%add3A_587, %dma_wait3A_593] : memref<16384x2048xf32, #tpu.memory_space<hbm>> -> memref<16x2048xf32, #tpu.memory_space<hbm>>
    tpu.wait_dma2 semaphore(%dma_wait3A_592 : memref<!tpu.dma_semaphore, #tpu.memory_space<semaphore_mem>>) src(%arg6 : memref<16x2048xf32, #tpu.memory_space<vmem>>) dst(%dma_wait3A_594 : memref<16x2048xf32, #tpu.memory_space<hbm>>)
    %add3A_595 = arith.constant 272 : i32
    %add3A_596 = arith.addi %mul3A_2, %add3A_595 : i32
    %dma_start3A_597 = arith.constant 2 : i32
    %dma_start3A_598 = arith.constant 0 : i32
    %dma_start3A_599 = tpu.memref_slice %arg2[%add3A_596, %dma_start3A_598] : memref<16384x2048xf32, #tpu.memory_space<hbm>> -> memref<16x2048xf32, #tpu.memory_space<hbm>>
    %dma_start3A_600 = tpu.memref_slice %arg7[%dma_start3A_597] : memref<3x!tpu.dma_semaphore, #tpu.memory_space<semaphore_mem>> -> memref<1x!tpu.dma_semaphore, #tpu.memory_space<semaphore_mem>>
    %dma_start3A_601 = tpu.memref_squeeze %dma_start3A_600 : memref<1x!tpu.dma_semaphore, #tpu.memory_space<semaphore_mem>> -> memref<!tpu.dma_semaphore, #tpu.memory_space<semaphore_mem>>
    %dma_start3A_602 = arith.constant 0 : i32
    %dma_start3A_603 = tpu.memref_slice %arg2[%add3A_596, %dma_start3A_602] : memref<16384x2048xf32, #tpu.memory_space<hbm>> -> memref<16x2048xf32, #tpu.memory_space<hbm>>
    tpu.enqueue_dma source(%dma_start3A_603 : memref<16x2048xf32, #tpu.memory_space<hbm>>) target(%arg6 : memref<16x2048xf32, #tpu.memory_space<vmem>>) target_semaphore(%dma_start3A_601 : memref<!tpu.dma_semaphore, #tpu.memory_space<semaphore_mem>>)
    %add3A_604 = arith.constant 272 : i32
    %add3A_605 = arith.addi %mul3A_2, %add3A_604 : i32
    %dma_wait3A_606 = arith.constant 2 : i32
    %dma_wait3A_607 = arith.constant 0 : i32
    %dma_wait3A_608 = tpu.memref_slice %arg2[%add3A_605, %dma_wait3A_607] : memref<16384x2048xf32, #tpu.memory_space<hbm>> -> memref<16x2048xf32, #tpu.memory_space<hbm>>
    %dma_wait3A_609 = tpu.memref_slice %arg7[%dma_wait3A_606] : memref<3x!tpu.dma_semaphore, #tpu.memory_space<semaphore_mem>> -> memref<1x!tpu.dma_semaphore, #tpu.memory_space<semaphore_mem>>
    %dma_wait3A_610 = tpu.memref_squeeze %dma_wait3A_609 : memref<1x!tpu.dma_semaphore, #tpu.memory_space<semaphore_mem>> -> memref<!tpu.dma_semaphore, #tpu.memory_space<semaphore_mem>>
    %dma_wait3A_611 = arith.constant 0 : i32
    %dma_wait3A_612 = tpu.memref_slice %arg2[%add3A_605, %dma_wait3A_611] : memref<16384x2048xf32, #tpu.memory_space<hbm>> -> memref<16x2048xf32, #tpu.memory_space<hbm>>
    tpu.wait_dma2 semaphore(%dma_wait3A_610 : memref<!tpu.dma_semaphore, #tpu.memory_space<semaphore_mem>>) src(%dma_wait3A_612 : memref<16x2048xf32, #tpu.memory_space<hbm>>) dst(%arg6 : memref<16x2048xf32, #tpu.memory_space<vmem>>)
    %add3A_613 = arith.constant 272 : i32
    %add3A_614 = arith.addi %mul3A_2, %add3A_613 : i32
    %dma_start3A_615 = arith.constant 2 : i32
    %dma_start3A_616 = arith.constant 0 : i32
    %dma_start3A_617 = tpu.memref_slice %arg3[%add3A_614, %dma_start3A_616] : memref<16384x2048xf32, #tpu.memory_space<hbm>> -> memref<16x2048xf32, #tpu.memory_space<hbm>>
    %dma_start3A_618 = tpu.memref_slice %arg8[%dma_start3A_615] : memref<3x!tpu.dma_semaphore, #tpu.memory_space<semaphore_mem>> -> memref<1x!tpu.dma_semaphore, #tpu.memory_space<semaphore_mem>>
    %dma_start3A_619 = tpu.memref_squeeze %dma_start3A_618 : memref<1x!tpu.dma_semaphore, #tpu.memory_space<semaphore_mem>> -> memref<!tpu.dma_semaphore, #tpu.memory_space<semaphore_mem>>
    %dma_start3A_620 = arith.constant 0 : i32
    %dma_start3A_621 = tpu.memref_slice %arg3[%add3A_614, %dma_start3A_620] : memref<16384x2048xf32, #tpu.memory_space<hbm>> -> memref<16x2048xf32, #tpu.memory_space<hbm>>
    tpu.enqueue_dma source(%arg6 : memref<16x2048xf32, #tpu.memory_space<vmem>>) target(%dma_start3A_621 : memref<16x2048xf32, #tpu.memory_space<hbm>>) target_semaphore(%dma_start3A_619 : memref<!tpu.dma_semaphore, #tpu.memory_space<semaphore_mem>>)
    %add3A_622 = arith.constant 240 : i32
    %add3A_623 = arith.addi %mul3A_2, %add3A_622 : i32
    %dma_wait3A_624 = arith.constant 0 : i32
    %dma_wait3A_625 = arith.constant 0 : i32
    %dma_wait3A_626 = tpu.memref_slice %arg3[%add3A_623, %dma_wait3A_625] : memref<16384x2048xf32, #tpu.memory_space<hbm>> -> memref<16x2048xf32, #tpu.memory_space<hbm>>
    %dma_wait3A_627 = tpu.memref_slice %arg8[%dma_wait3A_624] : memref<3x!tpu.dma_semaphore, #tpu.memory_space<semaphore_mem>> -> memref<1x!tpu.dma_semaphore, #tpu.memory_space<semaphore_mem>>
    %dma_wait3A_628 = tpu.memref_squeeze %dma_wait3A_627 : memref<1x!tpu.dma_semaphore, #tpu.memory_space<semaphore_mem>> -> memref<!tpu.dma_semaphore, #tpu.memory_space<semaphore_mem>>
    %dma_wait3A_629 = arith.constant 0 : i32
    %dma_wait3A_630 = tpu.memref_slice %arg3[%add3A_623, %dma_wait3A_629] : memref<16384x2048xf32, #tpu.memory_space<hbm>> -> memref<16x2048xf32, #tpu.memory_space<hbm>>
    tpu.wait_dma2 semaphore(%dma_wait3A_628 : memref<!tpu.dma_semaphore, #tpu.memory_space<semaphore_mem>>) src(%arg4 : memref<16x2048xf32, #tpu.memory_space<vmem>>) dst(%dma_wait3A_630 : memref<16x2048xf32, #tpu.memory_space<hbm>>)
    %add3A_631 = arith.constant 288 : i32
    %add3A_632 = arith.addi %mul3A_2, %add3A_631 : i32
    %dma_start3A_633 = arith.constant 0 : i32
    %dma_start3A_634 = arith.constant 0 : i32
    %dma_start3A_635 = tpu.memref_slice %arg2[%add3A_632, %dma_start3A_634] : memref<16384x2048xf32, #tpu.memory_space<hbm>> -> memref<16x2048xf32, #tpu.memory_space<hbm>>
    %dma_start3A_636 = tpu.memref_slice %arg7[%dma_start3A_633] : memref<3x!tpu.dma_semaphore, #tpu.memory_space<semaphore_mem>> -> memref<1x!tpu.dma_semaphore, #tpu.memory_space<semaphore_mem>>
    %dma_start3A_637 = tpu.memref_squeeze %dma_start3A_636 : memref<1x!tpu.dma_semaphore, #tpu.memory_space<semaphore_mem>> -> memref<!tpu.dma_semaphore, #tpu.memory_space<semaphore_mem>>
    %dma_start3A_638 = arith.constant 0 : i32
    %dma_start3A_639 = tpu.memref_slice %arg2[%add3A_632, %dma_start3A_638] : memref<16384x2048xf32, #tpu.memory_space<hbm>> -> memref<16x2048xf32, #tpu.memory_space<hbm>>
    tpu.enqueue_dma source(%dma_start3A_639 : memref<16x2048xf32, #tpu.memory_space<hbm>>) target(%arg4 : memref<16x2048xf32, #tpu.memory_space<vmem>>) target_semaphore(%dma_start3A_637 : memref<!tpu.dma_semaphore, #tpu.memory_space<semaphore_mem>>)
    %add3A_640 = arith.constant 288 : i32
    %add3A_641 = arith.addi %mul3A_2, %add3A_640 : i32
    %dma_wait3A_642 = arith.constant 0 : i32
    %dma_wait3A_643 = arith.constant 0 : i32
    %dma_wait3A_644 = tpu.memref_slice %arg2[%add3A_641, %dma_wait3A_643] : memref<16384x2048xf32, #tpu.memory_space<hbm>> -> memref<16x2048xf32, #tpu.memory_space<hbm>>
    %dma_wait3A_645 = tpu.memref_slice %arg7[%dma_wait3A_642] : memref<3x!tpu.dma_semaphore, #tpu.memory_space<semaphore_mem>> -> memref<1x!tpu.dma_semaphore, #tpu.memory_space<semaphore_mem>>
    %dma_wait3A_646 = tpu.memref_squeeze %dma_wait3A_645 : memref<1x!tpu.dma_semaphore, #tpu.memory_space<semaphore_mem>> -> memref<!tpu.dma_semaphore, #tpu.memory_space<semaphore_mem>>
    %dma_wait3A_647 = arith.constant 0 : i32
    %dma_wait3A_648 = tpu.memref_slice %arg2[%add3A_641, %dma_wait3A_647] : memref<16384x2048xf32, #tpu.memory_space<hbm>> -> memref<16x2048xf32, #tpu.memory_space<hbm>>
    tpu.wait_dma2 semaphore(%dma_wait3A_646 : memref<!tpu.dma_semaphore, #tpu.memory_space<semaphore_mem>>) src(%dma_wait3A_648 : memref<16x2048xf32, #tpu.memory_space<hbm>>) dst(%arg4 : memref<16x2048xf32, #tpu.memory_space<vmem>>)
    %add3A_649 = arith.constant 288 : i32
    %add3A_650 = arith.addi %mul3A_2, %add3A_649 : i32
    %dma_start3A_651 = arith.constant 0 : i32
    %dma_start3A_652 = arith.constant 0 : i32
    %dma_start3A_653 = tpu.memref_slice %arg3[%add3A_650, %dma_start3A_652] : memref<16384x2048xf32, #tpu.memory_space<hbm>> -> memref<16x2048xf32, #tpu.memory_space<hbm>>
    %dma_start3A_654 = tpu.memref_slice %arg8[%dma_start3A_651] : memref<3x!tpu.dma_semaphore, #tpu.memory_space<semaphore_mem>> -> memref<1x!tpu.dma_semaphore, #tpu.memory_space<semaphore_mem>>
    %dma_start3A_655 = tpu.memref_squeeze %dma_start3A_654 : memref<1x!tpu.dma_semaphore, #tpu.memory_space<semaphore_mem>> -> memref<!tpu.dma_semaphore, #tpu.memory_space<semaphore_mem>>
    %dma_start3A_656 = arith.constant 0 : i32
    %dma_start3A_657 = tpu.memref_slice %arg3[%add3A_650, %dma_start3A_656] : memref<16384x2048xf32, #tpu.memory_space<hbm>> -> memref<16x2048xf32, #tpu.memory_space<hbm>>
    tpu.enqueue_dma source(%arg4 : memref<16x2048xf32, #tpu.memory_space<vmem>>) target(%dma_start3A_657 : memref<16x2048xf32, #tpu.memory_space<hbm>>) target_semaphore(%dma_start3A_655 : memref<!tpu.dma_semaphore, #tpu.memory_space<semaphore_mem>>)
    %add3A_658 = arith.constant 256 : i32
    %add3A_659 = arith.addi %mul3A_2, %add3A_658 : i32
    %dma_wait3A_660 = arith.constant 1 : i32
    %dma_wait3A_661 = arith.constant 0 : i32
    %dma_wait3A_662 = tpu.memref_slice %arg3[%add3A_659, %dma_wait3A_661] : memref<16384x2048xf32, #tpu.memory_space<hbm>> -> memref<16x2048xf32, #tpu.memory_space<hbm>>
    %dma_wait3A_663 = tpu.memref_slice %arg8[%dma_wait3A_660] : memref<3x!tpu.dma_semaphore, #tpu.memory_space<semaphore_mem>> -> memref<1x!tpu.dma_semaphore, #tpu.memory_space<semaphore_mem>>
    %dma_wait3A_664 = tpu.memref_squeeze %dma_wait3A_663 : memref<1x!tpu.dma_semaphore, #tpu.memory_space<semaphore_mem>> -> memref<!tpu.dma_semaphore, #tpu.memory_space<semaphore_mem>>
    %dma_wait3A_665 = arith.constant 0 : i32
    %dma_wait3A_666 = tpu.memref_slice %arg3[%add3A_659, %dma_wait3A_665] : memref<16384x2048xf32, #tpu.memory_space<hbm>> -> memref<16x2048xf32, #tpu.memory_space<hbm>>
    tpu.wait_dma2 semaphore(%dma_wait3A_664 : memref<!tpu.dma_semaphore, #tpu.memory_space<semaphore_mem>>) src(%arg5 : memref<16x2048xf32, #tpu.memory_space<vmem>>) dst(%dma_wait3A_666 : memref<16x2048xf32, #tpu.memory_space<hbm>>)
    %add3A_667 = arith.constant 304 : i32
    %add3A_668 = arith.addi %mul3A_2, %add3A_667 : i32
    %dma_start3A_669 = arith.constant 1 : i32
    %dma_start3A_670 = arith.constant 0 : i32
    %dma_start3A_671 = tpu.memref_slice %arg2[%add3A_668, %dma_start3A_670] : memref<16384x2048xf32, #tpu.memory_space<hbm>> -> memref<16x2048xf32, #tpu.memory_space<hbm>>
    %dma_start3A_672 = tpu.memref_slice %arg7[%dma_start3A_669] : memref<3x!tpu.dma_semaphore, #tpu.memory_space<semaphore_mem>> -> memref<1x!tpu.dma_semaphore, #tpu.memory_space<semaphore_mem>>
    %dma_start3A_673 = tpu.memref_squeeze %dma_start3A_672 : memref<1x!tpu.dma_semaphore, #tpu.memory_space<semaphore_mem>> -> memref<!tpu.dma_semaphore, #tpu.memory_space<semaphore_mem>>
    %dma_start3A_674 = arith.constant 0 : i32
    %dma_start3A_675 = tpu.memref_slice %arg2[%add3A_668, %dma_start3A_674] : memref<16384x2048xf32, #tpu.memory_space<hbm>> -> memref<16x2048xf32, #tpu.memory_space<hbm>>
    tpu.enqueue_dma source(%dma_start3A_675 : memref<16x2048xf32, #tpu.memory_space<hbm>>) target(%arg5 : memref<16x2048xf32, #tpu.memory_space<vmem>>) target_semaphore(%dma_start3A_673 : memref<!tpu.dma_semaphore, #tpu.memory_space<semaphore_mem>>)
    %add3A_676 = arith.constant 304 : i32
    %add3A_677 = arith.addi %mul3A_2, %add3A_676 : i32
    %dma_wait3A_678 = arith.constant 1 : i32
    %dma_wait3A_679 = arith.constant 0 : i32
    %dma_wait3A_680 = tpu.memref_slice %arg2[%add3A_677, %dma_wait3A_679] : memref<16384x2048xf32, #tpu.memory_space<hbm>> -> memref<16x2048xf32, #tpu.memory_space<hbm>>
    %dma_wait3A_681 = tpu.memref_slice %arg7[%dma_wait3A_678] : memref<3x!tpu.dma_semaphore, #tpu.memory_space<semaphore_mem>> -> memref<1x!tpu.dma_semaphore, #tpu.memory_space<semaphore_mem>>
    %dma_wait3A_682 = tpu.memref_squeeze %dma_wait3A_681 : memref<1x!tpu.dma_semaphore, #tpu.memory_space<semaphore_mem>> -> memref<!tpu.dma_semaphore, #tpu.memory_space<semaphore_mem>>
    %dma_wait3A_683 = arith.constant 0 : i32
    %dma_wait3A_684 = tpu.memref_slice %arg2[%add3A_677, %dma_wait3A_683] : memref<16384x2048xf32, #tpu.memory_space<hbm>> -> memref<16x2048xf32, #tpu.memory_space<hbm>>
    tpu.wait_dma2 semaphore(%dma_wait3A_682 : memref<!tpu.dma_semaphore, #tpu.memory_space<semaphore_mem>>) src(%dma_wait3A_684 : memref<16x2048xf32, #tpu.memory_space<hbm>>) dst(%arg5 : memref<16x2048xf32, #tpu.memory_space<vmem>>)
    %add3A_685 = arith.constant 304 : i32
    %add3A_686 = arith.addi %mul3A_2, %add3A_685 : i32
    %dma_start3A_687 = arith.constant 1 : i32
    %dma_start3A_688 = arith.constant 0 : i32
    %dma_start3A_689 = tpu.memref_slice %arg3[%add3A_686, %dma_start3A_688] : memref<16384x2048xf32, #tpu.memory_space<hbm>> -> memref<16x2048xf32, #tpu.memory_space<hbm>>
    %dma_start3A_690 = tpu.memref_slice %arg8[%dma_start3A_687] : memref<3x!tpu.dma_semaphore, #tpu.memory_space<semaphore_mem>> -> memref<1x!tpu.dma_semaphore, #tpu.memory_space<semaphore_mem>>
    %dma_start3A_691 = tpu.memref_squeeze %dma_start3A_690 : memref<1x!tpu.dma_semaphore, #tpu.memory_space<semaphore_mem>> -> memref<!tpu.dma_semaphore, #tpu.memory_space<semaphore_mem>>
    %dma_start3A_692 = arith.constant 0 : i32
    %dma_start3A_693 = tpu.memref_slice %arg3[%add3A_686, %dma_start3A_692] : memref<16384x2048xf32, #tpu.memory_space<hbm>> -> memref<16x2048xf32, #tpu.memory_space<hbm>>
    tpu.enqueue_dma source(%arg5 : memref<16x2048xf32, #tpu.memory_space<vmem>>) target(%dma_start3A_693 : memref<16x2048xf32, #tpu.memory_space<hbm>>) target_semaphore(%dma_start3A_691 : memref<!tpu.dma_semaphore, #tpu.memory_space<semaphore_mem>>)
    %add3A_694 = arith.constant 272 : i32
    %add3A_695 = arith.addi %mul3A_2, %add3A_694 : i32
    %dma_wait3A_696 = arith.constant 2 : i32
    %dma_wait3A_697 = arith.constant 0 : i32
    %dma_wait3A_698 = tpu.memref_slice %arg3[%add3A_695, %dma_wait3A_697] : memref<16384x2048xf32, #tpu.memory_space<hbm>> -> memref<16x2048xf32, #tpu.memory_space<hbm>>
    %dma_wait3A_699 = tpu.memref_slice %arg8[%dma_wait3A_696] : memref<3x!tpu.dma_semaphore, #tpu.memory_space<semaphore_mem>> -> memref<1x!tpu.dma_semaphore, #tpu.memory_space<semaphore_mem>>
    %dma_wait3A_700 = tpu.memref_squeeze %dma_wait3A_699 : memref<1x!tpu.dma_semaphore, #tpu.memory_space<semaphore_mem>> -> memref<!tpu.dma_semaphore, #tpu.memory_space<semaphore_mem>>
    %dma_wait3A_701 = arith.constant 0 : i32
    %dma_wait3A_702 = tpu.memref_slice %arg3[%add3A_695, %dma_wait3A_701] : memref<16384x2048xf32, #tpu.memory_space<hbm>> -> memref<16x2048xf32, #tpu.memory_space<hbm>>
    tpu.wait_dma2 semaphore(%dma_wait3A_700 : memref<!tpu.dma_semaphore, #tpu.memory_space<semaphore_mem>>) src(%arg6 : memref<16x2048xf32, #tpu.memory_space<vmem>>) dst(%dma_wait3A_702 : memref<16x2048xf32, #tpu.memory_space<hbm>>)
    %add3A_703 = arith.constant 320 : i32
    %add3A_704 = arith.addi %mul3A_2, %add3A_703 : i32
    %dma_start3A_705 = arith.constant 2 : i32
    %dma_start3A_706 = arith.constant 0 : i32
    %dma_start3A_707 = tpu.memref_slice %arg2[%add3A_704, %dma_start3A_706] : memref<16384x2048xf32, #tpu.memory_space<hbm>> -> memref<16x2048xf32, #tpu.memory_space<hbm>>
    %dma_start3A_708 = tpu.memref_slice %arg7[%dma_start3A_705] : memref<3x!tpu.dma_semaphore, #tpu.memory_space<semaphore_mem>> -> memref<1x!tpu.dma_semaphore, #tpu.memory_space<semaphore_mem>>
    %dma_start3A_709 = tpu.memref_squeeze %dma_start3A_708 : memref<1x!tpu.dma_semaphore, #tpu.memory_space<semaphore_mem>> -> memref<!tpu.dma_semaphore, #tpu.memory_space<semaphore_mem>>
    %dma_start3A_710 = arith.constant 0 : i32
    %dma_start3A_711 = tpu.memref_slice %arg2[%add3A_704, %dma_start3A_710] : memref<16384x2048xf32, #tpu.memory_space<hbm>> -> memref<16x2048xf32, #tpu.memory_space<hbm>>
    tpu.enqueue_dma source(%dma_start3A_711 : memref<16x2048xf32, #tpu.memory_space<hbm>>) target(%arg6 : memref<16x2048xf32, #tpu.memory_space<vmem>>) target_semaphore(%dma_start3A_709 : memref<!tpu.dma_semaphore, #tpu.memory_space<semaphore_mem>>)
    %add3A_712 = arith.constant 320 : i32
    %add3A_713 = arith.addi %mul3A_2, %add3A_712 : i32
    %dma_wait3A_714 = arith.constant 2 : i32
    %dma_wait3A_715 = arith.constant 0 : i32
    %dma_wait3A_716 = tpu.memref_slice %arg2[%add3A_713, %dma_wait3A_715] : memref<16384x2048xf32, #tpu.memory_space<hbm>> -> memref<16x2048xf32, #tpu.memory_space<hbm>>
    %dma_wait3A_717 = tpu.memref_slice %arg7[%dma_wait3A_714] : memref<3x!tpu.dma_semaphore, #tpu.memory_space<semaphore_mem>> -> memref<1x!tpu.dma_semaphore, #tpu.memory_space<semaphore_mem>>
    %dma_wait3A_718 = tpu.memref_squeeze %dma_wait3A_717 : memref<1x!tpu.dma_semaphore, #tpu.memory_space<semaphore_mem>> -> memref<!tpu.dma_semaphore, #tpu.memory_space<semaphore_mem>>
    %dma_wait3A_719 = arith.constant 0 : i32
    %dma_wait3A_720 = tpu.memref_slice %arg2[%add3A_713, %dma_wait3A_719] : memref<16384x2048xf32, #tpu.memory_space<hbm>> -> memref<16x2048xf32, #tpu.memory_space<hbm>>
    tpu.wait_dma2 semaphore(%dma_wait3A_718 : memref<!tpu.dma_semaphore, #tpu.memory_space<semaphore_mem>>) src(%dma_wait3A_720 : memref<16x2048xf32, #tpu.memory_space<hbm>>) dst(%arg6 : memref<16x2048xf32, #tpu.memory_space<vmem>>)
    %add3A_721 = arith.constant 320 : i32
    %add3A_722 = arith.addi %mul3A_2, %add3A_721 : i32
    %dma_start3A_723 = arith.constant 2 : i32
    %dma_start3A_724 = arith.constant 0 : i32
    %dma_start3A_725 = tpu.memref_slice %arg3[%add3A_722, %dma_start3A_724] : memref<16384x2048xf32, #tpu.memory_space<hbm>> -> memref<16x2048xf32, #tpu.memory_space<hbm>>
    %dma_start3A_726 = tpu.memref_slice %arg8[%dma_start3A_723] : memref<3x!tpu.dma_semaphore, #tpu.memory_space<semaphore_mem>> -> memref<1x!tpu.dma_semaphore, #tpu.memory_space<semaphore_mem>>
    %dma_start3A_727 = tpu.memref_squeeze %dma_start3A_726 : memref<1x!tpu.dma_semaphore, #tpu.memory_space<semaphore_mem>> -> memref<!tpu.dma_semaphore, #tpu.memory_space<semaphore_mem>>
    %dma_start3A_728 = arith.constant 0 : i32
    %dma_start3A_729 = tpu.memref_slice %arg3[%add3A_722, %dma_start3A_728] : memref<16384x2048xf32, #tpu.memory_space<hbm>> -> memref<16x2048xf32, #tpu.memory_space<hbm>>
    tpu.enqueue_dma source(%arg6 : memref<16x2048xf32, #tpu.memory_space<vmem>>) target(%dma_start3A_729 : memref<16x2048xf32, #tpu.memory_space<hbm>>) target_semaphore(%dma_start3A_727 : memref<!tpu.dma_semaphore, #tpu.memory_space<semaphore_mem>>)
    %add3A_730 = arith.constant 288 : i32
    %add3A_731 = arith.addi %mul3A_2, %add3A_730 : i32
    %dma_wait3A_732 = arith.constant 0 : i32
    %dma_wait3A_733 = arith.constant 0 : i32
    %dma_wait3A_734 = tpu.memref_slice %arg3[%add3A_731, %dma_wait3A_733] : memref<16384x2048xf32, #tpu.memory_space<hbm>> -> memref<16x2048xf32, #tpu.memory_space<hbm>>
    %dma_wait3A_735 = tpu.memref_slice %arg8[%dma_wait3A_732] : memref<3x!tpu.dma_semaphore, #tpu.memory_space<semaphore_mem>> -> memref<1x!tpu.dma_semaphore, #tpu.memory_space<semaphore_mem>>
    %dma_wait3A_736 = tpu.memref_squeeze %dma_wait3A_735 : memref<1x!tpu.dma_semaphore, #tpu.memory_space<semaphore_mem>> -> memref<!tpu.dma_semaphore, #tpu.memory_space<semaphore_mem>>
    %dma_wait3A_737 = arith.constant 0 : i32
    %dma_wait3A_738 = tpu.memref_slice %arg3[%add3A_731, %dma_wait3A_737] : memref<16384x2048xf32, #tpu.memory_space<hbm>> -> memref<16x2048xf32, #tpu.memory_space<hbm>>
    tpu.wait_dma2 semaphore(%dma_wait3A_736 : memref<!tpu.dma_semaphore, #tpu.memory_space<semaphore_mem>>) src(%arg4 : memref<16x2048xf32, #tpu.memory_space<vmem>>) dst(%dma_wait3A_738 : memref<16x2048xf32, #tpu.memory_space<hbm>>)
    %add3A_739 = arith.constant 336 : i32
    %add3A_740 = arith.addi %mul3A_2, %add3A_739 : i32
    %dma_start3A_741 = arith.constant 0 : i32
    %dma_start3A_742 = arith.constant 0 : i32
    %dma_start3A_743 = tpu.memref_slice %arg2[%add3A_740, %dma_start3A_742] : memref<16384x2048xf32, #tpu.memory_space<hbm>> -> memref<16x2048xf32, #tpu.memory_space<hbm>>
    %dma_start3A_744 = tpu.memref_slice %arg7[%dma_start3A_741] : memref<3x!tpu.dma_semaphore, #tpu.memory_space<semaphore_mem>> -> memref<1x!tpu.dma_semaphore, #tpu.memory_space<semaphore_mem>>
    %dma_start3A_745 = tpu.memref_squeeze %dma_start3A_744 : memref<1x!tpu.dma_semaphore, #tpu.memory_space<semaphore_mem>> -> memref<!tpu.dma_semaphore, #tpu.memory_space<semaphore_mem>>
    %dma_start3A_746 = arith.constant 0 : i32
    %dma_start3A_747 = tpu.memref_slice %arg2[%add3A_740, %dma_start3A_746] : memref<16384x2048xf32, #tpu.memory_space<hbm>> -> memref<16x2048xf32, #tpu.memory_space<hbm>>
    tpu.enqueue_dma source(%dma_start3A_747 : memref<16x2048xf32, #tpu.memory_space<hbm>>) target(%arg4 : memref<16x2048xf32, #tpu.memory_space<vmem>>) target_semaphore(%dma_start3A_745 : memref<!tpu.dma_semaphore, #tpu.memory_space<semaphore_mem>>)
    %add3A_748 = arith.constant 336 : i32
    %add3A_749 = arith.addi %mul3A_2, %add3A_748 : i32
    %dma_wait3A_750 = arith.constant 0 : i32
    %dma_wait3A_751 = arith.constant 0 : i32
    %dma_wait3A_752 = tpu.memref_slice %arg2[%add3A_749, %dma_wait3A_751] : memref<16384x2048xf32, #tpu.memory_space<hbm>> -> memref<16x2048xf32, #tpu.memory_space<hbm>>
    %dma_wait3A_753 = tpu.memref_slice %arg7[%dma_wait3A_750] : memref<3x!tpu.dma_semaphore, #tpu.memory_space<semaphore_mem>> -> memref<1x!tpu.dma_semaphore, #tpu.memory_space<semaphore_mem>>
    %dma_wait3A_754 = tpu.memref_squeeze %dma_wait3A_753 : memref<1x!tpu.dma_semaphore, #tpu.memory_space<semaphore_mem>> -> memref<!tpu.dma_semaphore, #tpu.memory_space<semaphore_mem>>
    %dma_wait3A_755 = arith.constant 0 : i32
    %dma_wait3A_756 = tpu.memref_slice %arg2[%add3A_749, %dma_wait3A_755] : memref<16384x2048xf32, #tpu.memory_space<hbm>> -> memref<16x2048xf32, #tpu.memory_space<hbm>>
    tpu.wait_dma2 semaphore(%dma_wait3A_754 : memref<!tpu.dma_semaphore, #tpu.memory_space<semaphore_mem>>) src(%dma_wait3A_756 : memref<16x2048xf32, #tpu.memory_space<hbm>>) dst(%arg4 : memref<16x2048xf32, #tpu.memory_space<vmem>>)
    %add3A_757 = arith.constant 336 : i32
    %add3A_758 = arith.addi %mul3A_2, %add3A_757 : i32
    %dma_start3A_759 = arith.constant 0 : i32
    %dma_start3A_760 = arith.constant 0 : i32
    %dma_start3A_761 = tpu.memref_slice %arg3[%add3A_758, %dma_start3A_760] : memref<16384x2048xf32, #tpu.memory_space<hbm>> -> memref<16x2048xf32, #tpu.memory_space<hbm>>
    %dma_start3A_762 = tpu.memref_slice %arg8[%dma_start3A_759] : memref<3x!tpu.dma_semaphore, #tpu.memory_space<semaphore_mem>> -> memref<1x!tpu.dma_semaphore, #tpu.memory_space<semaphore_mem>>
    %dma_start3A_763 = tpu.memref_squeeze %dma_start3A_762 : memref<1x!tpu.dma_semaphore, #tpu.memory_space<semaphore_mem>> -> memref<!tpu.dma_semaphore, #tpu.memory_space<semaphore_mem>>
    %dma_start3A_764 = arith.constant 0 : i32
    %dma_start3A_765 = tpu.memref_slice %arg3[%add3A_758, %dma_start3A_764] : memref<16384x2048xf32, #tpu.memory_space<hbm>> -> memref<16x2048xf32, #tpu.memory_space<hbm>>
    tpu.enqueue_dma source(%arg4 : memref<16x2048xf32, #tpu.memory_space<vmem>>) target(%dma_start3A_765 : memref<16x2048xf32, #tpu.memory_space<hbm>>) target_semaphore(%dma_start3A_763 : memref<!tpu.dma_semaphore, #tpu.memory_space<semaphore_mem>>)
    %add3A_766 = arith.constant 304 : i32
    %add3A_767 = arith.addi %mul3A_2, %add3A_766 : i32
    %dma_wait3A_768 = arith.constant 1 : i32
    %dma_wait3A_769 = arith.constant 0 : i32
    %dma_wait3A_770 = tpu.memref_slice %arg3[%add3A_767, %dma_wait3A_769] : memref<16384x2048xf32, #tpu.memory_space<hbm>> -> memref<16x2048xf32, #tpu.memory_space<hbm>>
    %dma_wait3A_771 = tpu.memref_slice %arg8[%dma_wait3A_768] : memref<3x!tpu.dma_semaphore, #tpu.memory_space<semaphore_mem>> -> memref<1x!tpu.dma_semaphore, #tpu.memory_space<semaphore_mem>>
    %dma_wait3A_772 = tpu.memref_squeeze %dma_wait3A_771 : memref<1x!tpu.dma_semaphore, #tpu.memory_space<semaphore_mem>> -> memref<!tpu.dma_semaphore, #tpu.memory_space<semaphore_mem>>
    %dma_wait3A_773 = arith.constant 0 : i32
    %dma_wait3A_774 = tpu.memref_slice %arg3[%add3A_767, %dma_wait3A_773] : memref<16384x2048xf32, #tpu.memory_space<hbm>> -> memref<16x2048xf32, #tpu.memory_space<hbm>>
    tpu.wait_dma2 semaphore(%dma_wait3A_772 : memref<!tpu.dma_semaphore, #tpu.memory_space<semaphore_mem>>) src(%arg5 : memref<16x2048xf32, #tpu.memory_space<vmem>>) dst(%dma_wait3A_774 : memref<16x2048xf32, #tpu.memory_space<hbm>>)
    %add3A_775 = arith.constant 352 : i32
    %add3A_776 = arith.addi %mul3A_2, %add3A_775 : i32
    %dma_start3A_777 = arith.constant 1 : i32
    %dma_start3A_778 = arith.constant 0 : i32
    %dma_start3A_779 = tpu.memref_slice %arg2[%add3A_776, %dma_start3A_778] : memref<16384x2048xf32, #tpu.memory_space<hbm>> -> memref<16x2048xf32, #tpu.memory_space<hbm>>
    %dma_start3A_780 = tpu.memref_slice %arg7[%dma_start3A_777] : memref<3x!tpu.dma_semaphore, #tpu.memory_space<semaphore_mem>> -> memref<1x!tpu.dma_semaphore, #tpu.memory_space<semaphore_mem>>
    %dma_start3A_781 = tpu.memref_squeeze %dma_start3A_780 : memref<1x!tpu.dma_semaphore, #tpu.memory_space<semaphore_mem>> -> memref<!tpu.dma_semaphore, #tpu.memory_space<semaphore_mem>>
    %dma_start3A_782 = arith.constant 0 : i32
    %dma_start3A_783 = tpu.memref_slice %arg2[%add3A_776, %dma_start3A_782] : memref<16384x2048xf32, #tpu.memory_space<hbm>> -> memref<16x2048xf32, #tpu.memory_space<hbm>>
    tpu.enqueue_dma source(%dma_start3A_783 : memref<16x2048xf32, #tpu.memory_space<hbm>>) target(%arg5 : memref<16x2048xf32, #tpu.memory_space<vmem>>) target_semaphore(%dma_start3A_781 : memref<!tpu.dma_semaphore, #tpu.memory_space<semaphore_mem>>)
    %add3A_784 = arith.constant 352 : i32
    %add3A_785 = arith.addi %mul3A_2, %add3A_784 : i32
    %dma_wait3A_786 = arith.constant 1 : i32
    %dma_wait3A_787 = arith.constant 0 : i32
    %dma_wait3A_788 = tpu.memref_slice %arg2[%add3A_785, %dma_wait3A_787] : memref<16384x2048xf32, #tpu.memory_space<hbm>> -> memref<16x2048xf32, #tpu.memory_space<hbm>>
    %dma_wait3A_789 = tpu.memref_slice %arg7[%dma_wait3A_786] : memref<3x!tpu.dma_semaphore, #tpu.memory_space<semaphore_mem>> -> memref<1x!tpu.dma_semaphore, #tpu.memory_space<semaphore_mem>>
    %dma_wait3A_790 = tpu.memref_squeeze %dma_wait3A_789 : memref<1x!tpu.dma_semaphore, #tpu.memory_space<semaphore_mem>> -> memref<!tpu.dma_semaphore, #tpu.memory_space<semaphore_mem>>
    %dma_wait3A_791 = arith.constant 0 : i32
    %dma_wait3A_792 = tpu.memref_slice %arg2[%add3A_785, %dma_wait3A_791] : memref<16384x2048xf32, #tpu.memory_space<hbm>> -> memref<16x2048xf32, #tpu.memory_space<hbm>>
    tpu.wait_dma2 semaphore(%dma_wait3A_790 : memref<!tpu.dma_semaphore, #tpu.memory_space<semaphore_mem>>) src(%dma_wait3A_792 : memref<16x2048xf32, #tpu.memory_space<hbm>>) dst(%arg5 : memref<16x2048xf32, #tpu.memory_space<vmem>>)
    %add3A_793 = arith.constant 352 : i32
    %add3A_794 = arith.addi %mul3A_2, %add3A_793 : i32
    %dma_start3A_795 = arith.constant 1 : i32
    %dma_start3A_796 = arith.constant 0 : i32
    %dma_start3A_797 = tpu.memref_slice %arg3[%add3A_794, %dma_start3A_796] : memref<16384x2048xf32, #tpu.memory_space<hbm>> -> memref<16x2048xf32, #tpu.memory_space<hbm>>
    %dma_start3A_798 = tpu.memref_slice %arg8[%dma_start3A_795] : memref<3x!tpu.dma_semaphore, #tpu.memory_space<semaphore_mem>> -> memref<1x!tpu.dma_semaphore, #tpu.memory_space<semaphore_mem>>
    %dma_start3A_799 = tpu.memref_squeeze %dma_start3A_798 : memref<1x!tpu.dma_semaphore, #tpu.memory_space<semaphore_mem>> -> memref<!tpu.dma_semaphore, #tpu.memory_space<semaphore_mem>>
    %dma_start3A_800 = arith.constant 0 : i32
    %dma_start3A_801 = tpu.memref_slice %arg3[%add3A_794, %dma_start3A_800] : memref<16384x2048xf32, #tpu.memory_space<hbm>> -> memref<16x2048xf32, #tpu.memory_space<hbm>>
    tpu.enqueue_dma source(%arg5 : memref<16x2048xf32, #tpu.memory_space<vmem>>) target(%dma_start3A_801 : memref<16x2048xf32, #tpu.memory_space<hbm>>) target_semaphore(%dma_start3A_799 : memref<!tpu.dma_semaphore, #tpu.memory_space<semaphore_mem>>)
    %add3A_802 = arith.constant 320 : i32
    %add3A_803 = arith.addi %mul3A_2, %add3A_802 : i32
    %dma_wait3A_804 = arith.constant 2 : i32
    %dma_wait3A_805 = arith.constant 0 : i32
    %dma_wait3A_806 = tpu.memref_slice %arg3[%add3A_803, %dma_wait3A_805] : memref<16384x2048xf32, #tpu.memory_space<hbm>> -> memref<16x2048xf32, #tpu.memory_space<hbm>>
    %dma_wait3A_807 = tpu.memref_slice %arg8[%dma_wait3A_804] : memref<3x!tpu.dma_semaphore, #tpu.memory_space<semaphore_mem>> -> memref<1x!tpu.dma_semaphore, #tpu.memory_space<semaphore_mem>>
    %dma_wait3A_808 = tpu.memref_squeeze %dma_wait3A_807 : memref<1x!tpu.dma_semaphore, #tpu.memory_space<semaphore_mem>> -> memref<!tpu.dma_semaphore, #tpu.memory_space<semaphore_mem>>
    %dma_wait3A_809 = arith.constant 0 : i32
    %dma_wait3A_810 = tpu.memref_slice %arg3[%add3A_803, %dma_wait3A_809] : memref<16384x2048xf32, #tpu.memory_space<hbm>> -> memref<16x2048xf32, #tpu.memory_space<hbm>>
    tpu.wait_dma2 semaphore(%dma_wait3A_808 : memref<!tpu.dma_semaphore, #tpu.memory_space<semaphore_mem>>) src(%arg6 : memref<16x2048xf32, #tpu.memory_space<vmem>>) dst(%dma_wait3A_810 : memref<16x2048xf32, #tpu.memory_space<hbm>>)
    %add3A_811 = arith.constant 368 : i32
    %add3A_812 = arith.addi %mul3A_2, %add3A_811 : i32
    %dma_start3A_813 = arith.constant 2 : i32
    %dma_start3A_814 = arith.constant 0 : i32
    %dma_start3A_815 = tpu.memref_slice %arg2[%add3A_812, %dma_start3A_814] : memref<16384x2048xf32, #tpu.memory_space<hbm>> -> memref<16x2048xf32, #tpu.memory_space<hbm>>
    %dma_start3A_816 = tpu.memref_slice %arg7[%dma_start3A_813] : memref<3x!tpu.dma_semaphore, #tpu.memory_space<semaphore_mem>> -> memref<1x!tpu.dma_semaphore, #tpu.memory_space<semaphore_mem>>
    %dma_start3A_817 = tpu.memref_squeeze %dma_start3A_816 : memref<1x!tpu.dma_semaphore, #tpu.memory_space<semaphore_mem>> -> memref<!tpu.dma_semaphore, #tpu.memory_space<semaphore_mem>>
    %dma_start3A_818 = arith.constant 0 : i32
    %dma_start3A_819 = tpu.memref_slice %arg2[%add3A_812, %dma_start3A_818] : memref<16384x2048xf32, #tpu.memory_space<hbm>> -> memref<16x2048xf32, #tpu.memory_space<hbm>>
    tpu.enqueue_dma source(%dma_start3A_819 : memref<16x2048xf32, #tpu.memory_space<hbm>>) target(%arg6 : memref<16x2048xf32, #tpu.memory_space<vmem>>) target_semaphore(%dma_start3A_817 : memref<!tpu.dma_semaphore, #tpu.memory_space<semaphore_mem>>)
    %add3A_820 = arith.constant 368 : i32
    %add3A_821 = arith.addi %mul3A_2, %add3A_820 : i32
    %dma_wait3A_822 = arith.constant 2 : i32
    %dma_wait3A_823 = arith.constant 0 : i32
    %dma_wait3A_824 = tpu.memref_slice %arg2[%add3A_821, %dma_wait3A_823] : memref<16384x2048xf32, #tpu.memory_space<hbm>> -> memref<16x2048xf32, #tpu.memory_space<hbm>>
    %dma_wait3A_825 = tpu.memref_slice %arg7[%dma_wait3A_822] : memref<3x!tpu.dma_semaphore, #tpu.memory_space<semaphore_mem>> -> memref<1x!tpu.dma_semaphore, #tpu.memory_space<semaphore_mem>>
    %dma_wait3A_826 = tpu.memref_squeeze %dma_wait3A_825 : memref<1x!tpu.dma_semaphore, #tpu.memory_space<semaphore_mem>> -> memref<!tpu.dma_semaphore, #tpu.memory_space<semaphore_mem>>
    %dma_wait3A_827 = arith.constant 0 : i32
    %dma_wait3A_828 = tpu.memref_slice %arg2[%add3A_821, %dma_wait3A_827] : memref<16384x2048xf32, #tpu.memory_space<hbm>> -> memref<16x2048xf32, #tpu.memory_space<hbm>>
    tpu.wait_dma2 semaphore(%dma_wait3A_826 : memref<!tpu.dma_semaphore, #tpu.memory_space<semaphore_mem>>) src(%dma_wait3A_828 : memref<16x2048xf32, #tpu.memory_space<hbm>>) dst(%arg6 : memref<16x2048xf32, #tpu.memory_space<vmem>>)
    %add3A_829 = arith.constant 368 : i32
    %add3A_830 = arith.addi %mul3A_2, %add3A_829 : i32
    %dma_start3A_831 = arith.constant 2 : i32
    %dma_start3A_832 = arith.constant 0 : i32
    %dma_start3A_833 = tpu.memref_slice %arg3[%add3A_830, %dma_start3A_832] : memref<16384x2048xf32, #tpu.memory_space<hbm>> -> memref<16x2048xf32, #tpu.memory_space<hbm>>
    %dma_start3A_834 = tpu.memref_slice %arg8[%dma_start3A_831] : memref<3x!tpu.dma_semaphore, #tpu.memory_space<semaphore_mem>> -> memref<1x!tpu.dma_semaphore, #tpu.memory_space<semaphore_mem>>
    %dma_start3A_835 = tpu.memref_squeeze %dma_start3A_834 : memref<1x!tpu.dma_semaphore, #tpu.memory_space<semaphore_mem>> -> memref<!tpu.dma_semaphore, #tpu.memory_space<semaphore_mem>>
    %dma_start3A_836 = arith.constant 0 : i32
    %dma_start3A_837 = tpu.memref_slice %arg3[%add3A_830, %dma_start3A_836] : memref<16384x2048xf32, #tpu.memory_space<hbm>> -> memref<16x2048xf32, #tpu.memory_space<hbm>>
    tpu.enqueue_dma source(%arg6 : memref<16x2048xf32, #tpu.memory_space<vmem>>) target(%dma_start3A_837 : memref<16x2048xf32, #tpu.memory_space<hbm>>) target_semaphore(%dma_start3A_835 : memref<!tpu.dma_semaphore, #tpu.memory_space<semaphore_mem>>)
    %add3A_838 = arith.constant 336 : i32
    %add3A_839 = arith.addi %mul3A_2, %add3A_838 : i32
    %dma_wait3A_840 = arith.constant 0 : i32
    %dma_wait3A_841 = arith.constant 0 : i32
    %dma_wait3A_842 = tpu.memref_slice %arg3[%add3A_839, %dma_wait3A_841] : memref<16384x2048xf32, #tpu.memory_space<hbm>> -> memref<16x2048xf32, #tpu.memory_space<hbm>>
    %dma_wait3A_843 = tpu.memref_slice %arg8[%dma_wait3A_840] : memref<3x!tpu.dma_semaphore, #tpu.memory_space<semaphore_mem>> -> memref<1x!tpu.dma_semaphore, #tpu.memory_space<semaphore_mem>>
    %dma_wait3A_844 = tpu.memref_squeeze %dma_wait3A_843 : memref<1x!tpu.dma_semaphore, #tpu.memory_space<semaphore_mem>> -> memref<!tpu.dma_semaphore, #tpu.memory_space<semaphore_mem>>
    %dma_wait3A_845 = arith.constant 0 : i32
    %dma_wait3A_846 = tpu.memref_slice %arg3[%add3A_839, %dma_wait3A_845] : memref<16384x2048xf32, #tpu.memory_space<hbm>> -> memref<16x2048xf32, #tpu.memory_space<hbm>>
    tpu.wait_dma2 semaphore(%dma_wait3A_844 : memref<!tpu.dma_semaphore, #tpu.memory_space<semaphore_mem>>) src(%arg4 : memref<16x2048xf32, #tpu.memory_space<vmem>>) dst(%dma_wait3A_846 : memref<16x2048xf32, #tpu.memory_space<hbm>>)
    %add3A_847 = arith.constant 384 : i32
    %add3A_848 = arith.addi %mul3A_2, %add3A_847 : i32
    %dma_start3A_849 = arith.constant 0 : i32
    %dma_start3A_850 = arith.constant 0 : i32
    %dma_start3A_851 = tpu.memref_slice %arg2[%add3A_848, %dma_start3A_850] : memref<16384x2048xf32, #tpu.memory_space<hbm>> -> memref<16x2048xf32, #tpu.memory_space<hbm>>
    %dma_start3A_852 = tpu.memref_slice %arg7[%dma_start3A_849] : memref<3x!tpu.dma_semaphore, #tpu.memory_space<semaphore_mem>> -> memref<1x!tpu.dma_semaphore, #tpu.memory_space<semaphore_mem>>
    %dma_start3A_853 = tpu.memref_squeeze %dma_start3A_852 : memref<1x!tpu.dma_semaphore, #tpu.memory_space<semaphore_mem>> -> memref<!tpu.dma_semaphore, #tpu.memory_space<semaphore_mem>>
    %dma_start3A_854 = arith.constant 0 : i32
    %dma_start3A_855 = tpu.memref_slice %arg2[%add3A_848, %dma_start3A_854] : memref<16384x2048xf32, #tpu.memory_space<hbm>> -> memref<16x2048xf32, #tpu.memory_space<hbm>>
    tpu.enqueue_dma source(%dma_start3A_855 : memref<16x2048xf32, #tpu.memory_space<hbm>>) target(%arg4 : memref<16x2048xf32, #tpu.memory_space<vmem>>) target_semaphore(%dma_start3A_853 : memref<!tpu.dma_semaphore, #tpu.memory_space<semaphore_mem>>)
    %add3A_856 = arith.constant 384 : i32
    %add3A_857 = arith.addi %mul3A_2, %add3A_856 : i32
    %dma_wait3A_858 = arith.constant 0 : i32
    %dma_wait3A_859 = arith.constant 0 : i32
    %dma_wait3A_860 = tpu.memref_slice %arg2[%add3A_857, %dma_wait3A_859] : memref<16384x2048xf32, #tpu.memory_space<hbm>> -> memref<16x2048xf32, #tpu.memory_space<hbm>>
    %dma_wait3A_861 = tpu.memref_slice %arg7[%dma_wait3A_858] : memref<3x!tpu.dma_semaphore, #tpu.memory_space<semaphore_mem>> -> memref<1x!tpu.dma_semaphore, #tpu.memory_space<semaphore_mem>>
    %dma_wait3A_862 = tpu.memref_squeeze %dma_wait3A_861 : memref<1x!tpu.dma_semaphore, #tpu.memory_space<semaphore_mem>> -> memref<!tpu.dma_semaphore, #tpu.memory_space<semaphore_mem>>
    %dma_wait3A_863 = arith.constant 0 : i32
    %dma_wait3A_864 = tpu.memref_slice %arg2[%add3A_857, %dma_wait3A_863] : memref<16384x2048xf32, #tpu.memory_space<hbm>> -> memref<16x2048xf32, #tpu.memory_space<hbm>>
    tpu.wait_dma2 semaphore(%dma_wait3A_862 : memref<!tpu.dma_semaphore, #tpu.memory_space<semaphore_mem>>) src(%dma_wait3A_864 : memref<16x2048xf32, #tpu.memory_space<hbm>>) dst(%arg4 : memref<16x2048xf32, #tpu.memory_space<vmem>>)
    %add3A_865 = arith.constant 384 : i32
    %add3A_866 = arith.addi %mul3A_2, %add3A_865 : i32
    %dma_start3A_867 = arith.constant 0 : i32
    %dma_start3A_868 = arith.constant 0 : i32
    %dma_start3A_869 = tpu.memref_slice %arg3[%add3A_866, %dma_start3A_868] : memref<16384x2048xf32, #tpu.memory_space<hbm>> -> memref<16x2048xf32, #tpu.memory_space<hbm>>
    %dma_start3A_870 = tpu.memref_slice %arg8[%dma_start3A_867] : memref<3x!tpu.dma_semaphore, #tpu.memory_space<semaphore_mem>> -> memref<1x!tpu.dma_semaphore, #tpu.memory_space<semaphore_mem>>
    %dma_start3A_871 = tpu.memref_squeeze %dma_start3A_870 : memref<1x!tpu.dma_semaphore, #tpu.memory_space<semaphore_mem>> -> memref<!tpu.dma_semaphore, #tpu.memory_space<semaphore_mem>>
    %dma_start3A_872 = arith.constant 0 : i32
    %dma_start3A_873 = tpu.memref_slice %arg3[%add3A_866, %dma_start3A_872] : memref<16384x2048xf32, #tpu.memory_space<hbm>> -> memref<16x2048xf32, #tpu.memory_space<hbm>>
    tpu.enqueue_dma source(%arg4 : memref<16x2048xf32, #tpu.memory_space<vmem>>) target(%dma_start3A_873 : memref<16x2048xf32, #tpu.memory_space<hbm>>) target_semaphore(%dma_start3A_871 : memref<!tpu.dma_semaphore, #tpu.memory_space<semaphore_mem>>)
    %add3A_874 = arith.constant 352 : i32
    %add3A_875 = arith.addi %mul3A_2, %add3A_874 : i32
    %dma_wait3A_876 = arith.constant 1 : i32
    %dma_wait3A_877 = arith.constant 0 : i32
    %dma_wait3A_878 = tpu.memref_slice %arg3[%add3A_875, %dma_wait3A_877] : memref<16384x2048xf32, #tpu.memory_space<hbm>> -> memref<16x2048xf32, #tpu.memory_space<hbm>>
    %dma_wait3A_879 = tpu.memref_slice %arg8[%dma_wait3A_876] : memref<3x!tpu.dma_semaphore, #tpu.memory_space<semaphore_mem>> -> memref<1x!tpu.dma_semaphore, #tpu.memory_space<semaphore_mem>>
    %dma_wait3A_880 = tpu.memref_squeeze %dma_wait3A_879 : memref<1x!tpu.dma_semaphore, #tpu.memory_space<semaphore_mem>> -> memref<!tpu.dma_semaphore, #tpu.memory_space<semaphore_mem>>
    %dma_wait3A_881 = arith.constant 0 : i32
    %dma_wait3A_882 = tpu.memref_slice %arg3[%add3A_875, %dma_wait3A_881] : memref<16384x2048xf32, #tpu.memory_space<hbm>> -> memref<16x2048xf32, #tpu.memory_space<hbm>>
    tpu.wait_dma2 semaphore(%dma_wait3A_880 : memref<!tpu.dma_semaphore, #tpu.memory_space<semaphore_mem>>) src(%arg5 : memref<16x2048xf32, #tpu.memory_space<vmem>>) dst(%dma_wait3A_882 : memref<16x2048xf32, #tpu.memory_space<hbm>>)
    %add3A_883 = arith.constant 400 : i32
    %add3A_884 = arith.addi %mul3A_2, %add3A_883 : i32
    %dma_start3A_885 = arith.constant 1 : i32
    %dma_start3A_886 = arith.constant 0 : i32
    %dma_start3A_887 = tpu.memref_slice %arg2[%add3A_884, %dma_start3A_886] : memref<16384x2048xf32, #tpu.memory_space<hbm>> -> memref<16x2048xf32, #tpu.memory_space<hbm>>
    %dma_start3A_888 = tpu.memref_slice %arg7[%dma_start3A_885] : memref<3x!tpu.dma_semaphore, #tpu.memory_space<semaphore_mem>> -> memref<1x!tpu.dma_semaphore, #tpu.memory_space<semaphore_mem>>
    %dma_start3A_889 = tpu.memref_squeeze %dma_start3A_888 : memref<1x!tpu.dma_semaphore, #tpu.memory_space<semaphore_mem>> -> memref<!tpu.dma_semaphore, #tpu.memory_space<semaphore_mem>>
    %dma_start3A_890 = arith.constant 0 : i32
    %dma_start3A_891 = tpu.memref_slice %arg2[%add3A_884, %dma_start3A_890] : memref<16384x2048xf32, #tpu.memory_space<hbm>> -> memref<16x2048xf32, #tpu.memory_space<hbm>>
    tpu.enqueue_dma source(%dma_start3A_891 : memref<16x2048xf32, #tpu.memory_space<hbm>>) target(%arg5 : memref<16x2048xf32, #tpu.memory_space<vmem>>) target_semaphore(%dma_start3A_889 : memref<!tpu.dma_semaphore, #tpu.memory_space<semaphore_mem>>)
    %add3A_892 = arith.constant 400 : i32
    %add3A_893 = arith.addi %mul3A_2, %add3A_892 : i32
    %dma_wait3A_894 = arith.constant 1 : i32
    %dma_wait3A_895 = arith.constant 0 : i32
    %dma_wait3A_896 = tpu.memref_slice %arg2[%add3A_893, %dma_wait3A_895] : memref<16384x2048xf32, #tpu.memory_space<hbm>> -> memref<16x2048xf32, #tpu.memory_space<hbm>>
    %dma_wait3A_897 = tpu.memref_slice %arg7[%dma_wait3A_894] : memref<3x!tpu.dma_semaphore, #tpu.memory_space<semaphore_mem>> -> memref<1x!tpu.dma_semaphore, #tpu.memory_space<semaphore_mem>>
    %dma_wait3A_898 = tpu.memref_squeeze %dma_wait3A_897 : memref<1x!tpu.dma_semaphore, #tpu.memory_space<semaphore_mem>> -> memref<!tpu.dma_semaphore, #tpu.memory_space<semaphore_mem>>
    %dma_wait3A_899 = arith.constant 0 : i32
    %dma_wait3A_900 = tpu.memref_slice %arg2[%add3A_893, %dma_wait3A_899] : memref<16384x2048xf32, #tpu.memory_space<hbm>> -> memref<16x2048xf32, #tpu.memory_space<hbm>>
    tpu.wait_dma2 semaphore(%dma_wait3A_898 : memref<!tpu.dma_semaphore, #tpu.memory_space<semaphore_mem>>) src(%dma_wait3A_900 : memref<16x2048xf32, #tpu.memory_space<hbm>>) dst(%arg5 : memref<16x2048xf32, #tpu.memory_space<vmem>>)
    %add3A_901 = arith.constant 400 : i32
    %add3A_902 = arith.addi %mul3A_2, %add3A_901 : i32
    %dma_start3A_903 = arith.constant 1 : i32
    %dma_start3A_904 = arith.constant 0 : i32
    %dma_start3A_905 = tpu.memref_slice %arg3[%add3A_902, %dma_start3A_904] : memref<16384x2048xf32, #tpu.memory_space<hbm>> -> memref<16x2048xf32, #tpu.memory_space<hbm>>
    %dma_start3A_906 = tpu.memref_slice %arg8[%dma_start3A_903] : memref<3x!tpu.dma_semaphore, #tpu.memory_space<semaphore_mem>> -> memref<1x!tpu.dma_semaphore, #tpu.memory_space<semaphore_mem>>
    %dma_start3A_907 = tpu.memref_squeeze %dma_start3A_906 : memref<1x!tpu.dma_semaphore, #tpu.memory_space<semaphore_mem>> -> memref<!tpu.dma_semaphore, #tpu.memory_space<semaphore_mem>>
    %dma_start3A_908 = arith.constant 0 : i32
    %dma_start3A_909 = tpu.memref_slice %arg3[%add3A_902, %dma_start3A_908] : memref<16384x2048xf32, #tpu.memory_space<hbm>> -> memref<16x2048xf32, #tpu.memory_space<hbm>>
    tpu.enqueue_dma source(%arg5 : memref<16x2048xf32, #tpu.memory_space<vmem>>) target(%dma_start3A_909 : memref<16x2048xf32, #tpu.memory_space<hbm>>) target_semaphore(%dma_start3A_907 : memref<!tpu.dma_semaphore, #tpu.memory_space<semaphore_mem>>)
    %add3A_910 = arith.constant 368 : i32
    %add3A_911 = arith.addi %mul3A_2, %add3A_910 : i32
    %dma_wait3A_912 = arith.constant 2 : i32
    %dma_wait3A_913 = arith.constant 0 : i32
    %dma_wait3A_914 = tpu.memref_slice %arg3[%add3A_911, %dma_wait3A_913] : memref<16384x2048xf32, #tpu.memory_space<hbm>> -> memref<16x2048xf32, #tpu.memory_space<hbm>>
    %dma_wait3A_915 = tpu.memref_slice %arg8[%dma_wait3A_912] : memref<3x!tpu.dma_semaphore, #tpu.memory_space<semaphore_mem>> -> memref<1x!tpu.dma_semaphore, #tpu.memory_space<semaphore_mem>>
    %dma_wait3A_916 = tpu.memref_squeeze %dma_wait3A_915 : memref<1x!tpu.dma_semaphore, #tpu.memory_space<semaphore_mem>> -> memref<!tpu.dma_semaphore, #tpu.memory_space<semaphore_mem>>
    %dma_wait3A_917 = arith.constant 0 : i32
    %dma_wait3A_918 = tpu.memref_slice %arg3[%add3A_911, %dma_wait3A_917] : memref<16384x2048xf32, #tpu.memory_space<hbm>> -> memref<16x2048xf32, #tpu.memory_space<hbm>>
    tpu.wait_dma2 semaphore(%dma_wait3A_916 : memref<!tpu.dma_semaphore, #tpu.memory_space<semaphore_mem>>) src(%arg6 : memref<16x2048xf32, #tpu.memory_space<vmem>>) dst(%dma_wait3A_918 : memref<16x2048xf32, #tpu.memory_space<hbm>>)
    %add3A_919 = arith.constant 416 : i32
    %add3A_920 = arith.addi %mul3A_2, %add3A_919 : i32
    %dma_start3A_921 = arith.constant 2 : i32
    %dma_start3A_922 = arith.constant 0 : i32
    %dma_start3A_923 = tpu.memref_slice %arg2[%add3A_920, %dma_start3A_922] : memref<16384x2048xf32, #tpu.memory_space<hbm>> -> memref<16x2048xf32, #tpu.memory_space<hbm>>
    %dma_start3A_924 = tpu.memref_slice %arg7[%dma_start3A_921] : memref<3x!tpu.dma_semaphore, #tpu.memory_space<semaphore_mem>> -> memref<1x!tpu.dma_semaphore, #tpu.memory_space<semaphore_mem>>
    %dma_start3A_925 = tpu.memref_squeeze %dma_start3A_924 : memref<1x!tpu.dma_semaphore, #tpu.memory_space<semaphore_mem>> -> memref<!tpu.dma_semaphore, #tpu.memory_space<semaphore_mem>>
    %dma_start3A_926 = arith.constant 0 : i32
    %dma_start3A_927 = tpu.memref_slice %arg2[%add3A_920, %dma_start3A_926] : memref<16384x2048xf32, #tpu.memory_space<hbm>> -> memref<16x2048xf32, #tpu.memory_space<hbm>>
    tpu.enqueue_dma source(%dma_start3A_927 : memref<16x2048xf32, #tpu.memory_space<hbm>>) target(%arg6 : memref<16x2048xf32, #tpu.memory_space<vmem>>) target_semaphore(%dma_start3A_925 : memref<!tpu.dma_semaphore, #tpu.memory_space<semaphore_mem>>)
    %add3A_928 = arith.constant 416 : i32
    %add3A_929 = arith.addi %mul3A_2, %add3A_928 : i32
    %dma_wait3A_930 = arith.constant 2 : i32
    %dma_wait3A_931 = arith.constant 0 : i32
    %dma_wait3A_932 = tpu.memref_slice %arg2[%add3A_929, %dma_wait3A_931] : memref<16384x2048xf32, #tpu.memory_space<hbm>> -> memref<16x2048xf32, #tpu.memory_space<hbm>>
    %dma_wait3A_933 = tpu.memref_slice %arg7[%dma_wait3A_930] : memref<3x!tpu.dma_semaphore, #tpu.memory_space<semaphore_mem>> -> memref<1x!tpu.dma_semaphore, #tpu.memory_space<semaphore_mem>>
    %dma_wait3A_934 = tpu.memref_squeeze %dma_wait3A_933 : memref<1x!tpu.dma_semaphore, #tpu.memory_space<semaphore_mem>> -> memref<!tpu.dma_semaphore, #tpu.memory_space<semaphore_mem>>
    %dma_wait3A_935 = arith.constant 0 : i32
    %dma_wait3A_936 = tpu.memref_slice %arg2[%add3A_929, %dma_wait3A_935] : memref<16384x2048xf32, #tpu.memory_space<hbm>> -> memref<16x2048xf32, #tpu.memory_space<hbm>>
    tpu.wait_dma2 semaphore(%dma_wait3A_934 : memref<!tpu.dma_semaphore, #tpu.memory_space<semaphore_mem>>) src(%dma_wait3A_936 : memref<16x2048xf32, #tpu.memory_space<hbm>>) dst(%arg6 : memref<16x2048xf32, #tpu.memory_space<vmem>>)
    %add3A_937 = arith.constant 416 : i32
    %add3A_938 = arith.addi %mul3A_2, %add3A_937 : i32
    %dma_start3A_939 = arith.constant 2 : i32
    %dma_start3A_940 = arith.constant 0 : i32
    %dma_start3A_941 = tpu.memref_slice %arg3[%add3A_938, %dma_start3A_940] : memref<16384x2048xf32, #tpu.memory_space<hbm>> -> memref<16x2048xf32, #tpu.memory_space<hbm>>
    %dma_start3A_942 = tpu.memref_slice %arg8[%dma_start3A_939] : memref<3x!tpu.dma_semaphore, #tpu.memory_space<semaphore_mem>> -> memref<1x!tpu.dma_semaphore, #tpu.memory_space<semaphore_mem>>
    %dma_start3A_943 = tpu.memref_squeeze %dma_start3A_942 : memref<1x!tpu.dma_semaphore, #tpu.memory_space<semaphore_mem>> -> memref<!tpu.dma_semaphore, #tpu.memory_space<semaphore_mem>>
    %dma_start3A_944 = arith.constant 0 : i32
    %dma_start3A_945 = tpu.memref_slice %arg3[%add3A_938, %dma_start3A_944] : memref<16384x2048xf32, #tpu.memory_space<hbm>> -> memref<16x2048xf32, #tpu.memory_space<hbm>>
    tpu.enqueue_dma source(%arg6 : memref<16x2048xf32, #tpu.memory_space<vmem>>) target(%dma_start3A_945 : memref<16x2048xf32, #tpu.memory_space<hbm>>) target_semaphore(%dma_start3A_943 : memref<!tpu.dma_semaphore, #tpu.memory_space<semaphore_mem>>)
    %add3A_946 = arith.constant 384 : i32
    %add3A_947 = arith.addi %mul3A_2, %add3A_946 : i32
    %dma_wait3A_948 = arith.constant 0 : i32
    %dma_wait3A_949 = arith.constant 0 : i32
    %dma_wait3A_950 = tpu.memref_slice %arg3[%add3A_947, %dma_wait3A_949] : memref<16384x2048xf32, #tpu.memory_space<hbm>> -> memref<16x2048xf32, #tpu.memory_space<hbm>>
    %dma_wait3A_951 = tpu.memref_slice %arg8[%dma_wait3A_948] : memref<3x!tpu.dma_semaphore, #tpu.memory_space<semaphore_mem>> -> memref<1x!tpu.dma_semaphore, #tpu.memory_space<semaphore_mem>>
    %dma_wait3A_952 = tpu.memref_squeeze %dma_wait3A_951 : memref<1x!tpu.dma_semaphore, #tpu.memory_space<semaphore_mem>> -> memref<!tpu.dma_semaphore, #tpu.memory_space<semaphore_mem>>
    %dma_wait3A_953 = arith.constant 0 : i32
    %dma_wait3A_954 = tpu.memref_slice %arg3[%add3A_947, %dma_wait3A_953] : memref<16384x2048xf32, #tpu.memory_space<hbm>> -> memref<16x2048xf32, #tpu.memory_space<hbm>>
    tpu.wait_dma2 semaphore(%dma_wait3A_952 : memref<!tpu.dma_semaphore, #tpu.memory_space<semaphore_mem>>) src(%arg4 : memref<16x2048xf32, #tpu.memory_space<vmem>>) dst(%dma_wait3A_954 : memref<16x2048xf32, #tpu.memory_space<hbm>>)
    %add3A_955 = arith.constant 432 : i32
    %add3A_956 = arith.addi %mul3A_2, %add3A_955 : i32
    %dma_start3A_957 = arith.constant 0 : i32
    %dma_start3A_958 = arith.constant 0 : i32
    %dma_start3A_959 = tpu.memref_slice %arg2[%add3A_956, %dma_start3A_958] : memref<16384x2048xf32, #tpu.memory_space<hbm>> -> memref<16x2048xf32, #tpu.memory_space<hbm>>
    %dma_start3A_960 = tpu.memref_slice %arg7[%dma_start3A_957] : memref<3x!tpu.dma_semaphore, #tpu.memory_space<semaphore_mem>> -> memref<1x!tpu.dma_semaphore, #tpu.memory_space<semaphore_mem>>
    %dma_start3A_961 = tpu.memref_squeeze %dma_start3A_960 : memref<1x!tpu.dma_semaphore, #tpu.memory_space<semaphore_mem>> -> memref<!tpu.dma_semaphore, #tpu.memory_space<semaphore_mem>>
    %dma_start3A_962 = arith.constant 0 : i32
    %dma_start3A_963 = tpu.memref_slice %arg2[%add3A_956, %dma_start3A_962] : memref<16384x2048xf32, #tpu.memory_space<hbm>> -> memref<16x2048xf32, #tpu.memory_space<hbm>>
    tpu.enqueue_dma source(%dma_start3A_963 : memref<16x2048xf32, #tpu.memory_space<hbm>>) target(%arg4 : memref<16x2048xf32, #tpu.memory_space<vmem>>) target_semaphore(%dma_start3A_961 : memref<!tpu.dma_semaphore, #tpu.memory_space<semaphore_mem>>)
    %add3A_964 = arith.constant 432 : i32
    %add3A_965 = arith.addi %mul3A_2, %add3A_964 : i32
    %dma_wait3A_966 = arith.constant 0 : i32
    %dma_wait3A_967 = arith.constant 0 : i32
    %dma_wait3A_968 = tpu.memref_slice %arg2[%add3A_965, %dma_wait3A_967] : memref<16384x2048xf32, #tpu.memory_space<hbm>> -> memref<16x2048xf32, #tpu.memory_space<hbm>>
    %dma_wait3A_969 = tpu.memref_slice %arg7[%dma_wait3A_966] : memref<3x!tpu.dma_semaphore, #tpu.memory_space<semaphore_mem>> -> memref<1x!tpu.dma_semaphore, #tpu.memory_space<semaphore_mem>>
    %dma_wait3A_970 = tpu.memref_squeeze %dma_wait3A_969 : memref<1x!tpu.dma_semaphore, #tpu.memory_space<semaphore_mem>> -> memref<!tpu.dma_semaphore, #tpu.memory_space<semaphore_mem>>
    %dma_wait3A_971 = arith.constant 0 : i32
    %dma_wait3A_972 = tpu.memref_slice %arg2[%add3A_965, %dma_wait3A_971] : memref<16384x2048xf32, #tpu.memory_space<hbm>> -> memref<16x2048xf32, #tpu.memory_space<hbm>>
    tpu.wait_dma2 semaphore(%dma_wait3A_970 : memref<!tpu.dma_semaphore, #tpu.memory_space<semaphore_mem>>) src(%dma_wait3A_972 : memref<16x2048xf32, #tpu.memory_space<hbm>>) dst(%arg4 : memref<16x2048xf32, #tpu.memory_space<vmem>>)
    %add3A_973 = arith.constant 432 : i32
    %add3A_974 = arith.addi %mul3A_2, %add3A_973 : i32
    %dma_start3A_975 = arith.constant 0 : i32
    %dma_start3A_976 = arith.constant 0 : i32
    %dma_start3A_977 = tpu.memref_slice %arg3[%add3A_974, %dma_start3A_976] : memref<16384x2048xf32, #tpu.memory_space<hbm>> -> memref<16x2048xf32, #tpu.memory_space<hbm>>
    %dma_start3A_978 = tpu.memref_slice %arg8[%dma_start3A_975] : memref<3x!tpu.dma_semaphore, #tpu.memory_space<semaphore_mem>> -> memref<1x!tpu.dma_semaphore, #tpu.memory_space<semaphore_mem>>
    %dma_start3A_979 = tpu.memref_squeeze %dma_start3A_978 : memref<1x!tpu.dma_semaphore, #tpu.memory_space<semaphore_mem>> -> memref<!tpu.dma_semaphore, #tpu.memory_space<semaphore_mem>>
    %dma_start3A_980 = arith.constant 0 : i32
    %dma_start3A_981 = tpu.memref_slice %arg3[%add3A_974, %dma_start3A_980] : memref<16384x2048xf32, #tpu.memory_space<hbm>> -> memref<16x2048xf32, #tpu.memory_space<hbm>>
    tpu.enqueue_dma source(%arg4 : memref<16x2048xf32, #tpu.memory_space<vmem>>) target(%dma_start3A_981 : memref<16x2048xf32, #tpu.memory_space<hbm>>) target_semaphore(%dma_start3A_979 : memref<!tpu.dma_semaphore, #tpu.memory_space<semaphore_mem>>)
    %add3A_982 = arith.constant 400 : i32
    %add3A_983 = arith.addi %mul3A_2, %add3A_982 : i32
    %dma_wait3A_984 = arith.constant 1 : i32
    %dma_wait3A_985 = arith.constant 0 : i32
    %dma_wait3A_986 = tpu.memref_slice %arg3[%add3A_983, %dma_wait3A_985] : memref<16384x2048xf32, #tpu.memory_space<hbm>> -> memref<16x2048xf32, #tpu.memory_space<hbm>>
    %dma_wait3A_987 = tpu.memref_slice %arg8[%dma_wait3A_984] : memref<3x!tpu.dma_semaphore, #tpu.memory_space<semaphore_mem>> -> memref<1x!tpu.dma_semaphore, #tpu.memory_space<semaphore_mem>>
    %dma_wait3A_988 = tpu.memref_squeeze %dma_wait3A_987 : memref<1x!tpu.dma_semaphore, #tpu.memory_space<semaphore_mem>> -> memref<!tpu.dma_semaphore, #tpu.memory_space<semaphore_mem>>
    %dma_wait3A_989 = arith.constant 0 : i32
    %dma_wait3A_990 = tpu.memref_slice %arg3[%add3A_983, %dma_wait3A_989] : memref<16384x2048xf32, #tpu.memory_space<hbm>> -> memref<16x2048xf32, #tpu.memory_space<hbm>>
    tpu.wait_dma2 semaphore(%dma_wait3A_988 : memref<!tpu.dma_semaphore, #tpu.memory_space<semaphore_mem>>) src(%arg5 : memref<16x2048xf32, #tpu.memory_space<vmem>>) dst(%dma_wait3A_990 : memref<16x2048xf32, #tpu.memory_space<hbm>>)
    %add3A_991 = arith.constant 448 : i32
    %add3A_992 = arith.addi %mul3A_2, %add3A_991 : i32
    %dma_start3A_993 = arith.constant 1 : i32
    %dma_start3A_994 = arith.constant 0 : i32
    %dma_start3A_995 = tpu.memref_slice %arg2[%add3A_992, %dma_start3A_994] : memref<16384x2048xf32, #tpu.memory_space<hbm>> -> memref<16x2048xf32, #tpu.memory_space<hbm>>
    %dma_start3A_996 = tpu.memref_slice %arg7[%dma_start3A_993] : memref<3x!tpu.dma_semaphore, #tpu.memory_space<semaphore_mem>> -> memref<1x!tpu.dma_semaphore, #tpu.memory_space<semaphore_mem>>
    %dma_start3A_997 = tpu.memref_squeeze %dma_start3A_996 : memref<1x!tpu.dma_semaphore, #tpu.memory_space<semaphore_mem>> -> memref<!tpu.dma_semaphore, #tpu.memory_space<semaphore_mem>>
    %dma_start3A_998 = arith.constant 0 : i32
    %dma_start3A_999 = tpu.memref_slice %arg2[%add3A_992, %dma_start3A_998] : memref<16384x2048xf32, #tpu.memory_space<hbm>> -> memref<16x2048xf32, #tpu.memory_space<hbm>>
    tpu.enqueue_dma source(%dma_start3A_999 : memref<16x2048xf32, #tpu.memory_space<hbm>>) target(%arg5 : memref<16x2048xf32, #tpu.memory_space<vmem>>) target_semaphore(%dma_start3A_997 : memref<!tpu.dma_semaphore, #tpu.memory_space<semaphore_mem>>)
    %add3A_1000 = arith.constant 448 : i32
    %add3A_1001 = arith.addi %mul3A_2, %add3A_1000 : i32
    %dma_wait3A_1002 = arith.constant 1 : i32
    %dma_wait3A_1003 = arith.constant 0 : i32
    %dma_wait3A_1004 = tpu.memref_slice %arg2[%add3A_1001, %dma_wait3A_1003] : memref<16384x2048xf32, #tpu.memory_space<hbm>> -> memref<16x2048xf32, #tpu.memory_space<hbm>>
    %dma_wait3A_1005 = tpu.memref_slice %arg7[%dma_wait3A_1002] : memref<3x!tpu.dma_semaphore, #tpu.memory_space<semaphore_mem>> -> memref<1x!tpu.dma_semaphore, #tpu.memory_space<semaphore_mem>>
    %dma_wait3A_1006 = tpu.memref_squeeze %dma_wait3A_1005 : memref<1x!tpu.dma_semaphore, #tpu.memory_space<semaphore_mem>> -> memref<!tpu.dma_semaphore, #tpu.memory_space<semaphore_mem>>
    %dma_wait3A_1007 = arith.constant 0 : i32
    %dma_wait3A_1008 = tpu.memref_slice %arg2[%add3A_1001, %dma_wait3A_1007] : memref<16384x2048xf32, #tpu.memory_space<hbm>> -> memref<16x2048xf32, #tpu.memory_space<hbm>>
    tpu.wait_dma2 semaphore(%dma_wait3A_1006 : memref<!tpu.dma_semaphore, #tpu.memory_space<semaphore_mem>>) src(%dma_wait3A_1008 : memref<16x2048xf32, #tpu.memory_space<hbm>>) dst(%arg5 : memref<16x2048xf32, #tpu.memory_space<vmem>>)
    %add3A_1009 = arith.constant 448 : i32
    %add3A_1010 = arith.addi %mul3A_2, %add3A_1009 : i32
    %dma_start3A_1011 = arith.constant 1 : i32
    %dma_start3A_1012 = arith.constant 0 : i32
    %dma_start3A_1013 = tpu.memref_slice %arg3[%add3A_1010, %dma_start3A_1012] : memref<16384x2048xf32, #tpu.memory_space<hbm>> -> memref<16x2048xf32, #tpu.memory_space<hbm>>
    %dma_start3A_1014 = tpu.memref_slice %arg8[%dma_start3A_1011] : memref<3x!tpu.dma_semaphore, #tpu.memory_space<semaphore_mem>> -> memref<1x!tpu.dma_semaphore, #tpu.memory_space<semaphore_mem>>
    %dma_start3A_1015 = tpu.memref_squeeze %dma_start3A_1014 : memref<1x!tpu.dma_semaphore, #tpu.memory_space<semaphore_mem>> -> memref<!tpu.dma_semaphore, #tpu.memory_space<semaphore_mem>>
    %dma_start3A_1016 = arith.constant 0 : i32
    %dma_start3A_1017 = tpu.memref_slice %arg3[%add3A_1010, %dma_start3A_1016] : memref<16384x2048xf32, #tpu.memory_space<hbm>> -> memref<16x2048xf32, #tpu.memory_space<hbm>>
    tpu.enqueue_dma source(%arg5 : memref<16x2048xf32, #tpu.memory_space<vmem>>) target(%dma_start3A_1017 : memref<16x2048xf32, #tpu.memory_space<hbm>>) target_semaphore(%dma_start3A_1015 : memref<!tpu.dma_semaphore, #tpu.memory_space<semaphore_mem>>)
    %add3A_1018 = arith.constant 416 : i32
    %add3A_1019 = arith.addi %mul3A_2, %add3A_1018 : i32
    %dma_wait3A_1020 = arith.constant 2 : i32
    %dma_wait3A_1021 = arith.constant 0 : i32
    %dma_wait3A_1022 = tpu.memref_slice %arg3[%add3A_1019, %dma_wait3A_1021] : memref<16384x2048xf32, #tpu.memory_space<hbm>> -> memref<16x2048xf32, #tpu.memory_space<hbm>>
    %dma_wait3A_1023 = tpu.memref_slice %arg8[%dma_wait3A_1020] : memref<3x!tpu.dma_semaphore, #tpu.memory_space<semaphore_mem>> -> memref<1x!tpu.dma_semaphore, #tpu.memory_space<semaphore_mem>>
    %dma_wait3A_1024 = tpu.memref_squeeze %dma_wait3A_1023 : memref<1x!tpu.dma_semaphore, #tpu.memory_space<semaphore_mem>> -> memref<!tpu.dma_semaphore, #tpu.memory_space<semaphore_mem>>
    %dma_wait3A_1025 = arith.constant 0 : i32
    %dma_wait3A_1026 = tpu.memref_slice %arg3[%add3A_1019, %dma_wait3A_1025] : memref<16384x2048xf32, #tpu.memory_space<hbm>> -> memref<16x2048xf32, #tpu.memory_space<hbm>>
    tpu.wait_dma2 semaphore(%dma_wait3A_1024 : memref<!tpu.dma_semaphore, #tpu.memory_space<semaphore_mem>>) src(%arg6 : memref<16x2048xf32, #tpu.memory_space<vmem>>) dst(%dma_wait3A_1026 : memref<16x2048xf32, #tpu.memory_space<hbm>>)
    %add3A_1027 = arith.constant 464 : i32
    %add3A_1028 = arith.addi %mul3A_2, %add3A_1027 : i32
    %dma_start3A_1029 = arith.constant 2 : i32
    %dma_start3A_1030 = arith.constant 0 : i32
    %dma_start3A_1031 = tpu.memref_slice %arg2[%add3A_1028, %dma_start3A_1030] : memref<16384x2048xf32, #tpu.memory_space<hbm>> -> memref<16x2048xf32, #tpu.memory_space<hbm>>
    %dma_start3A_1032 = tpu.memref_slice %arg7[%dma_start3A_1029] : memref<3x!tpu.dma_semaphore, #tpu.memory_space<semaphore_mem>> -> memref<1x!tpu.dma_semaphore, #tpu.memory_space<semaphore_mem>>
    %dma_start3A_1033 = tpu.memref_squeeze %dma_start3A_1032 : memref<1x!tpu.dma_semaphore, #tpu.memory_space<semaphore_mem>> -> memref<!tpu.dma_semaphore, #tpu.memory_space<semaphore_mem>>
    %dma_start3A_1034 = arith.constant 0 : i32
    %dma_start3A_1035 = tpu.memref_slice %arg2[%add3A_1028, %dma_start3A_1034] : memref<16384x2048xf32, #tpu.memory_space<hbm>> -> memref<16x2048xf32, #tpu.memory_space<hbm>>
    tpu.enqueue_dma source(%dma_start3A_1035 : memref<16x2048xf32, #tpu.memory_space<hbm>>) target(%arg6 : memref<16x2048xf32, #tpu.memory_space<vmem>>) target_semaphore(%dma_start3A_1033 : memref<!tpu.dma_semaphore, #tpu.memory_space<semaphore_mem>>)
    %add3A_1036 = arith.constant 464 : i32
    %add3A_1037 = arith.addi %mul3A_2, %add3A_1036 : i32
    %dma_wait3A_1038 = arith.constant 2 : i32
    %dma_wait3A_1039 = arith.constant 0 : i32
    %dma_wait3A_1040 = tpu.memref_slice %arg2[%add3A_1037, %dma_wait3A_1039] : memref<16384x2048xf32, #tpu.memory_space<hbm>> -> memref<16x2048xf32, #tpu.memory_space<hbm>>
    %dma_wait3A_1041 = tpu.memref_slice %arg7[%dma_wait3A_1038] : memref<3x!tpu.dma_semaphore, #tpu.memory_space<semaphore_mem>> -> memref<1x!tpu.dma_semaphore, #tpu.memory_space<semaphore_mem>>
    %dma_wait3A_1042 = tpu.memref_squeeze %dma_wait3A_1041 : memref<1x!tpu.dma_semaphore, #tpu.memory_space<semaphore_mem>> -> memref<!tpu.dma_semaphore, #tpu.memory_space<semaphore_mem>>
    %dma_wait3A_1043 = arith.constant 0 : i32
    %dma_wait3A_1044 = tpu.memref_slice %arg2[%add3A_1037, %dma_wait3A_1043] : memref<16384x2048xf32, #tpu.memory_space<hbm>> -> memref<16x2048xf32, #tpu.memory_space<hbm>>
    tpu.wait_dma2 semaphore(%dma_wait3A_1042 : memref<!tpu.dma_semaphore, #tpu.memory_space<semaphore_mem>>) src(%dma_wait3A_1044 : memref<16x2048xf32, #tpu.memory_space<hbm>>) dst(%arg6 : memref<16x2048xf32, #tpu.memory_space<vmem>>)
    %add3A_1045 = arith.constant 464 : i32
    %add3A_1046 = arith.addi %mul3A_2, %add3A_1045 : i32
    %dma_start3A_1047 = arith.constant 2 : i32
    %dma_start3A_1048 = arith.constant 0 : i32
    %dma_start3A_1049 = tpu.memref_slice %arg3[%add3A_1046, %dma_start3A_1048] : memref<16384x2048xf32, #tpu.memory_space<hbm>> -> memref<16x2048xf32, #tpu.memory_space<hbm>>
    %dma_start3A_1050 = tpu.memref_slice %arg8[%dma_start3A_1047] : memref<3x!tpu.dma_semaphore, #tpu.memory_space<semaphore_mem>> -> memref<1x!tpu.dma_semaphore, #tpu.memory_space<semaphore_mem>>
    %dma_start3A_1051 = tpu.memref_squeeze %dma_start3A_1050 : memref<1x!tpu.dma_semaphore, #tpu.memory_space<semaphore_mem>> -> memref<!tpu.dma_semaphore, #tpu.memory_space<semaphore_mem>>
    %dma_start3A_1052 = arith.constant 0 : i32
    %dma_start3A_1053 = tpu.memref_slice %arg3[%add3A_1046, %dma_start3A_1052] : memref<16384x2048xf32, #tpu.memory_space<hbm>> -> memref<16x2048xf32, #tpu.memory_space<hbm>>
    tpu.enqueue_dma source(%arg6 : memref<16x2048xf32, #tpu.memory_space<vmem>>) target(%dma_start3A_1053 : memref<16x2048xf32, #tpu.memory_space<hbm>>) target_semaphore(%dma_start3A_1051 : memref<!tpu.dma_semaphore, #tpu.memory_space<semaphore_mem>>)
    %add3A_1054 = arith.constant 432 : i32
    %add3A_1055 = arith.addi %mul3A_2, %add3A_1054 : i32
    %dma_wait3A_1056 = arith.constant 0 : i32
    %dma_wait3A_1057 = arith.constant 0 : i32
    %dma_wait3A_1058 = tpu.memref_slice %arg3[%add3A_1055, %dma_wait3A_1057] : memref<16384x2048xf32, #tpu.memory_space<hbm>> -> memref<16x2048xf32, #tpu.memory_space<hbm>>
    %dma_wait3A_1059 = tpu.memref_slice %arg8[%dma_wait3A_1056] : memref<3x!tpu.dma_semaphore, #tpu.memory_space<semaphore_mem>> -> memref<1x!tpu.dma_semaphore, #tpu.memory_space<semaphore_mem>>
    %dma_wait3A_1060 = tpu.memref_squeeze %dma_wait3A_1059 : memref<1x!tpu.dma_semaphore, #tpu.memory_space<semaphore_mem>> -> memref<!tpu.dma_semaphore, #tpu.memory_space<semaphore_mem>>
    %dma_wait3A_1061 = arith.constant 0 : i32
    %dma_wait3A_1062 = tpu.memref_slice %arg3[%add3A_1055, %dma_wait3A_1061] : memref<16384x2048xf32, #tpu.memory_space<hbm>> -> memref<16x2048xf32, #tpu.memory_space<hbm>>
    tpu.wait_dma2 semaphore(%dma_wait3A_1060 : memref<!tpu.dma_semaphore, #tpu.memory_space<semaphore_mem>>) src(%arg4 : memref<16x2048xf32, #tpu.memory_space<vmem>>) dst(%dma_wait3A_1062 : memref<16x2048xf32, #tpu.memory_space<hbm>>)
    %add3A_1063 = arith.constant 480 : i32
    %add3A_1064 = arith.addi %mul3A_2, %add3A_1063 : i32
    %dma_start3A_1065 = arith.constant 0 : i32
    %dma_start3A_1066 = arith.constant 0 : i32
    %dma_start3A_1067 = tpu.memref_slice %arg2[%add3A_1064, %dma_start3A_1066] : memref<16384x2048xf32, #tpu.memory_space<hbm>> -> memref<16x2048xf32, #tpu.memory_space<hbm>>
    %dma_start3A_1068 = tpu.memref_slice %arg7[%dma_start3A_1065] : memref<3x!tpu.dma_semaphore, #tpu.memory_space<semaphore_mem>> -> memref<1x!tpu.dma_semaphore, #tpu.memory_space<semaphore_mem>>
    %dma_start3A_1069 = tpu.memref_squeeze %dma_start3A_1068 : memref<1x!tpu.dma_semaphore, #tpu.memory_space<semaphore_mem>> -> memref<!tpu.dma_semaphore, #tpu.memory_space<semaphore_mem>>
    %dma_start3A_1070 = arith.constant 0 : i32
    %dma_start3A_1071 = tpu.memref_slice %arg2[%add3A_1064, %dma_start3A_1070] : memref<16384x2048xf32, #tpu.memory_space<hbm>> -> memref<16x2048xf32, #tpu.memory_space<hbm>>
    tpu.enqueue_dma source(%dma_start3A_1071 : memref<16x2048xf32, #tpu.memory_space<hbm>>) target(%arg4 : memref<16x2048xf32, #tpu.memory_space<vmem>>) target_semaphore(%dma_start3A_1069 : memref<!tpu.dma_semaphore, #tpu.memory_space<semaphore_mem>>)
    %add3A_1072 = arith.constant 480 : i32
    %add3A_1073 = arith.addi %mul3A_2, %add3A_1072 : i32
    %dma_wait3A_1074 = arith.constant 0 : i32
    %dma_wait3A_1075 = arith.constant 0 : i32
    %dma_wait3A_1076 = tpu.memref_slice %arg2[%add3A_1073, %dma_wait3A_1075] : memref<16384x2048xf32, #tpu.memory_space<hbm>> -> memref<16x2048xf32, #tpu.memory_space<hbm>>
    %dma_wait3A_1077 = tpu.memref_slice %arg7[%dma_wait3A_1074] : memref<3x!tpu.dma_semaphore, #tpu.memory_space<semaphore_mem>> -> memref<1x!tpu.dma_semaphore, #tpu.memory_space<semaphore_mem>>
    %dma_wait3A_1078 = tpu.memref_squeeze %dma_wait3A_1077 : memref<1x!tpu.dma_semaphore, #tpu.memory_space<semaphore_mem>> -> memref<!tpu.dma_semaphore, #tpu.memory_space<semaphore_mem>>
    %dma_wait3A_1079 = arith.constant 0 : i32
    %dma_wait3A_1080 = tpu.memref_slice %arg2[%add3A_1073, %dma_wait3A_1079] : memref<16384x2048xf32, #tpu.memory_space<hbm>> -> memref<16x2048xf32, #tpu.memory_space<hbm>>
    tpu.wait_dma2 semaphore(%dma_wait3A_1078 : memref<!tpu.dma_semaphore, #tpu.memory_space<semaphore_mem>>) src(%dma_wait3A_1080 : memref<16x2048xf32, #tpu.memory_space<hbm>>) dst(%arg4 : memref<16x2048xf32, #tpu.memory_space<vmem>>)
    %add3A_1081 = arith.constant 480 : i32
    %add3A_1082 = arith.addi %mul3A_2, %add3A_1081 : i32
    %dma_start3A_1083 = arith.constant 0 : i32
    %dma_start3A_1084 = arith.constant 0 : i32
    %dma_start3A_1085 = tpu.memref_slice %arg3[%add3A_1082, %dma_start3A_1084] : memref<16384x2048xf32, #tpu.memory_space<hbm>> -> memref<16x2048xf32, #tpu.memory_space<hbm>>
    %dma_start3A_1086 = tpu.memref_slice %arg8[%dma_start3A_1083] : memref<3x!tpu.dma_semaphore, #tpu.memory_space<semaphore_mem>> -> memref<1x!tpu.dma_semaphore, #tpu.memory_space<semaphore_mem>>
    %dma_start3A_1087 = tpu.memref_squeeze %dma_start3A_1086 : memref<1x!tpu.dma_semaphore, #tpu.memory_space<semaphore_mem>> -> memref<!tpu.dma_semaphore, #tpu.memory_space<semaphore_mem>>
    %dma_start3A_1088 = arith.constant 0 : i32
    %dma_start3A_1089 = tpu.memref_slice %arg3[%add3A_1082, %dma_start3A_1088] : memref<16384x2048xf32, #tpu.memory_space<hbm>> -> memref<16x2048xf32, #tpu.memory_space<hbm>>
    tpu.enqueue_dma source(%arg4 : memref<16x2048xf32, #tpu.memory_space<vmem>>) target(%dma_start3A_1089 : memref<16x2048xf32, #tpu.memory_space<hbm>>) target_semaphore(%dma_start3A_1087 : memref<!tpu.dma_semaphore, #tpu.memory_space<semaphore_mem>>)
    %add3A_1090 = arith.constant 448 : i32
    %add3A_1091 = arith.addi %mul3A_2, %add3A_1090 : i32
    %dma_wait3A_1092 = arith.constant 1 : i32
    %dma_wait3A_1093 = arith.constant 0 : i32
    %dma_wait3A_1094 = tpu.memref_slice %arg3[%add3A_1091, %dma_wait3A_1093] : memref<16384x2048xf32, #tpu.memory_space<hbm>> -> memref<16x2048xf32, #tpu.memory_space<hbm>>
    %dma_wait3A_1095 = tpu.memref_slice %arg8[%dma_wait3A_1092] : memref<3x!tpu.dma_semaphore, #tpu.memory_space<semaphore_mem>> -> memref<1x!tpu.dma_semaphore, #tpu.memory_space<semaphore_mem>>
    %dma_wait3A_1096 = tpu.memref_squeeze %dma_wait3A_1095 : memref<1x!tpu.dma_semaphore, #tpu.memory_space<semaphore_mem>> -> memref<!tpu.dma_semaphore, #tpu.memory_space<semaphore_mem>>
    %dma_wait3A_1097 = arith.constant 0 : i32
    %dma_wait3A_1098 = tpu.memref_slice %arg3[%add3A_1091, %dma_wait3A_1097] : memref<16384x2048xf32, #tpu.memory_space<hbm>> -> memref<16x2048xf32, #tpu.memory_space<hbm>>
    tpu.wait_dma2 semaphore(%dma_wait3A_1096 : memref<!tpu.dma_semaphore, #tpu.memory_space<semaphore_mem>>) src(%arg5 : memref<16x2048xf32, #tpu.memory_space<vmem>>) dst(%dma_wait3A_1098 : memref<16x2048xf32, #tpu.memory_space<hbm>>)
    %add3A_1099 = arith.constant 496 : i32
    %add3A_1100 = arith.addi %mul3A_2, %add3A_1099 : i32
    %dma_start3A_1101 = arith.constant 1 : i32
    %dma_start3A_1102 = arith.constant 0 : i32
    %dma_start3A_1103 = tpu.memref_slice %arg2[%add3A_1100, %dma_start3A_1102] : memref<16384x2048xf32, #tpu.memory_space<hbm>> -> memref<16x2048xf32, #tpu.memory_space<hbm>>
    %dma_start3A_1104 = tpu.memref_slice %arg7[%dma_start3A_1101] : memref<3x!tpu.dma_semaphore, #tpu.memory_space<semaphore_mem>> -> memref<1x!tpu.dma_semaphore, #tpu.memory_space<semaphore_mem>>
    %dma_start3A_1105 = tpu.memref_squeeze %dma_start3A_1104 : memref<1x!tpu.dma_semaphore, #tpu.memory_space<semaphore_mem>> -> memref<!tpu.dma_semaphore, #tpu.memory_space<semaphore_mem>>
    %dma_start3A_1106 = arith.constant 0 : i32
    %dma_start3A_1107 = tpu.memref_slice %arg2[%add3A_1100, %dma_start3A_1106] : memref<16384x2048xf32, #tpu.memory_space<hbm>> -> memref<16x2048xf32, #tpu.memory_space<hbm>>
    tpu.enqueue_dma source(%dma_start3A_1107 : memref<16x2048xf32, #tpu.memory_space<hbm>>) target(%arg5 : memref<16x2048xf32, #tpu.memory_space<vmem>>) target_semaphore(%dma_start3A_1105 : memref<!tpu.dma_semaphore, #tpu.memory_space<semaphore_mem>>)
    %add3A_1108 = arith.constant 496 : i32
    %add3A_1109 = arith.addi %mul3A_2, %add3A_1108 : i32
    %dma_wait3A_1110 = arith.constant 1 : i32
    %dma_wait3A_1111 = arith.constant 0 : i32
    %dma_wait3A_1112 = tpu.memref_slice %arg2[%add3A_1109, %dma_wait3A_1111] : memref<16384x2048xf32, #tpu.memory_space<hbm>> -> memref<16x2048xf32, #tpu.memory_space<hbm>>
    %dma_wait3A_1113 = tpu.memref_slice %arg7[%dma_wait3A_1110] : memref<3x!tpu.dma_semaphore, #tpu.memory_space<semaphore_mem>> -> memref<1x!tpu.dma_semaphore, #tpu.memory_space<semaphore_mem>>
    %dma_wait3A_1114 = tpu.memref_squeeze %dma_wait3A_1113 : memref<1x!tpu.dma_semaphore, #tpu.memory_space<semaphore_mem>> -> memref<!tpu.dma_semaphore, #tpu.memory_space<semaphore_mem>>
    %dma_wait3A_1115 = arith.constant 0 : i32
    %dma_wait3A_1116 = tpu.memref_slice %arg2[%add3A_1109, %dma_wait3A_1115] : memref<16384x2048xf32, #tpu.memory_space<hbm>> -> memref<16x2048xf32, #tpu.memory_space<hbm>>
    tpu.wait_dma2 semaphore(%dma_wait3A_1114 : memref<!tpu.dma_semaphore, #tpu.memory_space<semaphore_mem>>) src(%dma_wait3A_1116 : memref<16x2048xf32, #tpu.memory_space<hbm>>) dst(%arg5 : memref<16x2048xf32, #tpu.memory_space<vmem>>)
    %add3A_1117 = arith.constant 496 : i32
    %add3A_1118 = arith.addi %mul3A_2, %add3A_1117 : i32
    %dma_start3A_1119 = arith.constant 1 : i32
    %dma_start3A_1120 = arith.constant 0 : i32
    %dma_start3A_1121 = tpu.memref_slice %arg3[%add3A_1118, %dma_start3A_1120] : memref<16384x2048xf32, #tpu.memory_space<hbm>> -> memref<16x2048xf32, #tpu.memory_space<hbm>>
    %dma_start3A_1122 = tpu.memref_slice %arg8[%dma_start3A_1119] : memref<3x!tpu.dma_semaphore, #tpu.memory_space<semaphore_mem>> -> memref<1x!tpu.dma_semaphore, #tpu.memory_space<semaphore_mem>>
    %dma_start3A_1123 = tpu.memref_squeeze %dma_start3A_1122 : memref<1x!tpu.dma_semaphore, #tpu.memory_space<semaphore_mem>> -> memref<!tpu.dma_semaphore, #tpu.memory_space<semaphore_mem>>
    %dma_start3A_1124 = arith.constant 0 : i32
    %dma_start3A_1125 = tpu.memref_slice %arg3[%add3A_1118, %dma_start3A_1124] : memref<16384x2048xf32, #tpu.memory_space<hbm>> -> memref<16x2048xf32, #tpu.memory_space<hbm>>
    tpu.enqueue_dma source(%arg5 : memref<16x2048xf32, #tpu.memory_space<vmem>>) target(%dma_start3A_1125 : memref<16x2048xf32, #tpu.memory_space<hbm>>) target_semaphore(%dma_start3A_1123 : memref<!tpu.dma_semaphore, #tpu.memory_space<semaphore_mem>>)
    %add3A_1126 = arith.constant 464 : i32
    %add3A_1127 = arith.addi %mul3A_2, %add3A_1126 : i32
    %dma_wait3A_1128 = arith.constant 2 : i32
    %dma_wait3A_1129 = arith.constant 0 : i32
    %dma_wait3A_1130 = tpu.memref_slice %arg3[%add3A_1127, %dma_wait3A_1129] : memref<16384x2048xf32, #tpu.memory_space<hbm>> -> memref<16x2048xf32, #tpu.memory_space<hbm>>
    %dma_wait3A_1131 = tpu.memref_slice %arg8[%dma_wait3A_1128] : memref<3x!tpu.dma_semaphore, #tpu.memory_space<semaphore_mem>> -> memref<1x!tpu.dma_semaphore, #tpu.memory_space<semaphore_mem>>
    %dma_wait3A_1132 = tpu.memref_squeeze %dma_wait3A_1131 : memref<1x!tpu.dma_semaphore, #tpu.memory_space<semaphore_mem>> -> memref<!tpu.dma_semaphore, #tpu.memory_space<semaphore_mem>>
    %dma_wait3A_1133 = arith.constant 0 : i32
    %dma_wait3A_1134 = tpu.memref_slice %arg3[%add3A_1127, %dma_wait3A_1133] : memref<16384x2048xf32, #tpu.memory_space<hbm>> -> memref<16x2048xf32, #tpu.memory_space<hbm>>
    tpu.wait_dma2 semaphore(%dma_wait3A_1132 : memref<!tpu.dma_semaphore, #tpu.memory_space<semaphore_mem>>) src(%arg6 : memref<16x2048xf32, #tpu.memory_space<vmem>>) dst(%dma_wait3A_1134 : memref<16x2048xf32, #tpu.memory_space<hbm>>)
    %add3A_1135 = arith.constant 480 : i32
    %add3A_1136 = arith.addi %mul3A_2, %add3A_1135 : i32
    %dma_wait3A_1137 = arith.constant 0 : i32
    %dma_wait3A_1138 = arith.constant 0 : i32
    %dma_wait3A_1139 = tpu.memref_slice %arg3[%add3A_1136, %dma_wait3A_1138] : memref<16384x2048xf32, #tpu.memory_space<hbm>> -> memref<16x2048xf32, #tpu.memory_space<hbm>>
    %dma_wait3A_1140 = tpu.memref_slice %arg8[%dma_wait3A_1137] : memref<3x!tpu.dma_semaphore, #tpu.memory_space<semaphore_mem>> -> memref<1x!tpu.dma_semaphore, #tpu.memory_space<semaphore_mem>>
    %dma_wait3A_1141 = tpu.memref_squeeze %dma_wait3A_1140 : memref<1x!tpu.dma_semaphore, #tpu.memory_space<semaphore_mem>> -> memref<!tpu.dma_semaphore, #tpu.memory_space<semaphore_mem>>
    %dma_wait3A_1142 = arith.constant 0 : i32
    %dma_wait3A_1143 = tpu.memref_slice %arg3[%add3A_1136, %dma_wait3A_1142] : memref<16384x2048xf32, #tpu.memory_space<hbm>> -> memref<16x2048xf32, #tpu.memory_space<hbm>>
    tpu.wait_dma2 semaphore(%dma_wait3A_1141 : memref<!tpu.dma_semaphore, #tpu.memory_space<semaphore_mem>>) src(%arg4 : memref<16x2048xf32, #tpu.memory_space<vmem>>) dst(%dma_wait3A_1143 : memref<16x2048xf32, #tpu.memory_space<hbm>>)
    %add3A_1144 = arith.constant 496 : i32
    %add3A_1145 = arith.addi %mul3A_2, %add3A_1144 : i32
    %dma_wait3A_1146 = arith.constant 1 : i32
    %dma_wait3A_1147 = arith.constant 0 : i32
    %dma_wait3A_1148 = tpu.memref_slice %arg3[%add3A_1145, %dma_wait3A_1147] : memref<16384x2048xf32, #tpu.memory_space<hbm>> -> memref<16x2048xf32, #tpu.memory_space<hbm>>
    %dma_wait3A_1149 = tpu.memref_slice %arg8[%dma_wait3A_1146] : memref<3x!tpu.dma_semaphore, #tpu.memory_space<semaphore_mem>> -> memref<1x!tpu.dma_semaphore, #tpu.memory_space<semaphore_mem>>
    %dma_wait3A_1150 = tpu.memref_squeeze %dma_wait3A_1149 : memref<1x!tpu.dma_semaphore, #tpu.memory_space<semaphore_mem>> -> memref<!tpu.dma_semaphore, #tpu.memory_space<semaphore_mem>>
    %dma_wait3A_1151 = arith.constant 0 : i32
    %dma_wait3A_1152 = tpu.memref_slice %arg3[%add3A_1145, %dma_wait3A_1151] : memref<16384x2048xf32, #tpu.memory_space<hbm>> -> memref<16x2048xf32, #tpu.memory_space<hbm>>
    tpu.wait_dma2 semaphore(%dma_wait3A_1150 : memref<!tpu.dma_semaphore, #tpu.memory_space<semaphore_mem>>) src(%arg5 : memref<16x2048xf32, #tpu.memory_space<vmem>>) dst(%dma_wait3A_1152 : memref<16x2048xf32, #tpu.memory_space<hbm>>)
    return
  }
}

</mosaic_0001>

<sc_bundles>
// kernel: kernel.3.cloned.1.call-start
scs
__scs_entry_jumppad:
0x0: {  	(pc) =	sbr.rel $0x88, $3  }
0x1: {  	(tag) =	ssettag $0x0;
	lr =	simm.s32 $0x1  }
0x2: {  	[smem:$0x3FA0] =	sst lr;
	_ =	strace $0xD0000000  }
0x3: {  	_ = 	snop  }
0x4: {  	_ = 	snop  }
0x5: {  	_ = 	snop  }
0x6: {  	_ = 	snop  }
0x7: {  	_ = 	snop  }
__scs_overlays_trampoline_lowered:
0x8: {  	[smem:$0x3FAF] =	sst s0  }
0x9: {  	[smem:$0x3FB0] =	sst s1  }
0xa: {  	[smem:$0x3FB1] =	sst s2  }
0xb: {  	[smem:$0x3FB2] =	sst s3  }
0xc: {  	[smem:$0x3FB3] =	sst s4  }
0xd: {  	[smem:$0x3FB4] =	sst s5  }
0xe: {  	[smem:$0x3FB5] =	sst s6  }
0xf: {  	[smem:$0x3FB6] =	sst s7  }
0x10: {  	[smem:$0x3FB7] =	sst s8  }
0x11: {  	[smem:$0x3FB8] =	sst s9;
	s0 =	simm.s32 @!p0 $0x0  }
0x12: {  	s1 =	sld [smem:$0x3F9E];
	s0 =	simm.s32 @p0 $0x1  }
0x13: {  	[smem:$0x3FB9] =	sst s0;
	s0 =	simm.s32 @!p1 $0x0  }
0x14: {  	s2 =	sld [smem:$0x3F9D];
	s0 =	simm.s32 @p1 $0x1  }
0x15: {  	[smem:$0x3FBA] =	sst s0;
	s0 =	simm.s32 @!p2 $0x0  }
0x16: {  	s3 =	sld [smem:$0x3FDB];
	s0 =	simm.s32 @p2 $0x1  }
0x17: {  	s4 =	simm.s32 $0x1BF5;
	[smem:$0x3FBC] =	sst s0  }
0x18: {  	s0 =	sld [smem:$0x3F9F];
	_ =	swait.ge [sflag:s4], $0x0  }
0x19: {  	s7 =	sld [smem:$0x3FA0]  }
0x1a: {  	s8 =	sadd.s32 $0xFFFFE003, lr  }
0x1b: {  	s9 =	sadd.s32 $0xFFFFFEF7, lr;
	s5 =	simm.s32 $0xFFFFFFFF;
	p2 =	slt.u32 s8, $0xFFFFF086  }
0x1c: {  	p1 =	slt.u32 s9, $0xF7A;
	s5 =	simm.s32 @!p2 $0x0  }
0x1d: {  	s5 =	simm.s32 @p1 $0x1;
	p0 =	seq.s32 s7, s2  }
0x1e: {  	s7 =	smul.u32 @!p0 $0xF7A, s2;
	p2 =	seq.s32 @!p0 s5, $0x0  }
0x1f: {  	s9 =	smul.u32 $0xF7A, s1;
	s8 =	simm.s32 @!p0 $0x1BF5;
	p2 =	por !p2, p0  }
0x20: {  	[sflag:s8] =	ssyncset.s32 @!p0 $0xFFFFF086;
	s6 =	sadd.s32 @!p0 s3, s7;
	s7 =	simm.s32 @!p0 $0x108  }
0x21: {  	s3 =	sadd.s32 s3, s9;
	s6 =	sadd.s32 @!p0 $0x88, s6;
	s7 =	simm.s32 @p2 $0x1082  }
0x22: {  	[simem:s7], [sflag:s8] =	dma.local @!p0 [hbm:s6], $0xF7A  }
0x23: {  	s9 =	sor.u32 $0xD0000000, s2;
	s6 =	simm.s32 $0x108;
	_ =	swait.ge @!p0 [sflag:s8], $0x0  }
0x24: {  	s3 =	sadd.s32 $0x88, s3;
	s6 =	simm.s32 @!p1 $0x1082;
	[sflag:s4] =	ssyncset.s32 $0xFFFFF086  }
0x25: {  	[simem:s6], [sflag:s4] =	dma.local [hbm:s3], $0xF7A  }
0x26: {  	[smem:$0x3FA0] =	sst s1;
	(tag) =	ssettag s2;
	_ =	strace s9  }
0x27: {  	s1 =	sld [smem:$0x3FB0]  }
0x28: {  	s2 =	sld [smem:$0x3FB1]  }
0x29: {  	s4 =	sld [smem:$0x3FB3]  }
0x2a: {  	p0 =	seq.s32 s5, $0x0;
	s5 =	sld [smem:$0x3FB4]  }
0x2b: {  	s6 =	sld [smem:$0x3FB5]  }
0x2c: {  	s7 =	sld [smem:$0x3FB6]  }
0x2d: {  	s3 =	simm.s32 $0x108;
	s8 =	sld [smem:$0x3FB7]  }
0x2e: {  	s3 =	simm.s32 @!p0 $0x1082;
	s9 =	sld [smem:$0x3FB8]  }
0x2f: {  	lr =	sadd.s32 s0, s3;
	s0 =	sld [smem:$0x3FAF]  }
0x30: {  	s3 =	sld [smem:$0x3FB2]  }
0x31: {  	[smem:$0x3FBB] =	sst s10  }
0x32: {  	s10 =	sld [smem:$0x3FB9];
	_ =	sdelay $0x3  }
0x33: {  	p0 =	seq.s32 s10, $0x1;
	s10 =	sld [smem:$0x3FBB];
	_ =	sdelay $0x3  }
0x34: {  	[smem:$0x3FBB] =	sst s10  }
0x35: {  	s10 =	sld [smem:$0x3FBA];
	_ =	sdelay $0x3  }
0x36: {  	p1 =	seq.s32 s10, $0x1;
	s10 =	sld [smem:$0x3FBB];
	_ =	sdelay $0x3  }
0x37: {  	[smem:$0x3FBB] =	sst s10  }
0x38: {  	s10 =	sld [smem:$0x3FBC]  }
0x39: {  	_ = 	snop;
	(pc) =	sbr.ind lr, $3  }
0x3a: {  	_ = 	snop  }
0x3b: {  	_ = 	snop  }
0x3c: {  	p2 =	seq.s32 s10, $0x1;
	s10 =	sld [smem:$0x3FBB]  }
0x3d: {  	_ =	shalt  }
0x3e: {  	_ =	shalt  }
0x3f: {  	_ =	shalt  }
0x40: {  	_ =	shalt  }
0x41: {  	_ =	shalt  }
0x42: {  	_ =	shalt  }
0x43: {  	_ =	shalt  }
0x44: {  	_ =	shalt  }
0x45: {  	_ =	shalt  }
0x46: {  	_ =	shalt  }
0x47: {  	_ =	shalt  }
0x48: {  	_ =	shalt  }
0x49: {  	_ =	shalt  }
0x4a: {  	_ =	shalt  }
0x4b: {  	_ =	shalt  }
0x4c: {  	_ =	shalt  }
0x4d: {  	_ =	shalt  }
0x4e: {  	_ =	shalt  }
0x4f: {  	_ =	shalt  }
0x50: {  	_ =	shalt  }
0x51: {  	_ =	shalt  }
0x52: {  	_ =	shalt  }
0x53: {  	_ =	shalt  }
0x54: {  	_ =	shalt  }
0x55: {  	_ =	shalt  }
0x56: {  	_ =	shalt  }
0x57: {  	_ =	shalt  }
0x58: {  	_ =	shalt  }
0x59: {  	_ =	shalt  }
0x5a: {  	_ =	shalt  }
0x5b: {  	_ =	shalt  }
0x5c: {  	_ =	shalt  }
0x5d: {  	_ =	shalt  }
0x5e: {  	_ =	shalt  }
0x5f: {  	_ =	shalt  }
0x60: {  	_ =	shalt  }
0x61: {  	_ =	shalt  }
0x62: {  	_ =	shalt  }
0x63: {  	_ =	shalt  }
0x64: {  	_ =	shalt  }
0x65: {  	_ =	shalt  }
0x66: {  	_ =	shalt  }
0x67: {  	_ =	shalt  }
0x68: {  	_ =	shalt  }
0x69: {  	_ =	shalt  }
0x6a: {  	_ =	shalt  }
0x6b: {  	_ =	shalt  }
0x6c: {  	_ =	shalt  }
0x6d: {  	_ =	shalt  }
0x6e: {  	_ =	shalt  }
0x6f: {  	_ =	shalt  }
0x70: {  	_ =	shalt  }
0x71: {  	_ =	shalt  }
0x72: {  	_ =	shalt  }
0x73: {  	_ =	shalt  }
0x74: {  	_ =	shalt  }
0x75: {  	_ =	shalt  }
0x76: {  	_ =	shalt  }
0x77: {  	_ =	shalt  }
0x78: {  	_ =	shalt  }
0x79: {  	_ =	shalt  }
0x7a: {  	_ =	shalt  }
0x7b: {  	_ =	shalt  }
0x7c: {  	_ =	shalt  }
0x7d: {  	_ =	shalt  }
0x7e: {  	_ =	shalt  }
0x7f: {  	_ =	shalt  }
0x80: {  	_ =	shalt  }
0x81: {  	_ =	shalt  }
0x82: {  	_ =	shalt  }
0x83: {  	_ =	shalt  }
0x84: {  	_ =	shalt  }
0x85: {  	_ =	shalt  }
0x86: {  	_ =	shalt  }
0x87: {  	_ =	shalt  }
.Lfunc_end0:
.L_simem_size_0:
called_computation_lowered:
.L_overlay_start_0:
0x88: {  	s2 =	sld [smem:$0x3FD9]  }
0x89: {  	s3 =	sld [smem:$0x3FFE];
	_ =	sdelay $0x1  }
0x8a: {  	s1 =	srdreg.scid  }
0x8b: {  	s0 =	sand.u32 $0x1, s1  }
0x8c: {  	s18 =	sshll.u32 s0, $0xA;
	s2 =	sadd.s32 s3, s2  }
0x8d: {  	s2 =	sadd.s32 s2, s18  }
0x8e: {  	[smem:$0x3FC7] =	sst s2  }
0x8f: {  	_ = 	snop  }
0x90: {  	s2 =	sld [smem:$0x3FC9]  }
0x91: {  	s19 =	sld [smem:$0x3FD0];
	(tm) =	ssettm $0x1  }
0x92: {  	s4 =	sld [smem:$0x3FFB];
	_ =	sdelay $0x3  }
0x93: {  	_ =	strace s4  }
0x94: {  	s4 =	sld [smem:$0x3FFC];
	_ =	sdelay $0x3  }
0x95: {  	_ =	strace s4  }
0x96: {  	s4 =	sld [smem:$0x3FFD];
	_ =	sdelay $0x3  }
0x97: {  	_ =	strace s4  }
0x98: {  	_ =	strace $0x8FFFFFFF  }
0x99: {  	s20 =	sld [smem:$0x3FDB];
	_ =	sdelay $0x1  }
0x9a: {  	s5 =	simm.s32 $_scs_section_size  }
0x9b: {  	s6 =	simm.s32 $_size__tile_overlayer_lowered;
	s7 =	simm.s32 $_tile_overlayer_lowered  }
0x9c: {  	s23 =	simm.s32 $0x1BFF;
	s22 =	sshll.u32 s7, $0x1;
	s4 =	sadd.s32 s5, s20  }
0x9d: {  	s8 =	simm.s32 $0x0;
	s21 =	sshll.u32 s6, $0x1;
	s6 =	sadd.s32 s22, s4  }
0x9e: {  	[timem:s8], [sflag:s23] =	dma.local [hbm:s6], s21  }
0x9f: {  	_ =	swait.ge [sflag:s23], s21  }
0xa0: {  	s5 =	ssub.s32 $0x0, s21;
	[sflag:s23] =	ssyncset.done $0x0  }
0xa1: {  	[sflag:s23] =	ssyncadd.s32 s5;
	_ =	sdelay $0x1  }
0xa2: {  	s24 =	simm.s32 $0x1B8B  }
0xa3: {  	_ =	swait.ge [sflag:s24], $0x1  }
0xa4: {  	[sflag:s24] =	ssyncset.done $0x0  }
0xa5: {  	s25 =	simm.s32 $0x1B8E;
	[sflag:s24] =	ssyncadd.s32 $0xFFFFFFFF  }
0xa6: {  	s26 =	simm.s32 $execute0_lowered;
	[smem:$0x3FD2] =	sst s25  }
0xa7: {  	s5 =	sshll.u32 s26, $0x1;
	_ =	strace $0x80000046;
	[dreg:$0x1] =	wrdreg $0xFFFFFFFF  }
0xa8: {  	s28 =	simm.s32 $_size_execute0_lowered;
	s4 =	sadd.s32 s4, s5;
	[dreg:$0x0] =	wrdreg $0x0  }
0xa9: {  	s5 =	sshll.u32 s28, $0x1;
	[dreg:$0x2] =	wrdreg s4  }
0xaa: {  	[dreg:$0x3] =	wrdreg s5  }
0xab: {  	[dreg:$0x4] =	wrdreg $0xC0  }
0xac: {  	_ =	task [dreg:s8], $0x5FFFF  }
0xad: {  	[dreg:$0x1] =	wrdreg $0xFFFFFFFF  }
0xae: {  	[dreg:$0x0] =	wrdreg $0x60  }
0xaf: {  	[dreg:$0x2] =	wrdreg s2  }
0xb0: {  	[dreg:$0x3] =	wrdreg s19  }
0xb1: {  	[dreg:$0x4] =	wrdreg $0x9  }
0xb2: {  	_ =	task.clear_ibuf [dreg:s8], $0x5FFFF;
	_ =	strace $0x90000046  }
0xb3: {  	s29 =	simm.s32 $0x9;
	_ =	strace $0x80000048  }
0xb4: {  	_ =	swait.ge [sflag:s29], $0x1  }
0xb5: {  	[sflag:s29] =	ssyncadd.s32 $0xFFFFFFFF  }
0xb6: {  	_ =	strace $0x90000048  }
0xb7: {  	_ =	sfence  }
0xb8: {  	s30 =	sld [smem:$0x0];
	_ =	sdelay $0x2  }
0xb9: {  	s31 =	sshll.u32 s1, $0xD;
	s1 =	sshrl.u32 s1, $0x2  }
0xba: {  	s3 =	sand.u32 $0x4000, s31;
	s1 =	sadd.s32 s1, s30  }
0xbb: {  	s0 =	sor.u32 s3, s0;
	s1 =	sshll.u32 s1, $0x11  }
0xbc: {  	s0 =	sor.u32 s1, s0  }
0xbd: {  	s0 =	sadd.s32 $0x8F2B, s0  }
0xbe: {  	[sflag:s0] =	ssyncadd.remote.s32 $0x1  }
0xbf: {  	_ =	sfence.sel $0xFFFF  }
0xc0: {  	[dreg:$0x0] =	wrdreg $0xFFFFFFFF;
	(pc) =	sbr.abs _section_cstart, $3  }
0xc1: {  	[dreg:$0x1] =	wrdreg $0xFFFFFFFF  }
0xc2: {  	_ =	task.clear_ibuf [dreg:s8], $0x2FFFF;
	_ =	strace $0x9FFFFFFF  }
0xc3: {  	(tm) =	ssettm $0x7FFFFFFF  }
tec
execute0_lowered:
.L_overlay_start_1:
0x0: {  	(tag) =	ssettag $0x1  }
0x1: {  	s1 =	srdreg.scid  }
0x2: {  	s0 =	rddreg [dreg:$0x0];
	s4 =	stileid.u32;
	s5 =	sand.u32 $0x1, s1  }
0x3: {  	s2 =	simm.s32 $0x0;
	s22 =	sshll.u32 s4, $0x12;
	s23 =	sshll.u32 s5, $0x11  }
0x4: {  	[smem:$0x7FF] =	sst s2;
	s4 =	sor.u32 s23, s22  }
0x5: {  	s3 =	rddreg [dreg:$0x1];
	_ =	strace $0x80000047;
	s1 =	sadd.s32 s0, s4  }
0x6: {  	s6 =	sor.u32 $0x1000, s4;
	s26 =	sadd.s32 s3, s4;
	[dreg:$0x3] =	wrdreg s1  }
0x7: {  	s7 =	sor.u32 $0x2000, s4;
	s24 =	sadd.s32 s0, s6;
	[dreg:$0x6] =	wrdreg s26  }
0x8: {  	s25 =	sadd.s32 s0, s7;
	[dreg:$0x4] =	wrdreg s24  }
0x9: {  	s8 =	sadd.s32 s3, s6;
	[dreg:$0x5] =	wrdreg s25  }
0xa: {  	s10 =	sor.u32 $0x3000, s4;
	s9 =	sadd.s32 s3, s7;
	[dreg:$0x7] =	wrdreg s8  }
0xb: {  	s11 =	sadd.s32 s0, s10;
	[dreg:$0x8] =	wrdreg s9  }
0xc: {  	s13 =	sor.u32 $0x4000, s4;
	s12 =	sadd.s32 s3, s10;
	[dreg:$0x9] =	wrdreg s11  }
0xd: {  	s14 =	sadd.s32 s0, s13;
	[dreg:$0xa] =	wrdreg s12  }
0xe: {  	s16 =	sor.u32 $0x5000, s4;
	s15 =	sadd.s32 s3, s13;
	[dreg:$0xb] =	wrdreg s14  }
0xf: {  	s17 =	sadd.s32 s0, s16;
	[dreg:$0xc] =	wrdreg s15  }
0x10: {  	s19 =	sor.u32 $0x6000, s4;
	s18 =	sadd.s32 s3, s16;
	[dreg:$0xd] =	wrdreg s17  }
0x11: {  	s20 =	sadd.s32 s0, s19;
	[dreg:$0xe] =	wrdreg s18  }
0x12: {  	s22 =	sor.u32 $0x7000, s4;
	s21 =	sadd.s32 s3, s19;
	[dreg:$0xf] =	wrdreg s20  }
0x13: {  	s23 =	sadd.s32 s0, s22;
	[dreg:$0x10] =	wrdreg s21  }
0x14: {  	[dreg:$0x11] =	wrdreg s23  }
0x15: {  	s7 =	sor.u32 $0x9000, s4;
	s24 =	sadd.s32 s3, s22;
	s1 =	rddreg [dreg:$0x3]  }
0x16: {  	s8 =	sadd.s32 s0, s7;
	[dreg:$0x12] =	wrdreg s24  }
0x17: {  	s10 =	sor.u32 $0xA000, s4;
	s9 =	sadd.s32 s3, s7;
	[dreg:$0x15] =	wrdreg s8  }
0x18: {  	s11 =	sadd.s32 s0, s10;
	[dreg:$0x16] =	wrdreg s9  }
0x19: {  	s13 =	sor.u32 $0xB000, s4;
	s12 =	sadd.s32 s3, s10;
	[dreg:$0x17] =	wrdreg s11  }
0x1a: {  	s14 =	sadd.s32 s0, s13;
	[dreg:$0x18] =	wrdreg s12  }
0x1b: {  	s16 =	sor.u32 $0xC000, s4;
	s15 =	sadd.s32 s3, s13;
	[dreg:$0x19] =	wrdreg s14  }
0x1c: {  	s17 =	sadd.s32 s0, s16;
	[dreg:$0x1a] =	wrdreg s15  }
0x1d: {  	s19 =	sor.u32 $0xD000, s4;
	s18 =	sadd.s32 s3, s16;
	[dreg:$0x1b] =	wrdreg s17  }
0x1e: {  	s20 =	sadd.s32 s0, s19;
	[dreg:$0x1c] =	wrdreg s18  }
0x1f: {  	s25 =	sor.u32 $0x8000, s4;
	s21 =	sadd.s32 s3, s19;
	[dreg:$0x1d] =	wrdreg s20  }
0x20: {  	s26 =	sadd.s32 s0, s25;
	[dreg:$0x1e] =	wrdreg s21  }
0x21: {  	s22 =	sor.u32 $0xE000, s4;
	s6 =	sadd.s32 s3, s25;
	[dreg:$0x13] =	wrdreg s26  }
0x22: {  	s23 =	sadd.s32 s0, s22;
	[dreg:$0x14] =	wrdreg s6  }
0x23: {  	s7 =	sor.u32 $0x10000, s4;
	s24 =	sadd.s32 s3, s22;
	[dreg:$0x1f] =	wrdreg s23  }
0x24: {  	p0 =	por $0x0, $0x0;
	s8 =	sadd.s32 s0, s7;
	[smem:$0x7EF] =	sst s24  }
0x25: {  	s10 =	sor.u32 $0x11000, s4;
	s9 =	sadd.s32 s3, s7;
	[smem:$0x7F2] =	sst s8  }
0x26: {  	s5 =	ssub.s32 $0x2, s5;
	s11 =	sadd.s32 s0, s10;
	[smem:$0x7F3] =	sst s9  }
0x27: {  	s13 =	sor.u32 $0x12000, s4;
	s12 =	sadd.s32 s3, s10;
	[smem:$0x7F4] =	sst s11  }
0x28: {  	s16 =	sor.u32 $0x13000, s4;
	s14 =	sadd.s32 s0, s13;
	[smem:$0x7F5] =	sst s12  }
0x29: {  	s19 =	sor.u32 $0x14000, s4;
	s15 =	sadd.s32 s3, s13;
	[smem:$0x7F6] =	sst s14  }
0x2a: {  	s25 =	sor.u32 $0xF000, s4;
	s17 =	sadd.s32 s0, s16;
	[smem:$0x7F7] =	sst s15  }
0x2b: {  	s18 =	sadd.s32 s3, s16;
	s20 =	sadd.s32 s0, s19;
	[smem:$0x7F8] =	sst s17  }
0x2c: {  	s21 =	sadd.s32 s3, s19;
	s22 =	sor.u32 $0x15000, s4;
	[smem:$0x7F9] =	sst s18  }
0x2d: {  	s7 =	sor.u32 $0x18000, s4;
	s10 =	sor.u32 $0x1B000, s4;
	[smem:$0x7FA] =	sst s20  }
0x2e: {  	s26 =	sadd.s32 s0, s25;
	s6 =	sadd.s32 s3, s25;
	[smem:$0x7FB] =	sst s21  }
0x2f: {  	s23 =	sadd.s32 s0, s22;
	s24 =	sshrl.u32 s5, $0x1;
	s25 =	sadd.s32 s3, s22  }
0x30: {  	s8 =	sor.u32 $0x19000, s4;
	s9 =	sor.u32 $0x1A000, s4;
	s19 =	sadd.s32 s0, s10  }
0x31: {  	s18 =	sadd.s32 s3, s10;
	s11 =	sor.u32 $0x1C000, s4;
	[smem:$0x7F0] =	sst s26  }
0x32: {  	s12 =	sor.u32 $0x1D000, s4;
	s15 =	sor.u32 $0x1E000, s4;
	[smem:$0x7F1] =	sst s6  }
0x33: {  	s17 =	sor.u32 $0x1F000, s4;
	s10 =	simm.s32 $0x2;
	[smem:$0x7FC] =	sst s23  }
0x34: {  	s5 =	ssub.s32 s5, s24;
	[smem:$0x7FD] =	sst s25;
	s26 =	sor.u32 $0x16000, s4  }
0x35: {  	s6 =	sor.u32 $0x17000, s4;
	s25 =	sadd.s32 s3, s7;
	s24 =	sadd.s32 s0, s8  }
0x36: {  	s23 =	sadd.s32 s3, s8;
	s22 =	sadd.s32 s0, s9;
	s20 =	sadd.s32 s3, s9  }
0x37: {  	s16 =	sadd.s32 s0, s11;
	s14 =	sadd.s32 s3, s11;
	s13 =	sadd.s32 s0, s12  }
0x38: {  	s12 =	sadd.s32 s3, s12;
	s9 =	sadd.s32 s0, s15;
	s21 =	smax.u32 s5, $0x1  }
0x39: {  	s8 =	sadd.s32 s3, s15;
	s4 =	simm.s32 $0x8000;
	p1 =	sne.s32 s21, $0x1  }
.Ltmp0:
0x3a: {  	s15 =	simm.s32 $0x1;
	s11 =	simm.s32 $0x6;
	(pc) =	sbr.rel @!p1 .LBB2_3-.Ltmp0, $4  }
0x3b: {  	s31 =	sadd.s32 s0, s26;
	s30 =	sadd.s32 s3, s26;
	s29 =	sadd.s32 s0, s6  }
0x3c: {  	s28 =	sadd.s32 s3, s6;
	s26 =	sadd.s32 s0, s7;
	s6 =	sadd.s32 s0, s17  }
0x3d: {  	s3 =	sadd.s32 s3, s17;
	s17 =	simm.s32 $0x10000;
	s7 =	simm.s32 $0x4  }
0x3e: {  	s5 =	simm.s32 $0x5;
	s0 =	sadd.s32 $0xFFFFFFFF, s21;
	s21 =	simm.s32 $0x3  }
0x3f: {  	[smem:$0x7EE] =	sst s0  }
0x40: {  	[tilespmem:s2], [sflag:$0x1] =	stream.linear.gather [hbm4b:s1+s2], $0x8000, $0x38;
	[tilespmem:$0x18000] =	vst v63  }
0x41: {  	s0 =	rddreg [dreg:$0x4]  }
0x42: {  	[tilespmem:s4], [sflag:$0x2] =	stream.linear.gather [hbm4b:s0+s2], $0x8000, $0x38;
	[tilespmem:$0x18000] =	vst v63  }
0x43: {  	s1 =	rddreg [dreg:$0x5]  }
0x44: {  	[tilespmem:s17], [sflag:$0x3] =	stream.linear.gather [hbm4b:s1+s2], $0x8000, $0x38;
	[tilespmem:$0x18000] =	vst v63  }
0x45: {  	_ =	swait.ge [sflag:s15], $0x8000  }
0x46: {  	[sflag:s15] =	ssyncset.done $0x0  }
0x47: {  	s1 =	rddreg [dreg:$0x6];
	[sflag:s15] =	ssyncadd.s32 $0xFFFF8000  }
0x48: {  	[hbm4b:s1+s2] =	stream.linear.scatter [tilespmem:s2], [sflag:$0x4], $0x8000, $0x38;
	[tilespmem:$0x18000] =	vst v63  }
0x49: {  	_ =	swait.ge [sflag:s10], $0x8000  }
0x4a: {  	[sflag:s10] =	ssyncset.done $0x0  }
0x4b: {  	s1 =	rddreg [dreg:$0x7];
	[sflag:s10] =	ssyncadd.s32 $0xFFFF8000  }
0x4c: {  	[hbm4b:s1+s2] =	stream.linear.scatter [tilespmem:s4], [sflag:$0x5], $0x8000, $0x38;
	[tilespmem:$0x18000] =	vst v63  }
0x4d: {  	_ =	swait.ge [sflag:s21], $0x8000  }
0x4e: {  	[sflag:s21] =	ssyncset.done $0x0  }
0x4f: {  	s1 =	rddreg [dreg:$0x8];
	[sflag:s21] =	ssyncadd.s32 $0xFFFF8000  }
0x50: {  	[hbm4b:s1+s2] =	stream.linear.scatter [tilespmem:s17], [sflag:$0x6], $0x8000, $0x38;
	[tilespmem:$0x18000] =	vst v63  }
0x51: {  	_ =	swait.ge [sflag:s7], $0x8000  }
0x52: {  	[sflag:s7] =	ssyncset.done $0x0  }
0x53: {  	s1 =	rddreg [dreg:$0x9];
	[sflag:s7] =	ssyncadd.s32 $0xFFFF8000  }
0x54: {  	[tilespmem:s2], [sflag:$0x1] =	stream.linear.gather [hbm4b:s1+s2], $0x8000, $0x38;
	[tilespmem:$0x18000] =	vst v63  }
0x55: {  	_ =	swait.ge [sflag:s15], $0x8000  }
0x56: {  	[sflag:s15] =	ssyncset.done $0x0  }
0x57: {  	s1 =	rddreg [dreg:$0xa];
	[sflag:s15] =	ssyncadd.s32 $0xFFFF8000  }
0x58: {  	[hbm4b:s1+s2] =	stream.linear.scatter [tilespmem:s2], [sflag:$0x4], $0x8000, $0x38;
	[tilespmem:$0x18000] =	vst v63  }
0x59: {  	_ =	swait.ge [sflag:s5], $0x8000  }
0x5a: {  	[sflag:s5] =	ssyncset.done $0x0  }
0x5b: {  	s1 =	rddreg [dreg:$0xb];
	[sflag:s5] =	ssyncadd.s32 $0xFFFF8000  }
0x5c: {  	[tilespmem:s4], [sflag:$0x2] =	stream.linear.gather [hbm4b:s1+s2], $0x8000, $0x38;
	[tilespmem:$0x18000] =	vst v63  }
0x5d: {  	_ =	swait.ge [sflag:s10], $0x8000  }
0x5e: {  	[sflag:s10] =	ssyncset.done $0x0  }
0x5f: {  	s1 =	rddreg [dreg:$0xc];
	[sflag:s10] =	ssyncadd.s32 $0xFFFF8000  }
0x60: {  	[hbm4b:s1+s2] =	stream.linear.scatter [tilespmem:s4], [sflag:$0x5], $0x8000, $0x38;
	[tilespmem:$0x18000] =	vst v63  }
0x61: {  	_ =	swait.ge [sflag:s11], $0x8000  }
0x62: {  	[sflag:s11] =	ssyncset.done $0x0  }
0x63: {  	s1 =	rddreg [dreg:$0xd];
	[sflag:s11] =	ssyncadd.s32 $0xFFFF8000  }
0x64: {  	[tilespmem:s17], [sflag:$0x3] =	stream.linear.gather [hbm4b:s1+s2], $0x8000, $0x38;
	[tilespmem:$0x18000] =	vst v63  }
0x65: {  	_ =	swait.ge [sflag:s21], $0x8000  }
0x66: {  	[sflag:s21] =	ssyncset.done $0x0  }
0x67: {  	s1 =	rddreg [dreg:$0xe];
	[sflag:s21] =	ssyncadd.s32 $0xFFFF8000  }
0x68: {  	[hbm4b:s1+s2] =	stream.linear.scatter [tilespmem:s17], [sflag:$0x6], $0x8000, $0x38;
	[tilespmem:$0x18000] =	vst v63  }
0x69: {  	_ =	swait.ge [sflag:s7], $0x8000  }
0x6a: {  	[sflag:s7] =	ssyncset.done $0x0  }
0x6b: {  	s1 =	rddreg [dreg:$0xf];
	[sflag:s7] =	ssyncadd.s32 $0xFFFF8000  }
0x6c: {  	[tilespmem:s2], [sflag:$0x1] =	stream.linear.gather [hbm4b:s1+s2], $0x8000, $0x38;
	[tilespmem:$0x18000] =	vst v63  }
0x6d: {  	_ =	swait.ge [sflag:s15], $0x8000  }
0x6e: {  	[sflag:s15] =	ssyncset.done $0x0  }
0x6f: {  	s1 =	rddreg [dreg:$0x10];
	[sflag:s15] =	ssyncadd.s32 $0xFFFF8000  }
0x70: {  	[hbm4b:s1+s2] =	stream.linear.scatter [tilespmem:s2], [sflag:$0x4], $0x8000, $0x38;
	[tilespmem:$0x18000] =	vst v63  }
0x71: {  	_ =	swait.ge [sflag:s5], $0x8000  }
0x72: {  	[sflag:s5] =	ssyncset.done $0x0  }
0x73: {  	s1 =	rddreg [dreg:$0x11];
	[sflag:s5] =	ssyncadd.s32 $0xFFFF8000  }
0x74: {  	[tilespmem:s4], [sflag:$0x2] =	stream.linear.gather [hbm4b:s1+s2], $0x8000, $0x38;
	[tilespmem:$0x18000] =	vst v63  }
0x75: {  	_ =	swait.ge [sflag:s10], $0x8000  }
0x76: {  	[sflag:s10] =	ssyncset.done $0x0  }
0x77: {  	s1 =	rddreg [dreg:$0x12];
	[sflag:s10] =	ssyncadd.s32 $0xFFFF8000  }
0x78: {  	[hbm4b:s1+s2] =	stream.linear.scatter [tilespmem:s4], [sflag:$0x5], $0x8000, $0x38;
	[tilespmem:$0x18000] =	vst v63  }
0x79: {  	_ =	swait.ge [sflag:s11], $0x8000  }
0x7a: {  	[sflag:s11] =	ssyncset.done $0x0  }
0x7b: {  	s1 =	rddreg [dreg:$0x13];
	[sflag:s11] =	ssyncadd.s32 $0xFFFF8000  }
0x7c: {  	[tilespmem:s17], [sflag:$0x3] =	stream.linear.gather [hbm4b:s1+s2], $0x8000, $0x38;
	[tilespmem:$0x18000] =	vst v63  }
0x7d: {  	_ =	swait.ge [sflag:s21], $0x8000  }
0x7e: {  	[sflag:s21] =	ssyncset.done $0x0  }
0x7f: {  	s1 =	rddreg [dreg:$0x14];
	[sflag:s21] =	ssyncadd.s32 $0xFFFF8000  }
0x80: {  	[hbm4b:s1+s2] =	stream.linear.scatter [tilespmem:s17], [sflag:$0x6], $0x8000, $0x38;
	[tilespmem:$0x18000] =	vst v63  }
0x81: {  	_ =	swait.ge [sflag:s7], $0x8000  }
0x82: {  	[sflag:s7] =	ssyncset.done $0x0  }
0x83: {  	s1 =	rddreg [dreg:$0x15];
	[sflag:s7] =	ssyncadd.s32 $0xFFFF8000  }
0x84: {  	[tilespmem:s2], [sflag:$0x1] =	stream.linear.gather [hbm4b:s1+s2], $0x8000, $0x38;
	[tilespmem:$0x18000] =	vst v63  }
0x85: {  	_ =	swait.ge [sflag:s15], $0x8000  }
0x86: {  	[sflag:s15] =	ssyncset.done $0x0  }
0x87: {  	s1 =	rddreg [dreg:$0x16];
	[sflag:s15] =	ssyncadd.s32 $0xFFFF8000  }
0x88: {  	[hbm4b:s1+s2] =	stream.linear.scatter [tilespmem:s2], [sflag:$0x4], $0x8000, $0x38;
	[tilespmem:$0x18000] =	vst v63  }
0x89: {  	_ =	swait.ge [sflag:s5], $0x8000  }
0x8a: {  	[sflag:s5] =	ssyncset.done $0x0  }
0x8b: {  	s1 =	rddreg [dreg:$0x17];
	[sflag:s5] =	ssyncadd.s32 $0xFFFF8000  }
0x8c: {  	[tilespmem:s4], [sflag:$0x2] =	stream.linear.gather [hbm4b:s1+s2], $0x8000, $0x38;
	[tilespmem:$0x18000] =	vst v63  }
0x8d: {  	_ =	swait.ge [sflag:s10], $0x8000  }
0x8e: {  	[sflag:s10] =	ssyncset.done $0x0  }
0x8f: {  	s1 =	rddreg [dreg:$0x18];
	[sflag:s10] =	ssyncadd.s32 $0xFFFF8000  }
0x90: {  	[hbm4b:s1+s2] =	stream.linear.scatter [tilespmem:s4], [sflag:$0x5], $0x8000, $0x38;
	[tilespmem:$0x18000] =	vst v63  }
0x91: {  	_ =	swait.ge [sflag:s11], $0x8000  }
0x92: {  	[sflag:s11] =	ssyncset.done $0x0  }
0x93: {  	s1 =	rddreg [dreg:$0x19];
	[sflag:s11] =	ssyncadd.s32 $0xFFFF8000  }
0x94: {  	[tilespmem:s17], [sflag:$0x3] =	stream.linear.gather [hbm4b:s1+s2], $0x8000, $0x38;
	[tilespmem:$0x18000] =	vst v63  }
0x95: {  	_ =	swait.ge [sflag:s21], $0x8000  }
0x96: {  	[sflag:s21] =	ssyncset.done $0x0  }
0x97: {  	s1 =	rddreg [dreg:$0x1a];
	[sflag:s21] =	ssyncadd.s32 $0xFFFF8000  }
0x98: {  	[hbm4b:s1+s2] =	stream.linear.scatter [tilespmem:s17], [sflag:$0x6], $0x8000, $0x38;
	[tilespmem:$0x18000] =	vst v63  }
0x99: {  	_ =	swait.ge [sflag:s7], $0x8000  }
0x9a: {  	[sflag:s7] =	ssyncset.done $0x0  }
0x9b: {  	s1 =	rddreg [dreg:$0x1b];
	[sflag:s7] =	ssyncadd.s32 $0xFFFF8000  }
0x9c: {  	[tilespmem:s2], [sflag:$0x1] =	stream.linear.gather [hbm4b:s1+s2], $0x8000, $0x38;
	[tilespmem:$0x18000] =	vst v63  }
0x9d: {  	_ =	swait.ge [sflag:s15], $0x8000  }
0x9e: {  	[sflag:s15] =	ssyncset.done $0x0  }
0x9f: {  	s1 =	rddreg [dreg:$0x1c];
	[sflag:s15] =	ssyncadd.s32 $0xFFFF8000  }
0xa0: {  	[hbm4b:s1+s2] =	stream.linear.scatter [tilespmem:s2], [sflag:$0x4], $0x8000, $0x38;
	[tilespmem:$0x18000] =	vst v63  }
0xa1: {  	_ =	swait.ge [sflag:s5], $0x8000  }
0xa2: {  	[sflag:s5] =	ssyncset.done $0x0  }
0xa3: {  	s1 =	rddreg [dreg:$0x1d];
	[sflag:s5] =	ssyncadd.s32 $0xFFFF8000  }
0xa4: {  	[tilespmem:s4], [sflag:$0x2] =	stream.linear.gather [hbm4b:s1+s2], $0x8000, $0x38;
	[tilespmem:$0x18000] =	vst v63  }
0xa5: {  	_ =	swait.ge [sflag:s10], $0x8000  }
0xa6: {  	[sflag:s10] =	ssyncset.done $0x0  }
0xa7: {  	s1 =	rddreg [dreg:$0x1e];
	[sflag:s10] =	ssyncadd.s32 $0xFFFF8000  }
0xa8: {  	[hbm4b:s1+s2] =	stream.linear.scatter [tilespmem:s4], [sflag:$0x5], $0x8000, $0x38;
	[tilespmem:$0x18000] =	vst v63  }
0xa9: {  	_ =	swait.ge [sflag:s11], $0x8000  }
0xaa: {  	[sflag:s11] =	ssyncset.done $0x0  }
0xab: {  	s1 =	rddreg [dreg:$0x1f];
	[sflag:s11] =	ssyncadd.s32 $0xFFFF8000  }
0xac: {  	[tilespmem:s17], [sflag:$0x3] =	stream.linear.gather [hbm4b:s1+s2], $0x8000, $0x38;
	[tilespmem:$0x18000] =	vst v63  }
0xad: {  	_ =	swait.ge [sflag:s21], $0x8000  }
0xae: {  	s1 =	sld [smem:$0x7EF]  }
0xaf: {  	[sflag:s21] =	ssyncset.done $0x0  }
0xb0: {  	[sflag:s21] =	ssyncadd.s32 $0xFFFF8000  }
0xb1: {  	[hbm4b:s1+s2] =	stream.linear.scatter [tilespmem:s17], [sflag:$0x6], $0x8000, $0x38;
	[tilespmem:$0x18000] =	vst v63  }
0xb2: {  	_ =	swait.ge [sflag:s7], $0x8000  }
0xb3: {  	s1 =	sld [smem:$0x7F0]  }
0xb4: {  	[sflag:s7] =	ssyncset.done $0x0  }
0xb5: {  	[sflag:s7] =	ssyncadd.s32 $0xFFFF8000  }
0xb6: {  	[tilespmem:s2], [sflag:$0x1] =	stream.linear.gather [hbm4b:s1+s2], $0x8000, $0x38;
	[tilespmem:$0x18000] =	vst v63  }
0xb7: {  	_ =	swait.ge [sflag:s15], $0x8000  }
0xb8: {  	s1 =	sld [smem:$0x7F1]  }
0xb9: {  	[sflag:s15] =	ssyncset.done $0x0  }
0xba: {  	[sflag:s15] =	ssyncadd.s32 $0xFFFF8000  }
0xbb: {  	[hbm4b:s1+s2] =	stream.linear.scatter [tilespmem:s2], [sflag:$0x4], $0x8000, $0x38;
	[tilespmem:$0x18000] =	vst v63  }
0xbc: {  	_ =	swait.ge [sflag:s5], $0x8000  }
0xbd: {  	s1 =	sld [smem:$0x7F2]  }
0xbe: {  	[sflag:s5] =	ssyncset.done $0x0  }
0xbf: {  	[sflag:s5] =	ssyncadd.s32 $0xFFFF8000  }
0xc0: {  	[tilespmem:s4], [sflag:$0x2] =	stream.linear.gather [hbm4b:s1+s2], $0x8000, $0x38;
	[tilespmem:$0x18000] =	vst v63  }
0xc1: {  	_ =	swait.ge [sflag:s10], $0x8000  }
0xc2: {  	s1 =	sld [smem:$0x7F3]  }
0xc3: {  	[sflag:s10] =	ssyncset.done $0x0  }
0xc4: {  	[sflag:s10] =	ssyncadd.s32 $0xFFFF8000  }
0xc5: {  	[hbm4b:s1+s2] =	stream.linear.scatter [tilespmem:s4], [sflag:$0x5], $0x8000, $0x38;
	[tilespmem:$0x18000] =	vst v63  }
0xc6: {  	_ =	swait.ge [sflag:s11], $0x8000  }
0xc7: {  	s1 =	sld [smem:$0x7F4]  }
0xc8: {  	[sflag:s11] =	ssyncset.done $0x0  }
0xc9: {  	[sflag:s11] =	ssyncadd.s32 $0xFFFF8000  }
0xca: {  	[tilespmem:s17], [sflag:$0x3] =	stream.linear.gather [hbm4b:s1+s2], $0x8000, $0x38;
	[tilespmem:$0x18000] =	vst v63  }
0xcb: {  	_ =	swait.ge [sflag:s21], $0x8000  }
0xcc: {  	s1 =	sld [smem:$0x7F5]  }
0xcd: {  	[sflag:s21] =	ssyncset.done $0x0  }
0xce: {  	[sflag:s21] =	ssyncadd.s32 $0xFFFF8000  }
0xcf: {  	[hbm4b:s1+s2] =	stream.linear.scatter [tilespmem:s17], [sflag:$0x6], $0x8000, $0x38;
	[tilespmem:$0x18000] =	vst v63  }
0xd0: {  	_ =	swait.ge [sflag:s7], $0x8000  }
0xd1: {  	s1 =	sld [smem:$0x7F6]  }
0xd2: {  	[sflag:s7] =	ssyncset.done $0x0  }
0xd3: {  	[sflag:s7] =	ssyncadd.s32 $0xFFFF8000  }
0xd4: {  	[tilespmem:s2], [sflag:$0x1] =	stream.linear.gather [hbm4b:s1+s2], $0x8000, $0x38;
	[tilespmem:$0x18000] =	vst v63  }
0xd5: {  	_ =	swait.ge [sflag:s15], $0x8000  }
0xd6: {  	s1 =	sld [smem:$0x7F7]  }
0xd7: {  	[sflag:s15] =	ssyncset.done $0x0  }
0xd8: {  	[sflag:s15] =	ssyncadd.s32 $0xFFFF8000  }
0xd9: {  	[hbm4b:s1+s2] =	stream.linear.scatter [tilespmem:s2], [sflag:$0x4], $0x8000, $0x38;
	[tilespmem:$0x18000] =	vst v63  }
0xda: {  	_ =	swait.ge [sflag:s5], $0x8000  }
0xdb: {  	s1 =	sld [smem:$0x7F8]  }
0xdc: {  	[sflag:s5] =	ssyncset.done $0x0  }
0xdd: {  	[sflag:s5] =	ssyncadd.s32 $0xFFFF8000  }
0xde: {  	[tilespmem:s4], [sflag:$0x2] =	stream.linear.gather [hbm4b:s1+s2], $0x8000, $0x38;
	[tilespmem:$0x18000] =	vst v63  }
0xdf: {  	_ =	swait.ge [sflag:s10], $0x8000  }
0xe0: {  	s1 =	sld [smem:$0x7F9]  }
0xe1: {  	[sflag:s10] =	ssyncset.done $0x0  }
0xe2: {  	[sflag:s10] =	ssyncadd.s32 $0xFFFF8000  }
0xe3: {  	[hbm4b:s1+s2] =	stream.linear.scatter [tilespmem:s4], [sflag:$0x5], $0x8000, $0x38;
	[tilespmem:$0x18000] =	vst v63  }
0xe4: {  	_ =	swait.ge [sflag:s11], $0x8000  }
0xe5: {  	s1 =	sld [smem:$0x7FA]  }
0xe6: {  	[sflag:s11] =	ssyncset.done $0x0  }
0xe7: {  	[sflag:s11] =	ssyncadd.s32 $0xFFFF8000  }
0xe8: {  	[tilespmem:s17], [sflag:$0x3] =	stream.linear.gather [hbm4b:s1+s2], $0x8000, $0x38;
	[tilespmem:$0x18000] =	vst v63  }
0xe9: {  	_ =	swait.ge [sflag:s21], $0x8000  }
0xea: {  	s1 =	sld [smem:$0x7FB]  }
0xeb: {  	[sflag:s21] =	ssyncset.done $0x0  }
0xec: {  	[sflag:s21] =	ssyncadd.s32 $0xFFFF8000  }
0xed: {  	[hbm4b:s1+s2] =	stream.linear.scatter [tilespmem:s17], [sflag:$0x6], $0x8000, $0x38;
	[tilespmem:$0x18000] =	vst v63  }
0xee: {  	_ =	swait.ge [sflag:s7], $0x8000  }
0xef: {  	s1 =	sld [smem:$0x7FC]  }
0xf0: {  	[sflag:s7] =	ssyncset.done $0x0  }
0xf1: {  	[sflag:s7] =	ssyncadd.s32 $0xFFFF8000  }
0xf2: {  	[tilespmem:s2], [sflag:$0x1] =	stream.linear.gather [hbm4b:s1+s2], $0x8000, $0x38;
	[tilespmem:$0x18000] =	vst v63  }
0xf3: {  	_ =	swait.ge [sflag:s15], $0x8000  }
0xf4: {  	s1 =	sld [smem:$0x7FD]  }
0xf5: {  	[sflag:s15] =	ssyncset.done $0x0  }
0xf6: {  	[sflag:s15] =	ssyncadd.s32 $0xFFFF8000  }
0xf7: {  	[hbm4b:s1+s2] =	stream.linear.scatter [tilespmem:s2], [sflag:$0x4], $0x8000, $0x38;
	[tilespmem:$0x18000] =	vst v63  }
0xf8: {  	_ =	swait.ge [sflag:s5], $0x8000  }
0xf9: {  	[sflag:s5] =	ssyncset.done $0x0  }
0xfa: {  	[sflag:s5] =	ssyncadd.s32 $0xFFFF8000  }
0xfb: {  	[tilespmem:s4], [sflag:$0x2] =	stream.linear.gather [hbm4b:s31+s2], $0x8000, $0x38;
	[tilespmem:$0x18000] =	vst v63  }
0xfc: {  	_ =	swait.ge [sflag:s10], $0x8000  }
0xfd: {  	[sflag:s10] =	ssyncset.done $0x0  }
0xfe: {  	[sflag:s10] =	ssyncadd.s32 $0xFFFF8000  }
0xff: {  	[hbm4b:s30+s2] =	stream.linear.scatter [tilespmem:s4], [sflag:$0x5], $0x8000, $0x38;
	[tilespmem:$0x18000] =	vst v63  }
0x100: {  	_ =	swait.ge [sflag:s11], $0x8000  }
0x101: {  	[sflag:s11] =	ssyncset.done $0x0  }
0x102: {  	[sflag:s11] =	ssyncadd.s32 $0xFFFF8000  }
0x103: {  	[tilespmem:s17], [sflag:$0x3] =	stream.linear.gather [hbm4b:s29+s2], $0x8000, $0x38;
	[tilespmem:$0x18000] =	vst v63  }
0x104: {  	_ =	swait.ge [sflag:s21], $0x8000  }
0x105: {  	[sflag:s21] =	ssyncset.done $0x0  }
0x106: {  	[sflag:s21] =	ssyncadd.s32 $0xFFFF8000  }
0x107: {  	[hbm4b:s28+s2] =	stream.linear.scatter [tilespmem:s17], [sflag:$0x6], $0x8000, $0x38;
	[tilespmem:$0x18000] =	vst v63  }
0x108: {  	_ =	swait.ge [sflag:s7], $0x8000  }
0x109: {  	[sflag:s7] =	ssyncset.done $0x0  }
0x10a: {  	[sflag:s7] =	ssyncadd.s32 $0xFFFF8000  }
0x10b: {  	[tilespmem:s2], [sflag:$0x1] =	stream.linear.gather [hbm4b:s26+s2], $0x8000, $0x38;
	[tilespmem:$0x18000] =	vst v63  }
0x10c: {  	_ =	swait.ge [sflag:s15], $0x8000  }
0x10d: {  	[sflag:s15] =	ssyncset.done $0x0  }
0x10e: {  	[sflag:s15] =	ssyncadd.s32 $0xFFFF8000  }
0x10f: {  	[hbm4b:s25+s2] =	stream.linear.scatter [tilespmem:s2], [sflag:$0x4], $0x8000, $0x38;
	[tilespmem:$0x18000] =	vst v63  }
0x110: {  	_ =	swait.ge [sflag:s5], $0x8000  }
0x111: {  	[sflag:s5] =	ssyncset.done $0x0  }
0x112: {  	[sflag:s5] =	ssyncadd.s32 $0xFFFF8000  }
0x113: {  	[tilespmem:s4], [sflag:$0x2] =	stream.linear.gather [hbm4b:s24+s2], $0x8000, $0x38;
	[tilespmem:$0x18000] =	vst v63  }
0x114: {  	_ =	swait.ge [sflag:s10], $0x8000  }
0x115: {  	[sflag:s10] =	ssyncset.done $0x0  }
0x116: {  	[sflag:s10] =	ssyncadd.s32 $0xFFFF8000  }
0x117: {  	[hbm4b:s23+s2] =	stream.linear.scatter [tilespmem:s4], [sflag:$0x5], $0x8000, $0x38;
	[tilespmem:$0x18000] =	vst v63  }
0x118: {  	_ =	swait.ge [sflag:s11], $0x8000  }
0x119: {  	[sflag:s11] =	ssyncset.done $0x0  }
0x11a: {  	[sflag:s11] =	ssyncadd.s32 $0xFFFF8000  }
0x11b: {  	[tilespmem:s17], [sflag:$0x3] =	stream.linear.gather [hbm4b:s22+s2], $0x8000, $0x38;
	[tilespmem:$0x18000] =	vst v63  }
0x11c: {  	_ =	swait.ge [sflag:s21], $0x8000  }
0x11d: {  	[sflag:s21] =	ssyncset.done $0x0  }
0x11e: {  	[sflag:s21] =	ssyncadd.s32 $0xFFFF8000  }
0x11f: {  	[hbm4b:s20+s2] =	stream.linear.scatter [tilespmem:s17], [sflag:$0x6], $0x8000, $0x38;
	[tilespmem:$0x18000] =	vst v63  }
0x120: {  	_ =	swait.ge [sflag:s7], $0x8000  }
0x121: {  	[sflag:s7] =	ssyncset.done $0x0  }
0x122: {  	[sflag:s7] =	ssyncadd.s32 $0xFFFF8000  }
0x123: {  	[tilespmem:s2], [sflag:$0x1] =	stream.linear.gather [hbm4b:s19+s2], $0x8000, $0x38;
	[tilespmem:$0x18000] =	vst v63  }
0x124: {  	_ =	swait.ge [sflag:s15], $0x8000  }
0x125: {  	[sflag:s15] =	ssyncset.done $0x0  }
0x126: {  	[sflag:s15] =	ssyncadd.s32 $0xFFFF8000  }
0x127: {  	[hbm4b:s18+s2] =	stream.linear.scatter [tilespmem:s2], [sflag:$0x4], $0x8000, $0x38;
	[tilespmem:$0x18000] =	vst v63  }
0x128: {  	_ =	swait.ge [sflag:s5], $0x8000  }
0x129: {  	[sflag:s5] =	ssyncset.done $0x0  }
0x12a: {  	[sflag:s5] =	ssyncadd.s32 $0xFFFF8000  }
0x12b: {  	[tilespmem:s4], [sflag:$0x2] =	stream.linear.gather [hbm4b:s16+s2], $0x8000, $0x38;
	[tilespmem:$0x18000] =	vst v63  }
0x12c: {  	_ =	swait.ge [sflag:s10], $0x8000  }
0x12d: {  	[sflag:s10] =	ssyncset.done $0x0  }
0x12e: {  	[sflag:s10] =	ssyncadd.s32 $0xFFFF8000  }
0x12f: {  	[hbm4b:s14+s2] =	stream.linear.scatter [tilespmem:s4], [sflag:$0x5], $0x8000, $0x38;
	[tilespmem:$0x18000] =	vst v63  }
0x130: {  	_ =	swait.ge [sflag:s11], $0x8000  }
0x131: {  	[sflag:s11] =	ssyncset.done $0x0  }
0x132: {  	[sflag:s11] =	ssyncadd.s32 $0xFFFF8000  }
0x133: {  	[tilespmem:s17], [sflag:$0x3] =	stream.linear.gather [hbm4b:s13+s2], $0x8000, $0x38;
	[tilespmem:$0x18000] =	vst v63  }
0x134: {  	_ =	swait.ge [sflag:s21], $0x8000  }
0x135: {  	[sflag:s21] =	ssyncset.done $0x0  }
0x136: {  	[sflag:s21] =	ssyncadd.s32 $0xFFFF8000  }
0x137: {  	[hbm4b:s12+s2] =	stream.linear.scatter [tilespmem:s17], [sflag:$0x6], $0x8000, $0x38;
	[tilespmem:$0x18000] =	vst v63  }
0x138: {  	_ =	swait.ge [sflag:s7], $0x8000  }
0x139: {  	[sflag:s7] =	ssyncset.done $0x0  }
0x13a: {  	[sflag:s7] =	ssyncadd.s32 $0xFFFF8000  }
0x13b: {  	[tilespmem:s2], [sflag:$0x1] =	stream.linear.gather [hbm4b:s9+s2], $0x8000, $0x38;
	[tilespmem:$0x18000] =	vst v63  }
0x13c: {  	_ =	swait.ge [sflag:s15], $0x8000  }
0x13d: {  	[sflag:s15] =	ssyncset.done $0x0  }
0x13e: {  	[sflag:s15] =	ssyncadd.s32 $0xFFFF8000  }
0x13f: {  	[hbm4b:s8+s2] =	stream.linear.scatter [tilespmem:s2], [sflag:$0x4], $0x8000, $0x38;
	[tilespmem:$0x18000] =	vst v63  }
0x140: {  	_ =	swait.ge [sflag:s5], $0x8000  }
0x141: {  	[sflag:s5] =	ssyncset.done $0x0  }
0x142: {  	[sflag:s5] =	ssyncadd.s32 $0xFFFF8000  }
0x143: {  	[tilespmem:s4], [sflag:$0x2] =	stream.linear.gather [hbm4b:s6+s2], $0x8000, $0x38;
	[tilespmem:$0x18000] =	vst v63  }
0x144: {  	_ =	swait.ge [sflag:s10], $0x8000  }
0x145: {  	[sflag:s10] =	ssyncset.done $0x0  }
0x146: {  	[sflag:s10] =	ssyncadd.s32 $0xFFFF8000  }
0x147: {  	[hbm4b:s3+s2] =	stream.linear.scatter [tilespmem:s4], [sflag:$0x5], $0x8000, $0x38;
	[tilespmem:$0x18000] =	vst v63  }
0x148: {  	_ =	swait.ge [sflag:s11], $0x8000  }
0x149: {  	[sflag:s11] =	ssyncset.done $0x0  }
0x14a: {  	[sflag:s11] =	ssyncadd.s32 $0xFFFF8000  }
0x14b: {  	_ =	swait.ge [sflag:s7], $0x8000  }
0x14c: {  	s1 =	sld [smem:$0x7EE];
	_ =	sdelay $0x2  }
0x14d: {  	p1 =	sne.s32 s1, $0x1  }
.Ltmp1:
0x14e: {  	_ = 	snop;
	(pc) =	sbr.rel @!p1 .LBB2_3-.Ltmp1, $4  }
0x14f: {  	[sflag:s7] =	ssyncset.done $0x0  }
0x150: {  	[sflag:s7] =	ssyncadd.s32 $0xFFFF8000  }
0x151: {  	p0 =	por $0x1, $0x1;
	_ =	swait.ge [sflag:s5], $0x8000  }
0x152: {  	s0 =	sadd.s32 $0xFFFFFFFF, s1;
	s1 =	rddreg [dreg:$0x3];
	[sflag:s5] =	ssyncset.done $0x0  }
.LBB2_2:
0x153: {  	[sflag:s5] =	ssyncadd.s32 $0xFFFF8000  }
0x154: {  	s17 =	smov.u32 s31;
	s31 =	smov.u32 s30;
	s30 =	smov.u32 s29  }
0x155: {  	s29 =	smov.u32 s28;
	s28 =	smov.u32 s26;
	s26 =	smov.u32 s25  }
0x156: {  	s25 =	smov.u32 s24;
	s24 =	smov.u32 s23;
	s23 =	smov.u32 s22  }
0x157: {  	s22 =	smov.u32 s20;
	s20 =	smov.u32 s19;
	s19 =	smov.u32 s18  }
0x158: {  	s18 =	smov.u32 s16;
	s16 =	smov.u32 s14;
	s14 =	smov.u32 s13  }
0x159: {  	s13 =	smov.u32 s12;
	s12 =	smov.u32 s9;
	s9 =	smov.u32 s8  }
0x15a: {  	s8 =	smov.u32 s6;
	s6 =	smov.u32 s3;
	s3 =	rddreg [dreg:$0x4]  }
0x15b: {  	[tilespmem:s2], [sflag:$0x1] =	stream.linear.gather [hbm4b:s1+s2], $0x8000, $0x38;
	[tilespmem:$0x18000] =	vst v63  }
0x15c: {  	s1 =	rddreg [dreg:$0x5]  }
0x15d: {  	[tilespmem:s4], [sflag:$0x2] =	stream.linear.gather [hbm4b:s3+s2], $0x8000, $0x38;
	[tilespmem:$0x18000] =	vst v63  }
0x15e: {  	s3 =	smov.u32 s6;
	s6 =	smov.u32 s8;
	s8 =	smov.u32 s9  }
0x15f: {  	s9 =	smov.u32 s12;
	s12 =	smov.u32 s13;
	s13 =	smov.u32 s14  }
0x160: {  	s14 =	smov.u32 s16;
	s16 =	smov.u32 s18;
	s18 =	smov.u32 s19  }
0x161: {  	s19 =	smov.u32 s20;
	s20 =	smov.u32 s22;
	s22 =	smov.u32 s23  }
0x162: {  	s23 =	smov.u32 s24;
	s24 =	smov.u32 s25;
	s25 =	smov.u32 s26  }
0x163: {  	s26 =	smov.u32 s28;
	s28 =	smov.u32 s29;
	s29 =	smov.u32 s30  }
0x164: {  	s30 =	smov.u32 s31;
	s31 =	smov.u32 s17;
	s17 =	simm.s32 $0x10000  }
0x165: {  	[tilespmem:s17], [sflag:$0x3] =	stream.linear.gather [hbm4b:s1+s2], $0x8000, $0x38;
	[tilespmem:$0x18000] =	vst v63  }
0x166: {  	_ =	swait.ge [sflag:s15], $0x8000  }
0x167: {  	[sflag:s15] =	ssyncset.done $0x0  }
0x168: {  	s1 =	rddreg [dreg:$0x6];
	[sflag:s15] =	ssyncadd.s32 $0xFFFF8000  }
0x169: {  	[hbm4b:s1+s2] =	stream.linear.scatter [tilespmem:s2], [sflag:$0x4], $0x8000, $0x38;
	[tilespmem:$0x18000] =	vst v63  }
0x16a: {  	_ =	swait.ge [sflag:s10], $0x8000  }
0x16b: {  	[sflag:s10] =	ssyncset.done $0x0  }
0x16c: {  	s1 =	rddreg [dreg:$0x7];
	[sflag:s10] =	ssyncadd.s32 $0xFFFF8000  }
0x16d: {  	[hbm4b:s1+s2] =	stream.linear.scatter [tilespmem:s4], [sflag:$0x5], $0x8000, $0x38;
	[tilespmem:$0x18000] =	vst v63  }
0x16e: {  	_ =	swait.ge [sflag:s21], $0x8000  }
0x16f: {  	[sflag:s21] =	ssyncset.done $0x0  }
0x170: {  	s1 =	rddreg [dreg:$0x8];
	[sflag:s21] =	ssyncadd.s32 $0xFFFF8000  }
0x171: {  	[hbm4b:s1+s2] =	stream.linear.scatter [tilespmem:s17], [sflag:$0x6], $0x8000, $0x38;
	[tilespmem:$0x18000] =	vst v63  }
0x172: {  	_ =	swait.ge [sflag:s7], $0x8000  }
0x173: {  	[sflag:s7] =	ssyncset.done $0x0  }
0x174: {  	s1 =	rddreg [dreg:$0x9];
	[sflag:s7] =	ssyncadd.s32 $0xFFFF8000  }
0x175: {  	[tilespmem:s2], [sflag:$0x1] =	stream.linear.gather [hbm4b:s1+s2], $0x8000, $0x38;
	[tilespmem:$0x18000] =	vst v63  }
0x176: {  	_ =	swait.ge [sflag:s15], $0x8000  }
0x177: {  	[sflag:s15] =	ssyncset.done $0x0  }
0x178: {  	s1 =	rddreg [dreg:$0xa];
	[sflag:s15] =	ssyncadd.s32 $0xFFFF8000  }
0x179: {  	[hbm4b:s1+s2] =	stream.linear.scatter [tilespmem:s2], [sflag:$0x4], $0x8000, $0x38;
	[tilespmem:$0x18000] =	vst v63  }
0x17a: {  	_ =	swait.ge [sflag:s5], $0x8000  }
0x17b: {  	[sflag:s5] =	ssyncset.done $0x0  }
0x17c: {  	s1 =	rddreg [dreg:$0xb];
	[sflag:s5] =	ssyncadd.s32 $0xFFFF8000  }
0x17d: {  	[tilespmem:s4], [sflag:$0x2] =	stream.linear.gather [hbm4b:s1+s2], $0x8000, $0x38;
	[tilespmem:$0x18000] =	vst v63  }
0x17e: {  	_ =	swait.ge [sflag:s10], $0x8000  }
0x17f: {  	[sflag:s10] =	ssyncset.done $0x0  }
0x180: {  	s1 =	rddreg [dreg:$0xc];
	[sflag:s10] =	ssyncadd.s32 $0xFFFF8000  }
0x181: {  	[hbm4b:s1+s2] =	stream.linear.scatter [tilespmem:s4], [sflag:$0x5], $0x8000, $0x38;
	[tilespmem:$0x18000] =	vst v63  }
0x182: {  	_ =	swait.ge [sflag:s11], $0x8000  }
0x183: {  	[sflag:s11] =	ssyncset.done $0x0  }
0x184: {  	s1 =	rddreg [dreg:$0xd];
	[sflag:s11] =	ssyncadd.s32 $0xFFFF8000  }
0x185: {  	[tilespmem:s17], [sflag:$0x3] =	stream.linear.gather [hbm4b:s1+s2], $0x8000, $0x38;
	[tilespmem:$0x18000] =	vst v63  }
0x186: {  	_ =	swait.ge [sflag:s21], $0x8000  }
0x187: {  	[sflag:s21] =	ssyncset.done $0x0  }
0x188: {  	s1 =	rddreg [dreg:$0xe];
	[sflag:s21] =	ssyncadd.s32 $0xFFFF8000  }
0x189: {  	[hbm4b:s1+s2] =	stream.linear.scatter [tilespmem:s17], [sflag:$0x6], $0x8000, $0x38;
	[tilespmem:$0x18000] =	vst v63  }
0x18a: {  	_ =	swait.ge [sflag:s7], $0x8000  }
0x18b: {  	[sflag:s7] =	ssyncset.done $0x0  }
0x18c: {  	s1 =	rddreg [dreg:$0xf];
	[sflag:s7] =	ssyncadd.s32 $0xFFFF8000  }
0x18d: {  	[tilespmem:s2], [sflag:$0x1] =	stream.linear.gather [hbm4b:s1+s2], $0x8000, $0x38;
	[tilespmem:$0x18000] =	vst v63  }
0x18e: {  	_ =	swait.ge [sflag:s15], $0x8000  }
0x18f: {  	[sflag:s15] =	ssyncset.done $0x0  }
0x190: {  	s1 =	rddreg [dreg:$0x10];
	[sflag:s15] =	ssyncadd.s32 $0xFFFF8000  }
0x191: {  	[hbm4b:s1+s2] =	stream.linear.scatter [tilespmem:s2], [sflag:$0x4], $0x8000, $0x38;
	[tilespmem:$0x18000] =	vst v63  }
0x192: {  	_ =	swait.ge [sflag:s5], $0x8000  }
0x193: {  	[sflag:s5] =	ssyncset.done $0x0  }
0x194: {  	s1 =	rddreg [dreg:$0x11];
	[sflag:s5] =	ssyncadd.s32 $0xFFFF8000  }
0x195: {  	[tilespmem:s4], [sflag:$0x2] =	stream.linear.gather [hbm4b:s1+s2], $0x8000, $0x38;
	[tilespmem:$0x18000] =	vst v63  }
0x196: {  	_ =	swait.ge [sflag:s10], $0x8000  }
0x197: {  	[sflag:s10] =	ssyncset.done $0x0  }
0x198: {  	s1 =	rddreg [dreg:$0x12];
	[sflag:s10] =	ssyncadd.s32 $0xFFFF8000  }
0x199: {  	[hbm4b:s1+s2] =	stream.linear.scatter [tilespmem:s4], [sflag:$0x5], $0x8000, $0x38;
	[tilespmem:$0x18000] =	vst v63  }
0x19a: {  	_ =	swait.ge [sflag:s11], $0x8000  }
0x19b: {  	[sflag:s11] =	ssyncset.done $0x0  }
0x19c: {  	s1 =	rddreg [dreg:$0x13];
	[sflag:s11] =	ssyncadd.s32 $0xFFFF8000  }
0x19d: {  	[tilespmem:s17], [sflag:$0x3] =	stream.linear.gather [hbm4b:s1+s2], $0x8000, $0x38;
	[tilespmem:$0x18000] =	vst v63  }
0x19e: {  	_ =	swait.ge [sflag:s21], $0x8000  }
0x19f: {  	[sflag:s21] =	ssyncset.done $0x0  }
0x1a0: {  	s1 =	rddreg [dreg:$0x14];
	[sflag:s21] =	ssyncadd.s32 $0xFFFF8000  }
0x1a1: {  	[hbm4b:s1+s2] =	stream.linear.scatter [tilespmem:s17], [sflag:$0x6], $0x8000, $0x38;
	[tilespmem:$0x18000] =	vst v63  }
0x1a2: {  	_ =	swait.ge [sflag:s7], $0x8000  }
0x1a3: {  	[sflag:s7] =	ssyncset.done $0x0  }
0x1a4: {  	s1 =	rddreg [dreg:$0x15];
	[sflag:s7] =	ssyncadd.s32 $0xFFFF8000  }
0x1a5: {  	[tilespmem:s2], [sflag:$0x1] =	stream.linear.gather [hbm4b:s1+s2], $0x8000, $0x38;
	[tilespmem:$0x18000] =	vst v63  }
0x1a6: {  	_ =	swait.ge [sflag:s15], $0x8000  }
0x1a7: {  	[sflag:s15] =	ssyncset.done $0x0  }
0x1a8: {  	s1 =	rddreg [dreg:$0x16];
	[sflag:s15] =	ssyncadd.s32 $0xFFFF8000  }
0x1a9: {  	[hbm4b:s1+s2] =	stream.linear.scatter [tilespmem:s2], [sflag:$0x4], $0x8000, $0x38;
	[tilespmem:$0x18000] =	vst v63  }
0x1aa: {  	_ =	swait.ge [sflag:s5], $0x8000  }
0x1ab: {  	[sflag:s5] =	ssyncset.done $0x0  }
0x1ac: {  	s1 =	rddreg [dreg:$0x17];
	[sflag:s5] =	ssyncadd.s32 $0xFFFF8000  }
0x1ad: {  	[tilespmem:s4], [sflag:$0x2] =	stream.linear.gather [hbm4b:s1+s2], $0x8000, $0x38;
	[tilespmem:$0x18000] =	vst v63  }
0x1ae: {  	_ =	swait.ge [sflag:s10], $0x8000  }
0x1af: {  	[sflag:s10] =	ssyncset.done $0x0  }
0x1b0: {  	s1 =	rddreg [dreg:$0x18];
	[sflag:s10] =	ssyncadd.s32 $0xFFFF8000  }
0x1b1: {  	[hbm4b:s1+s2] =	stream.linear.scatter [tilespmem:s4], [sflag:$0x5], $0x8000, $0x38;
	[tilespmem:$0x18000] =	vst v63  }
0x1b2: {  	_ =	swait.ge [sflag:s11], $0x8000  }
0x1b3: {  	[sflag:s11] =	ssyncset.done $0x0  }
0x1b4: {  	s1 =	rddreg [dreg:$0x19];
	[sflag:s11] =	ssyncadd.s32 $0xFFFF8000  }
0x1b5: {  	[tilespmem:s17], [sflag:$0x3] =	stream.linear.gather [hbm4b:s1+s2], $0x8000, $0x38;
	[tilespmem:$0x18000] =	vst v63  }
0x1b6: {  	_ =	swait.ge [sflag:s21], $0x8000  }
0x1b7: {  	[sflag:s21] =	ssyncset.done $0x0  }
0x1b8: {  	s1 =	rddreg [dreg:$0x1a];
	[sflag:s21] =	ssyncadd.s32 $0xFFFF8000  }
0x1b9: {  	[hbm4b:s1+s2] =	stream.linear.scatter [tilespmem:s17], [sflag:$0x6], $0x8000, $0x38;
	[tilespmem:$0x18000] =	vst v63  }
0x1ba: {  	_ =	swait.ge [sflag:s7], $0x8000  }
0x1bb: {  	[sflag:s7] =	ssyncset.done $0x0  }
0x1bc: {  	s1 =	rddreg [dreg:$0x1b];
	[sflag:s7] =	ssyncadd.s32 $0xFFFF8000  }
0x1bd: {  	[tilespmem:s2], [sflag:$0x1] =	stream.linear.gather [hbm4b:s1+s2], $0x8000, $0x38;
	[tilespmem:$0x18000] =	vst v63  }
0x1be: {  	_ =	swait.ge [sflag:s15], $0x8000  }
0x1bf: {  	[sflag:s15] =	ssyncset.done $0x0  }
0x1c0: {  	s1 =	rddreg [dreg:$0x1c];
	[sflag:s15] =	ssyncadd.s32 $0xFFFF8000  }
0x1c1: {  	[hbm4b:s1+s2] =	stream.linear.scatter [tilespmem:s2], [sflag:$0x4], $0x8000, $0x38;
	[tilespmem:$0x18000] =	vst v63  }
0x1c2: {  	_ =	swait.ge [sflag:s5], $0x8000  }
0x1c3: {  	[sflag:s5] =	ssyncset.done $0x0  }
0x1c4: {  	s1 =	rddreg [dreg:$0x1d];
	[sflag:s5] =	ssyncadd.s32 $0xFFFF8000  }
0x1c5: {  	[tilespmem:s4], [sflag:$0x2] =	stream.linear.gather [hbm4b:s1+s2], $0x8000, $0x38;
	[tilespmem:$0x18000] =	vst v63  }
0x1c6: {  	_ =	swait.ge [sflag:s10], $0x8000  }
0x1c7: {  	[sflag:s10] =	ssyncset.done $0x0  }
0x1c8: {  	s1 =	rddreg [dreg:$0x1e];
	[sflag:s10] =	ssyncadd.s32 $0xFFFF8000  }
0x1c9: {  	[hbm4b:s1+s2] =	stream.linear.scatter [tilespmem:s4], [sflag:$0x5], $0x8000, $0x38;
	[tilespmem:$0x18000] =	vst v63  }
0x1ca: {  	_ =	swait.ge [sflag:s11], $0x8000  }
0x1cb: {  	[sflag:s11] =	ssyncset.done $0x0  }
0x1cc: {  	s1 =	rddreg [dreg:$0x1f];
	[sflag:s11] =	ssyncadd.s32 $0xFFFF8000  }
0x1cd: {  	[tilespmem:s17], [sflag:$0x3] =	stream.linear.gather [hbm4b:s1+s2], $0x8000, $0x38;
	[tilespmem:$0x18000] =	vst v63  }
0x1ce: {  	_ =	swait.ge [sflag:s21], $0x8000  }
0x1cf: {  	s1 =	sld [smem:$0x7EF]  }
0x1d0: {  	[sflag:s21] =	ssyncset.done $0x0  }
0x1d1: {  	[sflag:s21] =	ssyncadd.s32 $0xFFFF8000  }
0x1d2: {  	[hbm4b:s1+s2] =	stream.linear.scatter [tilespmem:s17], [sflag:$0x6], $0x8000, $0x38;
	[tilespmem:$0x18000] =	vst v63  }
0x1d3: {  	_ =	swait.ge [sflag:s7], $0x8000  }
0x1d4: {  	s1 =	sld [smem:$0x7F0]  }
0x1d5: {  	[sflag:s7] =	ssyncset.done $0x0  }
0x1d6: {  	[sflag:s7] =	ssyncadd.s32 $0xFFFF8000  }
0x1d7: {  	[tilespmem:s2], [sflag:$0x1] =	stream.linear.gather [hbm4b:s1+s2], $0x8000, $0x38;
	[tilespmem:$0x18000] =	vst v63  }
0x1d8: {  	_ =	swait.ge [sflag:s15], $0x8000  }
0x1d9: {  	s1 =	sld [smem:$0x7F1]  }
0x1da: {  	[sflag:s15] =	ssyncset.done $0x0  }
0x1db: {  	[sflag:s15] =	ssyncadd.s32 $0xFFFF8000  }
0x1dc: {  	[hbm4b:s1+s2] =	stream.linear.scatter [tilespmem:s2], [sflag:$0x4], $0x8000, $0x38;
	[tilespmem:$0x18000] =	vst v63  }
0x1dd: {  	_ =	swait.ge [sflag:s5], $0x8000  }
0x1de: {  	s1 =	sld [smem:$0x7F2]  }
0x1df: {  	[sflag:s5] =	ssyncset.done $0x0  }
0x1e0: {  	[sflag:s5] =	ssyncadd.s32 $0xFFFF8000  }
0x1e1: {  	[tilespmem:s4], [sflag:$0x2] =	stream.linear.gather [hbm4b:s1+s2], $0x8000, $0x38;
	[tilespmem:$0x18000] =	vst v63  }
0x1e2: {  	_ =	swait.ge [sflag:s10], $0x8000  }
0x1e3: {  	s1 =	sld [smem:$0x7F3]  }
0x1e4: {  	[sflag:s10] =	ssyncset.done $0x0  }
0x1e5: {  	[sflag:s10] =	ssyncadd.s32 $0xFFFF8000  }
0x1e6: {  	[hbm4b:s1+s2] =	stream.linear.scatter [tilespmem:s4], [sflag:$0x5], $0x8000, $0x38;
	[tilespmem:$0x18000] =	vst v63  }
0x1e7: {  	_ =	swait.ge [sflag:s11], $0x8000  }
0x1e8: {  	s1 =	sld [smem:$0x7F4]  }
0x1e9: {  	[sflag:s11] =	ssyncset.done $0x0  }
0x1ea: {  	[sflag:s11] =	ssyncadd.s32 $0xFFFF8000  }
0x1eb: {  	[tilespmem:s17], [sflag:$0x3] =	stream.linear.gather [hbm4b:s1+s2], $0x8000, $0x38;
	[tilespmem:$0x18000] =	vst v63  }
0x1ec: {  	_ =	swait.ge [sflag:s21], $0x8000  }
0x1ed: {  	s1 =	sld [smem:$0x7F5]  }
0x1ee: {  	[sflag:s21] =	ssyncset.done $0x0  }
0x1ef: {  	[sflag:s21] =	ssyncadd.s32 $0xFFFF8000  }
0x1f0: {  	[hbm4b:s1+s2] =	stream.linear.scatter [tilespmem:s17], [sflag:$0x6], $0x8000, $0x38;
	[tilespmem:$0x18000] =	vst v63  }
0x1f1: {  	_ =	swait.ge [sflag:s7], $0x8000  }
0x1f2: {  	s1 =	sld [smem:$0x7F6]  }
0x1f3: {  	[sflag:s7] =	ssyncset.done $0x0  }
0x1f4: {  	[sflag:s7] =	ssyncadd.s32 $0xFFFF8000  }
0x1f5: {  	[tilespmem:s2], [sflag:$0x1] =	stream.linear.gather [hbm4b:s1+s2], $0x8000, $0x38;
	[tilespmem:$0x18000] =	vst v63  }
0x1f6: {  	_ =	swait.ge [sflag:s15], $0x8000  }
0x1f7: {  	s1 =	sld [smem:$0x7F7]  }
0x1f8: {  	[sflag:s15] =	ssyncset.done $0x0  }
0x1f9: {  	[sflag:s15] =	ssyncadd.s32 $0xFFFF8000  }
0x1fa: {  	[hbm4b:s1+s2] =	stream.linear.scatter [tilespmem:s2], [sflag:$0x4], $0x8000, $0x38;
	[tilespmem:$0x18000] =	vst v63  }
0x1fb: {  	_ =	swait.ge [sflag:s5], $0x8000  }
0x1fc: {  	s1 =	sld [smem:$0x7F8]  }
0x1fd: {  	[sflag:s5] =	ssyncset.done $0x0  }
0x1fe: {  	[sflag:s5] =	ssyncadd.s32 $0xFFFF8000  }
0x1ff: {  	[tilespmem:s4], [sflag:$0x2] =	stream.linear.gather [hbm4b:s1+s2], $0x8000, $0x38;
	[tilespmem:$0x18000] =	vst v63  }
0x200: {  	_ =	swait.ge [sflag:s10], $0x8000  }
0x201: {  	s1 =	sld [smem:$0x7F9]  }
0x202: {  	[sflag:s10] =	ssyncset.done $0x0  }
0x203: {  	[sflag:s10] =	ssyncadd.s32 $0xFFFF8000  }
0x204: {  	[hbm4b:s1+s2] =	stream.linear.scatter [tilespmem:s4], [sflag:$0x5], $0x8000, $0x38;
	[tilespmem:$0x18000] =	vst v63  }
0x205: {  	_ =	swait.ge [sflag:s11], $0x8000  }
0x206: {  	s1 =	sld [smem:$0x7FA]  }
0x207: {  	[sflag:s11] =	ssyncset.done $0x0  }
0x208: {  	[sflag:s11] =	ssyncadd.s32 $0xFFFF8000  }
0x209: {  	[tilespmem:s17], [sflag:$0x3] =	stream.linear.gather [hbm4b:s1+s2], $0x8000, $0x38;
	[tilespmem:$0x18000] =	vst v63  }
0x20a: {  	_ =	swait.ge [sflag:s21], $0x8000  }
0x20b: {  	s1 =	sld [smem:$0x7FB]  }
0x20c: {  	[sflag:s21] =	ssyncset.done $0x0  }
0x20d: {  	[sflag:s21] =	ssyncadd.s32 $0xFFFF8000  }
0x20e: {  	[hbm4b:s1+s2] =	stream.linear.scatter [tilespmem:s17], [sflag:$0x6], $0x8000, $0x38;
	[tilespmem:$0x18000] =	vst v63  }
0x20f: {  	_ =	swait.ge [sflag:s7], $0x8000  }
0x210: {  	s1 =	sld [smem:$0x7FC]  }
0x211: {  	[sflag:s7] =	ssyncset.done $0x0  }
0x212: {  	[sflag:s7] =	ssyncadd.s32 $0xFFFF8000  }
0x213: {  	[tilespmem:s2], [sflag:$0x1] =	stream.linear.gather [hbm4b:s1+s2], $0x8000, $0x38;
	[tilespmem:$0x18000] =	vst v63  }
0x214: {  	_ =	swait.ge [sflag:s15], $0x8000  }
0x215: {  	s1 =	sld [smem:$0x7FD]  }
0x216: {  	[sflag:s15] =	ssyncset.done $0x0  }
0x217: {  	[sflag:s15] =	ssyncadd.s32 $0xFFFF8000  }
0x218: {  	[hbm4b:s1+s2] =	stream.linear.scatter [tilespmem:s2], [sflag:$0x4], $0x8000, $0x38;
	[tilespmem:$0x18000] =	vst v63  }
0x219: {  	_ =	swait.ge [sflag:s5], $0x8000  }
0x21a: {  	[sflag:s5] =	ssyncset.done $0x0  }
0x21b: {  	[sflag:s5] =	ssyncadd.s32 $0xFFFF8000  }
0x21c: {  	[tilespmem:s4], [sflag:$0x2] =	stream.linear.gather [hbm4b:s31+s2], $0x8000, $0x38;
	[tilespmem:$0x18000] =	vst v63  }
0x21d: {  	_ =	swait.ge [sflag:s10], $0x8000  }
0x21e: {  	[sflag:s10] =	ssyncset.done $0x0  }
0x21f: {  	[sflag:s10] =	ssyncadd.s32 $0xFFFF8000  }
0x220: {  	[hbm4b:s30+s2] =	stream.linear.scatter [tilespmem:s4], [sflag:$0x5], $0x8000, $0x38;
	[tilespmem:$0x18000] =	vst v63  }
0x221: {  	_ =	swait.ge [sflag:s11], $0x8000  }
0x222: {  	[sflag:s11] =	ssyncset.done $0x0  }
0x223: {  	[sflag:s11] =	ssyncadd.s32 $0xFFFF8000  }
0x224: {  	[tilespmem:s17], [sflag:$0x3] =	stream.linear.gather [hbm4b:s29+s2], $0x8000, $0x38;
	[tilespmem:$0x18000] =	vst v63  }
0x225: {  	_ =	swait.ge [sflag:s21], $0x8000  }
0x226: {  	[sflag:s21] =	ssyncset.done $0x0  }
0x227: {  	[sflag:s21] =	ssyncadd.s32 $0xFFFF8000  }
0x228: {  	[hbm4b:s28+s2] =	stream.linear.scatter [tilespmem:s17], [sflag:$0x6], $0x8000, $0x38;
	[tilespmem:$0x18000] =	vst v63  }
0x229: {  	_ =	swait.ge [sflag:s7], $0x8000  }
0x22a: {  	[sflag:s7] =	ssyncset.done $0x0  }
0x22b: {  	[sflag:s7] =	ssyncadd.s32 $0xFFFF8000  }
0x22c: {  	[tilespmem:s2], [sflag:$0x1] =	stream.linear.gather [hbm4b:s26+s2], $0x8000, $0x38;
	[tilespmem:$0x18000] =	vst v63  }
0x22d: {  	_ =	swait.ge [sflag:s15], $0x8000  }
0x22e: {  	[sflag:s15] =	ssyncset.done $0x0  }
0x22f: {  	[sflag:s15] =	ssyncadd.s32 $0xFFFF8000  }
0x230: {  	[hbm4b:s25+s2] =	stream.linear.scatter [tilespmem:s2], [sflag:$0x4], $0x8000, $0x38;
	[tilespmem:$0x18000] =	vst v63  }
0x231: {  	_ =	swait.ge [sflag:s5], $0x8000  }
0x232: {  	[sflag:s5] =	ssyncset.done $0x0  }
0x233: {  	[sflag:s5] =	ssyncadd.s32 $0xFFFF8000  }
0x234: {  	[tilespmem:s4], [sflag:$0x2] =	stream.linear.gather [hbm4b:s24+s2], $0x8000, $0x38;
	[tilespmem:$0x18000] =	vst v63  }
0x235: {  	_ =	swait.ge [sflag:s10], $0x8000  }
0x236: {  	[sflag:s10] =	ssyncset.done $0x0  }
0x237: {  	[sflag:s10] =	ssyncadd.s32 $0xFFFF8000  }
0x238: {  	[hbm4b:s23+s2] =	stream.linear.scatter [tilespmem:s4], [sflag:$0x5], $0x8000, $0x38;
	[tilespmem:$0x18000] =	vst v63  }
0x239: {  	_ =	swait.ge [sflag:s11], $0x8000  }
0x23a: {  	[sflag:s11] =	ssyncset.done $0x0  }
0x23b: {  	[sflag:s11] =	ssyncadd.s32 $0xFFFF8000  }
0x23c: {  	[tilespmem:s17], [sflag:$0x3] =	stream.linear.gather [hbm4b:s22+s2], $0x8000, $0x38;
	[tilespmem:$0x18000] =	vst v63  }
0x23d: {  	_ =	swait.ge [sflag:s21], $0x8000  }
0x23e: {  	[sflag:s21] =	ssyncset.done $0x0  }
0x23f: {  	[sflag:s21] =	ssyncadd.s32 $0xFFFF8000  }
0x240: {  	[hbm4b:s20+s2] =	stream.linear.scatter [tilespmem:s17], [sflag:$0x6], $0x8000, $0x38;
	[tilespmem:$0x18000] =	vst v63  }
0x241: {  	_ =	swait.ge [sflag:s7], $0x8000  }
0x242: {  	[sflag:s7] =	ssyncset.done $0x0  }
0x243: {  	[sflag:s7] =	ssyncadd.s32 $0xFFFF8000  }
0x244: {  	[tilespmem:s2], [sflag:$0x1] =	stream.linear.gather [hbm4b:s19+s2], $0x8000, $0x38;
	[tilespmem:$0x18000] =	vst v63  }
0x245: {  	_ =	swait.ge [sflag:s15], $0x8000  }
0x246: {  	[sflag:s15] =	ssyncset.done $0x0  }
0x247: {  	[sflag:s15] =	ssyncadd.s32 $0xFFFF8000  }
0x248: {  	[hbm4b:s18+s2] =	stream.linear.scatter [tilespmem:s2], [sflag:$0x4], $0x8000, $0x38;
	[tilespmem:$0x18000] =	vst v63  }
0x249: {  	_ =	swait.ge [sflag:s5], $0x8000  }
0x24a: {  	[sflag:s5] =	ssyncset.done $0x0  }
0x24b: {  	[sflag:s5] =	ssyncadd.s32 $0xFFFF8000  }
0x24c: {  	[tilespmem:s4], [sflag:$0x2] =	stream.linear.gather [hbm4b:s16+s2], $0x8000, $0x38;
	[tilespmem:$0x18000] =	vst v63  }
0x24d: {  	_ =	swait.ge [sflag:s10], $0x8000  }
0x24e: {  	[sflag:s10] =	ssyncset.done $0x0  }
0x24f: {  	[sflag:s10] =	ssyncadd.s32 $0xFFFF8000  }
0x250: {  	[hbm4b:s14+s2] =	stream.linear.scatter [tilespmem:s4], [sflag:$0x5], $0x8000, $0x38;
	[tilespmem:$0x18000] =	vst v63  }
0x251: {  	_ =	swait.ge [sflag:s11], $0x8000  }
0x252: {  	[sflag:s11] =	ssyncset.done $0x0  }
0x253: {  	[sflag:s11] =	ssyncadd.s32 $0xFFFF8000  }
0x254: {  	[tilespmem:s17], [sflag:$0x3] =	stream.linear.gather [hbm4b:s13+s2], $0x8000, $0x38;
	[tilespmem:$0x18000] =	vst v63  }
0x255: {  	_ =	swait.ge [sflag:s21], $0x8000  }
0x256: {  	[sflag:s21] =	ssyncset.done $0x0  }
0x257: {  	[sflag:s21] =	ssyncadd.s32 $0xFFFF8000  }
0x258: {  	[hbm4b:s12+s2] =	stream.linear.scatter [tilespmem:s17], [sflag:$0x6], $0x8000, $0x38;
	[tilespmem:$0x18000] =	vst v63  }
0x259: {  	_ =	swait.ge [sflag:s7], $0x8000  }
0x25a: {  	[sflag:s7] =	ssyncset.done $0x0  }
0x25b: {  	[sflag:s7] =	ssyncadd.s32 $0xFFFF8000  }
0x25c: {  	[tilespmem:s2], [sflag:$0x1] =	stream.linear.gather [hbm4b:s9+s2], $0x8000, $0x38;
	[tilespmem:$0x18000] =	vst v63  }
0x25d: {  	_ =	swait.ge [sflag:s15], $0x8000  }
0x25e: {  	[sflag:s15] =	ssyncset.done $0x0  }
0x25f: {  	[sflag:s15] =	ssyncadd.s32 $0xFFFF8000  }
0x260: {  	[hbm4b:s8+s2] =	stream.linear.scatter [tilespmem:s2], [sflag:$0x4], $0x8000, $0x38;
	[tilespmem:$0x18000] =	vst v63  }
0x261: {  	_ =	swait.ge [sflag:s5], $0x8000  }
0x262: {  	[sflag:s5] =	ssyncset.done $0x0  }
0x263: {  	[sflag:s5] =	ssyncadd.s32 $0xFFFF8000  }
0x264: {  	[tilespmem:s4], [sflag:$0x2] =	stream.linear.gather [hbm4b:s6+s2], $0x8000, $0x38;
	[tilespmem:$0x18000] =	vst v63  }
0x265: {  	_ =	swait.ge [sflag:s10], $0x8000  }
0x266: {  	[sflag:s10] =	ssyncset.done $0x0  }
0x267: {  	[sflag:s10] =	ssyncadd.s32 $0xFFFF8000  }
0x268: {  	[hbm4b:s3+s2] =	stream.linear.scatter [tilespmem:s4], [sflag:$0x5], $0x8000, $0x38;
	[tilespmem:$0x18000] =	vst v63  }
0x269: {  	_ =	swait.ge [sflag:s11], $0x8000  }
0x26a: {  	[sflag:s11] =	ssyncset.done $0x0  }
0x26b: {  	p1 =	sne.s32 s0, $0x1;
	[sflag:s11] =	ssyncadd.s32 $0xFFFF8000  }
.Ltmp2:
0x26c: {  	_ =	swait.ge [sflag:s7], $0x8000;
	(pc) =	sbr.rel @p1 .LBB2_2-.Ltmp2, $4  }
0x26d: {  	[sflag:s7] =	ssyncset.done $0x0  }
0x26e: {  	[sflag:s7] =	ssyncadd.s32 $0xFFFF8000  }
0x26f: {  	_ =	swait.ge [sflag:s5], $0x8000  }
0x270: {  	s0 =	sadd.s32 $0xFFFFFFFF, s0;
	s1 =	rddreg [dreg:$0x3];
	[sflag:s5] =	ssyncset.done $0x0  }
.LBB2_3:
0x271: {  	[sflag:s5] =	ssyncadd.s32 @p0 $0xFFFF8000  }
0x272: {  	[tilespmem:s2], [sflag:$0x1] =	stream.linear.gather [hbm4b:s1+s2], $0x8000, $0x38;
	[tilespmem:$0x18000] =	vst v63  }
0x273: {  	s0 =	rddreg [dreg:$0x4]  }
0x274: {  	[tilespmem:s4], [sflag:$0x2] =	stream.linear.gather [hbm4b:s0+s2], $0x8000, $0x38;
	[tilespmem:$0x18000] =	vst v63  }
0x275: {  	s1 =	rddreg [dreg:$0x5]  }
0x276: {  	[tilespmem:s17], [sflag:$0x3] =	stream.linear.gather [hbm4b:s1+s2], $0x8000, $0x38;
	[tilespmem:$0x18000] =	vst v63  }
0x277: {  	_ =	swait.ge [sflag:s15], $0x8000  }
0x278: {  	[sflag:s15] =	ssyncset.done $0x0  }
0x279: {  	s1 =	rddreg [dreg:$0x6];
	[sflag:s15] =	ssyncadd.s32 $0xFFFF8000  }
0x27a: {  	[hbm4b:s1+s2] =	stream.linear.scatter [tilespmem:s2], [sflag:$0x4], $0x8000, $0x38;
	[tilespmem:$0x18000] =	vst v63  }
0x27b: {  	_ =	swait.ge [sflag:s10], $0x8000  }
0x27c: {  	[sflag:s10] =	ssyncset.done $0x0  }
0x27d: {  	s1 =	rddreg [dreg:$0x7];
	[sflag:s10] =	ssyncadd.s32 $0xFFFF8000  }
0x27e: {  	[hbm4b:s1+s2] =	stream.linear.scatter [tilespmem:s4], [sflag:$0x5], $0x8000, $0x38;
	[tilespmem:$0x18000] =	vst v63  }
0x27f: {  	_ =	swait.ge [sflag:s21], $0x8000  }
0x280: {  	[sflag:s21] =	ssyncset.done $0x0  }
0x281: {  	s1 =	rddreg [dreg:$0x8];
	[sflag:s21] =	ssyncadd.s32 $0xFFFF8000  }
0x282: {  	[hbm4b:s1+s2] =	stream.linear.scatter [tilespmem:s17], [sflag:$0x6], $0x8000, $0x38;
	[tilespmem:$0x18000] =	vst v63  }
0x283: {  	_ =	swait.ge [sflag:s7], $0x8000  }
0x284: {  	[sflag:s7] =	ssyncset.done $0x0  }
0x285: {  	s1 =	rddreg [dreg:$0x9];
	[sflag:s7] =	ssyncadd.s32 $0xFFFF8000  }
0x286: {  	[tilespmem:s2], [sflag:$0x1] =	stream.linear.gather [hbm4b:s1+s2], $0x8000, $0x38;
	[tilespmem:$0x18000] =	vst v63  }
0x287: {  	_ =	swait.ge [sflag:s15], $0x8000  }
0x288: {  	[sflag:s15] =	ssyncset.done $0x0  }
0x289: {  	s1 =	rddreg [dreg:$0xa];
	[sflag:s15] =	ssyncadd.s32 $0xFFFF8000  }
0x28a: {  	[hbm4b:s1+s2] =	stream.linear.scatter [tilespmem:s2], [sflag:$0x4], $0x8000, $0x38;
	[tilespmem:$0x18000] =	vst v63  }
0x28b: {  	_ =	swait.ge [sflag:s5], $0x8000  }
0x28c: {  	[sflag:s5] =	ssyncset.done $0x0  }
0x28d: {  	s1 =	rddreg [dreg:$0xb];
	[sflag:s5] =	ssyncadd.s32 $0xFFFF8000  }
0x28e: {  	[tilespmem:s4], [sflag:$0x2] =	stream.linear.gather [hbm4b:s1+s2], $0x8000, $0x38;
	[tilespmem:$0x18000] =	vst v63  }
0x28f: {  	_ =	swait.ge [sflag:s10], $0x8000  }
0x290: {  	[sflag:s10] =	ssyncset.done $0x0  }
0x291: {  	s1 =	rddreg [dreg:$0xc];
	[sflag:s10] =	ssyncadd.s32 $0xFFFF8000  }
0x292: {  	[hbm4b:s1+s2] =	stream.linear.scatter [tilespmem:s4], [sflag:$0x5], $0x8000, $0x38;
	[tilespmem:$0x18000] =	vst v63  }
0x293: {  	_ =	swait.ge [sflag:s11], $0x8000  }
0x294: {  	[sflag:s11] =	ssyncset.done $0x0  }
0x295: {  	s1 =	rddreg [dreg:$0xd];
	[sflag:s11] =	ssyncadd.s32 $0xFFFF8000  }
0x296: {  	[tilespmem:s17], [sflag:$0x3] =	stream.linear.gather [hbm4b:s1+s2], $0x8000, $0x38;
	[tilespmem:$0x18000] =	vst v63  }
0x297: {  	_ =	swait.ge [sflag:s21], $0x8000  }
0x298: {  	[sflag:s21] =	ssyncset.done $0x0  }
0x299: {  	s1 =	rddreg [dreg:$0xe];
	[sflag:s21] =	ssyncadd.s32 $0xFFFF8000  }
0x29a: {  	[hbm4b:s1+s2] =	stream.linear.scatter [tilespmem:s17], [sflag:$0x6], $0x8000, $0x38;
	[tilespmem:$0x18000] =	vst v63  }
0x29b: {  	_ =	swait.ge [sflag:s7], $0x8000  }
0x29c: {  	[sflag:s7] =	ssyncset.done $0x0  }
0x29d: {  	s1 =	rddreg [dreg:$0xf];
	[sflag:s7] =	ssyncadd.s32 $0xFFFF8000  }
0x29e: {  	[tilespmem:s2], [sflag:$0x1] =	stream.linear.gather [hbm4b:s1+s2], $0x8000, $0x38;
	[tilespmem:$0x18000] =	vst v63  }
0x29f: {  	_ =	swait.ge [sflag:s15], $0x8000  }
0x2a0: {  	[sflag:s15] =	ssyncset.done $0x0  }
0x2a1: {  	s1 =	rddreg [dreg:$0x10];
	[sflag:s15] =	ssyncadd.s32 $0xFFFF8000  }
0x2a2: {  	[hbm4b:s1+s2] =	stream.linear.scatter [tilespmem:s2], [sflag:$0x4], $0x8000, $0x38;
	[tilespmem:$0x18000] =	vst v63  }
0x2a3: {  	_ =	swait.ge [sflag:s5], $0x8000  }
0x2a4: {  	[sflag:s5] =	ssyncset.done $0x0  }
0x2a5: {  	s1 =	rddreg [dreg:$0x11];
	[sflag:s5] =	ssyncadd.s32 $0xFFFF8000  }
0x2a6: {  	[tilespmem:s4], [sflag:$0x2] =	stream.linear.gather [hbm4b:s1+s2], $0x8000, $0x38;
	[tilespmem:$0x18000] =	vst v63  }
0x2a7: {  	_ =	swait.ge [sflag:s10], $0x8000  }
0x2a8: {  	[sflag:s10] =	ssyncset.done $0x0  }
0x2a9: {  	s1 =	rddreg [dreg:$0x12];
	[sflag:s10] =	ssyncadd.s32 $0xFFFF8000  }
0x2aa: {  	[hbm4b:s1+s2] =	stream.linear.scatter [tilespmem:s4], [sflag:$0x5], $0x8000, $0x38;
	[tilespmem:$0x18000] =	vst v63  }
0x2ab: {  	_ =	swait.ge [sflag:s11], $0x8000  }
0x2ac: {  	[sflag:s11] =	ssyncset.done $0x0  }
0x2ad: {  	s1 =	rddreg [dreg:$0x13];
	[sflag:s11] =	ssyncadd.s32 $0xFFFF8000  }
0x2ae: {  	[tilespmem:s17], [sflag:$0x3] =	stream.linear.gather [hbm4b:s1+s2], $0x8000, $0x38;
	[tilespmem:$0x18000] =	vst v63  }
0x2af: {  	_ =	swait.ge [sflag:s21], $0x8000  }
0x2b0: {  	[sflag:s21] =	ssyncset.done $0x0  }
0x2b1: {  	s1 =	rddreg [dreg:$0x14];
	[sflag:s21] =	ssyncadd.s32 $0xFFFF8000  }
0x2b2: {  	[hbm4b:s1+s2] =	stream.linear.scatter [tilespmem:s17], [sflag:$0x6], $0x8000, $0x38;
	[tilespmem:$0x18000] =	vst v63  }
0x2b3: {  	_ =	swait.ge [sflag:s7], $0x8000  }
0x2b4: {  	[sflag:s7] =	ssyncset.done $0x0  }
0x2b5: {  	s1 =	rddreg [dreg:$0x15];
	[sflag:s7] =	ssyncadd.s32 $0xFFFF8000  }
0x2b6: {  	[tilespmem:s2], [sflag:$0x1] =	stream.linear.gather [hbm4b:s1+s2], $0x8000, $0x38;
	[tilespmem:$0x18000] =	vst v63  }
0x2b7: {  	_ =	swait.ge [sflag:s15], $0x8000  }
0x2b8: {  	[sflag:s15] =	ssyncset.done $0x0  }
0x2b9: {  	s1 =	rddreg [dreg:$0x16];
	[sflag:s15] =	ssyncadd.s32 $0xFFFF8000  }
0x2ba: {  	[hbm4b:s1+s2] =	stream.linear.scatter [tilespmem:s2], [sflag:$0x4], $0x8000, $0x38;
	[tilespmem:$0x18000] =	vst v63  }
0x2bb: {  	_ =	swait.ge [sflag:s5], $0x8000  }
0x2bc: {  	[sflag:s5] =	ssyncset.done $0x0  }
0x2bd: {  	s1 =	rddreg [dreg:$0x17];
	[sflag:s5] =	ssyncadd.s32 $0xFFFF8000  }
0x2be: {  	[tilespmem:s4], [sflag:$0x2] =	stream.linear.gather [hbm4b:s1+s2], $0x8000, $0x38;
	[tilespmem:$0x18000] =	vst v63  }
0x2bf: {  	_ =	swait.ge [sflag:s10], $0x8000  }
0x2c0: {  	[sflag:s10] =	ssyncset.done $0x0  }
0x2c1: {  	s1 =	rddreg [dreg:$0x18];
	[sflag:s10] =	ssyncadd.s32 $0xFFFF8000  }
0x2c2: {  	[hbm4b:s1+s2] =	stream.linear.scatter [tilespmem:s4], [sflag:$0x5], $0x8000, $0x38;
	[tilespmem:$0x18000] =	vst v63  }
0x2c3: {  	_ =	swait.ge [sflag:s11], $0x8000  }
0x2c4: {  	[sflag:s11] =	ssyncset.done $0x0  }
0x2c5: {  	s1 =	rddreg [dreg:$0x19];
	[sflag:s11] =	ssyncadd.s32 $0xFFFF8000  }
0x2c6: {  	[tilespmem:s17], [sflag:$0x3] =	stream.linear.gather [hbm4b:s1+s2], $0x8000, $0x38;
	[tilespmem:$0x18000] =	vst v63  }
0x2c7: {  	_ =	swait.ge [sflag:s21], $0x8000  }
0x2c8: {  	[sflag:s21] =	ssyncset.done $0x0  }
0x2c9: {  	s1 =	rddreg [dreg:$0x1a];
	[sflag:s21] =	ssyncadd.s32 $0xFFFF8000  }
0x2ca: {  	[hbm4b:s1+s2] =	stream.linear.scatter [tilespmem:s17], [sflag:$0x6], $0x8000, $0x38;
	[tilespmem:$0x18000] =	vst v63  }
0x2cb: {  	_ =	swait.ge [sflag:s7], $0x8000  }
0x2cc: {  	[sflag:s7] =	ssyncset.done $0x0  }
0x2cd: {  	s1 =	rddreg [dreg:$0x1b];
	[sflag:s7] =	ssyncadd.s32 $0xFFFF8000  }
0x2ce: {  	[tilespmem:s2], [sflag:$0x1] =	stream.linear.gather [hbm4b:s1+s2], $0x8000, $0x38;
	[tilespmem:$0x18000] =	vst v63  }
0x2cf: {  	_ =	swait.ge [sflag:s15], $0x8000  }
0x2d0: {  	[sflag:s15] =	ssyncset.done $0x0  }
0x2d1: {  	s1 =	rddreg [dreg:$0x1c];
	[sflag:s15] =	ssyncadd.s32 $0xFFFF8000  }
0x2d2: {  	[hbm4b:s1+s2] =	stream.linear.scatter [tilespmem:s2], [sflag:$0x4], $0x8000, $0x38;
	[tilespmem:$0x18000] =	vst v63  }
0x2d3: {  	_ =	swait.ge [sflag:s5], $0x8000  }
0x2d4: {  	[sflag:s5] =	ssyncset.done $0x0  }
0x2d5: {  	s1 =	rddreg [dreg:$0x1d];
	[sflag:s5] =	ssyncadd.s32 $0xFFFF8000  }
0x2d6: {  	[tilespmem:s4], [sflag:$0x2] =	stream.linear.gather [hbm4b:s1+s2], $0x8000, $0x38;
	[tilespmem:$0x18000] =	vst v63  }
0x2d7: {  	_ =	swait.ge [sflag:s10], $0x8000  }
0x2d8: {  	[sflag:s10] =	ssyncset.done $0x0  }
0x2d9: {  	s1 =	rddreg [dreg:$0x1e];
	[sflag:s10] =	ssyncadd.s32 $0xFFFF8000  }
0x2da: {  	[hbm4b:s1+s2] =	stream.linear.scatter [tilespmem:s4], [sflag:$0x5], $0x8000, $0x38;
	[tilespmem:$0x18000] =	vst v63  }
0x2db: {  	_ =	swait.ge [sflag:s11], $0x8000  }
0x2dc: {  	[sflag:s11] =	ssyncset.done $0x0  }
0x2dd: {  	s1 =	rddreg [dreg:$0x1f];
	[sflag:s11] =	ssyncadd.s32 $0xFFFF8000  }
0x2de: {  	[tilespmem:s17], [sflag:$0x3] =	stream.linear.gather [hbm4b:s1+s2], $0x8000, $0x38;
	[tilespmem:$0x18000] =	vst v63  }
0x2df: {  	_ =	swait.ge [sflag:s21], $0x8000  }
0x2e0: {  	s1 =	sld [smem:$0x7EF]  }
0x2e1: {  	[sflag:s21] =	ssyncset.done $0x0  }
0x2e2: {  	[sflag:s21] =	ssyncadd.s32 $0xFFFF8000  }
0x2e3: {  	[hbm4b:s1+s2] =	stream.linear.scatter [tilespmem:s17], [sflag:$0x6], $0x8000, $0x38;
	[tilespmem:$0x18000] =	vst v63  }
0x2e4: {  	_ =	swait.ge [sflag:s7], $0x8000  }
0x2e5: {  	s1 =	sld [smem:$0x7F0]  }
0x2e6: {  	[sflag:s7] =	ssyncset.done $0x0  }
0x2e7: {  	[sflag:s7] =	ssyncadd.s32 $0xFFFF8000  }
0x2e8: {  	[tilespmem:s2], [sflag:$0x1] =	stream.linear.gather [hbm4b:s1+s2], $0x8000, $0x38;
	[tilespmem:$0x18000] =	vst v63  }
0x2e9: {  	_ =	swait.ge [sflag:s15], $0x8000  }
0x2ea: {  	s1 =	sld [smem:$0x7F1]  }
0x2eb: {  	[sflag:s15] =	ssyncset.done $0x0  }
0x2ec: {  	[sflag:s15] =	ssyncadd.s32 $0xFFFF8000  }
0x2ed: {  	[hbm4b:s1+s2] =	stream.linear.scatter [tilespmem:s2], [sflag:$0x4], $0x8000, $0x38;
	[tilespmem:$0x18000] =	vst v63  }
0x2ee: {  	_ =	swait.ge [sflag:s5], $0x8000  }
0x2ef: {  	s1 =	sld [smem:$0x7F2]  }
0x2f0: {  	[sflag:s5] =	ssyncset.done $0x0  }
0x2f1: {  	[sflag:s5] =	ssyncadd.s32 $0xFFFF8000  }
0x2f2: {  	[tilespmem:s4], [sflag:$0x2] =	stream.linear.gather [hbm4b:s1+s2], $0x8000, $0x38;
	[tilespmem:$0x18000] =	vst v63  }
0x2f3: {  	_ =	swait.ge [sflag:s10], $0x8000  }
0x2f4: {  	s1 =	sld [smem:$0x7F3]  }
0x2f5: {  	[sflag:s10] =	ssyncset.done $0x0  }
0x2f6: {  	[sflag:s10] =	ssyncadd.s32 $0xFFFF8000  }
0x2f7: {  	[hbm4b:s1+s2] =	stream.linear.scatter [tilespmem:s4], [sflag:$0x5], $0x8000, $0x38;
	[tilespmem:$0x18000] =	vst v63  }
0x2f8: {  	_ =	swait.ge [sflag:s11], $0x8000  }
0x2f9: {  	s1 =	sld [smem:$0x7F4]  }
0x2fa: {  	[sflag:s11] =	ssyncset.done $0x0  }
0x2fb: {  	[sflag:s11] =	ssyncadd.s32 $0xFFFF8000  }
0x2fc: {  	[tilespmem:s17], [sflag:$0x3] =	stream.linear.gather [hbm4b:s1+s2], $0x8000, $0x38;
	[tilespmem:$0x18000] =	vst v63  }
0x2fd: {  	_ =	swait.ge [sflag:s21], $0x8000  }
0x2fe: {  	s1 =	sld [smem:$0x7F5]  }
0x2ff: {  	[sflag:s21] =	ssyncset.done $0x0  }
0x300: {  	[sflag:s21] =	ssyncadd.s32 $0xFFFF8000  }
0x301: {  	[hbm4b:s1+s2] =	stream.linear.scatter [tilespmem:s17], [sflag:$0x6], $0x8000, $0x38;
	[tilespmem:$0x18000] =	vst v63  }
0x302: {  	_ =	swait.ge [sflag:s7], $0x8000  }
0x303: {  	s1 =	sld [smem:$0x7F6]  }
0x304: {  	[sflag:s7] =	ssyncset.done $0x0  }
0x305: {  	[sflag:s7] =	ssyncadd.s32 $0xFFFF8000  }
0x306: {  	[tilespmem:s2], [sflag:$0x1] =	stream.linear.gather [hbm4b:s1+s2], $0x8000, $0x38;
	[tilespmem:$0x18000] =	vst v63  }
0x307: {  	_ =	swait.ge [sflag:s15], $0x8000  }
0x308: {  	s1 =	sld [smem:$0x7F7]  }
0x309: {  	[sflag:s15] =	ssyncset.done $0x0  }
0x30a: {  	[sflag:s15] =	ssyncadd.s32 $0xFFFF8000  }
0x30b: {  	[hbm4b:s1+s2] =	stream.linear.scatter [tilespmem:s2], [sflag:$0x4], $0x8000, $0x38;
	[tilespmem:$0x18000] =	vst v63  }
0x30c: {  	_ =	swait.ge [sflag:s5], $0x8000  }
0x30d: {  	s1 =	sld [smem:$0x7F8]  }
0x30e: {  	[sflag:s5] =	ssyncset.done $0x0  }
0x30f: {  	[sflag:s5] =	ssyncadd.s32 $0xFFFF8000  }
0x310: {  	[tilespmem:s4], [sflag:$0x2] =	stream.linear.gather [hbm4b:s1+s2], $0x8000, $0x38;
	[tilespmem:$0x18000] =	vst v63  }
0x311: {  	_ =	swait.ge [sflag:s10], $0x8000  }
0x312: {  	s1 =	sld [smem:$0x7F9]  }
0x313: {  	[sflag:s10] =	ssyncset.done $0x0  }
0x314: {  	[sflag:s10] =	ssyncadd.s32 $0xFFFF8000  }
0x315: {  	[hbm4b:s1+s2] =	stream.linear.scatter [tilespmem:s4], [sflag:$0x5], $0x8000, $0x38;
	[tilespmem:$0x18000] =	vst v63  }
0x316: {  	_ =	swait.ge [sflag:s11], $0x8000  }
0x317: {  	s1 =	sld [smem:$0x7FA]  }
0x318: {  	[sflag:s11] =	ssyncset.done $0x0  }
0x319: {  	[sflag:s11] =	ssyncadd.s32 $0xFFFF8000  }
0x31a: {  	[tilespmem:s17], [sflag:$0x3] =	stream.linear.gather [hbm4b:s1+s2], $0x8000, $0x38;
	[tilespmem:$0x18000] =	vst v63  }
0x31b: {  	_ =	swait.ge [sflag:s21], $0x8000  }
0x31c: {  	s1 =	sld [smem:$0x7FB]  }
0x31d: {  	[sflag:s21] =	ssyncset.done $0x0  }
0x31e: {  	[sflag:s21] =	ssyncadd.s32 $0xFFFF8000  }
0x31f: {  	[hbm4b:s1+s2] =	stream.linear.scatter [tilespmem:s17], [sflag:$0x6], $0x8000, $0x38;
	[tilespmem:$0x18000] =	vst v63  }
0x320: {  	_ =	swait.ge [sflag:s7], $0x8000  }
0x321: {  	s1 =	sld [smem:$0x7FC]  }
0x322: {  	[sflag:s7] =	ssyncset.done $0x0  }
0x323: {  	[sflag:s7] =	ssyncadd.s32 $0xFFFF8000  }
0x324: {  	[tilespmem:s2], [sflag:$0x1] =	stream.linear.gather [hbm4b:s1+s2], $0x8000, $0x38;
	[tilespmem:$0x18000] =	vst v63  }
0x325: {  	_ =	swait.ge [sflag:s15], $0x8000  }
0x326: {  	s1 =	sld [smem:$0x7FD]  }
0x327: {  	[sflag:s15] =	ssyncset.done $0x0  }
0x328: {  	[sflag:s15] =	ssyncadd.s32 $0xFFFF8000  }
0x329: {  	[hbm4b:s1+s2] =	stream.linear.scatter [tilespmem:s2], [sflag:$0x4], $0x8000, $0x38;
	[tilespmem:$0x18000] =	vst v63  }
0x32a: {  	_ =	swait.ge [sflag:s5], $0x8000  }
0x32b: {  	[sflag:s5] =	ssyncset.done $0x0  }
0x32c: {  	[sflag:s5] =	ssyncadd.s32 $0xFFFF8000  }
0x32d: {  	[tilespmem:s4], [sflag:$0x2] =	stream.linear.gather [hbm4b:s31+s2], $0x8000, $0x38;
	[tilespmem:$0x18000] =	vst v63  }
0x32e: {  	_ =	swait.ge [sflag:s10], $0x8000  }
0x32f: {  	[sflag:s10] =	ssyncset.done $0x0  }
0x330: {  	[sflag:s10] =	ssyncadd.s32 $0xFFFF8000  }
0x331: {  	[hbm4b:s30+s2] =	stream.linear.scatter [tilespmem:s4], [sflag:$0x5], $0x8000, $0x38;
	[tilespmem:$0x18000] =	vst v63  }
0x332: {  	_ =	swait.ge [sflag:s11], $0x8000  }
0x333: {  	[sflag:s11] =	ssyncset.done $0x0  }
0x334: {  	[sflag:s11] =	ssyncadd.s32 $0xFFFF8000  }
0x335: {  	[tilespmem:s17], [sflag:$0x3] =	stream.linear.gather [hbm4b:s29+s2], $0x8000, $0x38;
	[tilespmem:$0x18000] =	vst v63  }
0x336: {  	_ =	swait.ge [sflag:s21], $0x8000  }
0x337: {  	[sflag:s21] =	ssyncset.done $0x0  }
0x338: {  	[sflag:s21] =	ssyncadd.s32 $0xFFFF8000  }
0x339: {  	[hbm4b:s28+s2] =	stream.linear.scatter [tilespmem:s17], [sflag:$0x6], $0x8000, $0x38;
	[tilespmem:$0x18000] =	vst v63  }
0x33a: {  	_ =	swait.ge [sflag:s7], $0x8000  }
0x33b: {  	[sflag:s7] =	ssyncset.done $0x0  }
0x33c: {  	[sflag:s7] =	ssyncadd.s32 $0xFFFF8000  }
0x33d: {  	[tilespmem:s2], [sflag:$0x1] =	stream.linear.gather [hbm4b:s26+s2], $0x8000, $0x38;
	[tilespmem:$0x18000] =	vst v63  }
0x33e: {  	_ =	swait.ge [sflag:s15], $0x8000  }
0x33f: {  	[sflag:s15] =	ssyncset.done $0x0  }
0x340: {  	[sflag:s15] =	ssyncadd.s32 $0xFFFF8000  }
0x341: {  	[hbm4b:s25+s2] =	stream.linear.scatter [tilespmem:s2], [sflag:$0x4], $0x8000, $0x38;
	[tilespmem:$0x18000] =	vst v63  }
0x342: {  	_ =	swait.ge [sflag:s5], $0x8000  }
0x343: {  	[sflag:s5] =	ssyncset.done $0x0  }
0x344: {  	[sflag:s5] =	ssyncadd.s32 $0xFFFF8000  }
0x345: {  	[tilespmem:s4], [sflag:$0x2] =	stream.linear.gather [hbm4b:s24+s2], $0x8000, $0x38;
	[tilespmem:$0x18000] =	vst v63  }
0x346: {  	_ =	swait.ge [sflag:s10], $0x8000  }
0x347: {  	[sflag:s10] =	ssyncset.done $0x0  }
0x348: {  	[sflag:s10] =	ssyncadd.s32 $0xFFFF8000  }
0x349: {  	[hbm4b:s23+s2] =	stream.linear.scatter [tilespmem:s4], [sflag:$0x5], $0x8000, $0x38;
	[tilespmem:$0x18000] =	vst v63  }
0x34a: {  	_ =	swait.ge [sflag:s11], $0x8000  }
0x34b: {  	[sflag:s11] =	ssyncset.done $0x0  }
0x34c: {  	[sflag:s11] =	ssyncadd.s32 $0xFFFF8000  }
0x34d: {  	[tilespmem:s17], [sflag:$0x3] =	stream.linear.gather [hbm4b:s22+s2], $0x8000, $0x38;
	[tilespmem:$0x18000] =	vst v63  }
0x34e: {  	_ =	swait.ge [sflag:s21], $0x8000  }
0x34f: {  	[sflag:s21] =	ssyncset.done $0x0  }
0x350: {  	[sflag:s21] =	ssyncadd.s32 $0xFFFF8000  }
0x351: {  	[hbm4b:s20+s2] =	stream.linear.scatter [tilespmem:s17], [sflag:$0x6], $0x8000, $0x38;
	[tilespmem:$0x18000] =	vst v63  }
0x352: {  	_ =	swait.ge [sflag:s7], $0x8000  }
0x353: {  	[sflag:s7] =	ssyncset.done $0x0  }
0x354: {  	[sflag:s7] =	ssyncadd.s32 $0xFFFF8000  }
0x355: {  	[tilespmem:s2], [sflag:$0x1] =	stream.linear.gather [hbm4b:s19+s2], $0x8000, $0x38;
	[tilespmem:$0x18000] =	vst v63  }
0x356: {  	_ =	swait.ge [sflag:s15], $0x8000  }
0x357: {  	[sflag:s15] =	ssyncset.done $0x0  }
0x358: {  	[sflag:s15] =	ssyncadd.s32 $0xFFFF8000  }
0x359: {  	[hbm4b:s18+s2] =	stream.linear.scatter [tilespmem:s2], [sflag:$0x4], $0x8000, $0x38;
	[tilespmem:$0x18000] =	vst v63  }
0x35a: {  	_ =	swait.ge [sflag:s5], $0x8000  }
0x35b: {  	[sflag:s5] =	ssyncset.done $0x0  }
0x35c: {  	[sflag:s5] =	ssyncadd.s32 $0xFFFF8000  }
0x35d: {  	[tilespmem:s4], [sflag:$0x2] =	stream.linear.gather [hbm4b:s16+s2], $0x8000, $0x38;
	[tilespmem:$0x18000] =	vst v63  }
0x35e: {  	_ =	swait.ge [sflag:s10], $0x8000  }
0x35f: {  	[sflag:s10] =	ssyncset.done $0x0  }
0x360: {  	[sflag:s10] =	ssyncadd.s32 $0xFFFF8000  }
0x361: {  	[hbm4b:s14+s2] =	stream.linear.scatter [tilespmem:s4], [sflag:$0x5], $0x8000, $0x38;
	[tilespmem:$0x18000] =	vst v63  }
0x362: {  	_ =	swait.ge [sflag:s11], $0x8000  }
0x363: {  	[sflag:s11] =	ssyncset.done $0x0  }
0x364: {  	[sflag:s11] =	ssyncadd.s32 $0xFFFF8000  }
0x365: {  	[tilespmem:s17], [sflag:$0x3] =	stream.linear.gather [hbm4b:s13+s2], $0x8000, $0x38;
	[tilespmem:$0x18000] =	vst v63  }
0x366: {  	_ =	swait.ge [sflag:s21], $0x8000  }
0x367: {  	[sflag:s21] =	ssyncset.done $0x0  }
0x368: {  	[sflag:s21] =	ssyncadd.s32 $0xFFFF8000  }
0x369: {  	[hbm4b:s12+s2] =	stream.linear.scatter [tilespmem:s17], [sflag:$0x6], $0x8000, $0x38;
	[tilespmem:$0x18000] =	vst v63  }
0x36a: {  	_ =	swait.ge [sflag:s7], $0x8000  }
0x36b: {  	[sflag:s7] =	ssyncset.done $0x0  }
0x36c: {  	[sflag:s7] =	ssyncadd.s32 $0xFFFF8000  }
0x36d: {  	[tilespmem:s2], [sflag:$0x1] =	stream.linear.gather [hbm4b:s9+s2], $0x8000, $0x38;
	[tilespmem:$0x18000] =	vst v63  }
0x36e: {  	_ =	swait.ge [sflag:s15], $0x8000  }
0x36f: {  	[sflag:s15] =	ssyncset.done $0x0  }
0x370: {  	[sflag:s15] =	ssyncadd.s32 $0xFFFF8000  }
0x371: {  	[hbm4b:s8+s2] =	stream.linear.scatter [tilespmem:s2], [sflag:$0x4], $0x8000, $0x38;
	[tilespmem:$0x18000] =	vst v63  }
0x372: {  	_ =	swait.ge [sflag:s5], $0x8000  }
0x373: {  	[sflag:s5] =	ssyncset.done $0x0  }
0x374: {  	[sflag:s5] =	ssyncadd.s32 $0xFFFF8000  }
0x375: {  	[tilespmem:s4], [sflag:$0x2] =	stream.linear.gather [hbm4b:s6+s2], $0x8000, $0x38;
	[tilespmem:$0x18000] =	vst v63  }
0x376: {  	_ =	swait.ge [sflag:s10], $0x8000  }
0x377: {  	[sflag:s10] =	ssyncset.done $0x0  }
0x378: {  	[sflag:s10] =	ssyncadd.s32 $0xFFFF8000  }
0x379: {  	[hbm4b:s3+s2] =	stream.linear.scatter [tilespmem:s4], [sflag:$0x5], $0x8000, $0x38;
	[tilespmem:$0x18000] =	vst v63  }
0x37a: {  	_ =	swait.ge [sflag:s11], $0x8000  }
0x37b: {  	[sflag:s11] =	ssyncset.done $0x0  }
0x37c: {  	[sflag:s11] =	ssyncadd.s32 $0xFFFF8000  }
0x37d: {  	_ =	swait.ge [sflag:s7], $0x8000  }
0x37e: {  	[sflag:s7] =	ssyncset.done $0x0  }
0x37f: {  	[sflag:s7] =	ssyncadd.s32 $0xFFFF8000  }
0x380: {  	_ =	swait.ge [sflag:s5], $0x8000  }
0x381: {  	[sflag:s5] =	ssyncset.done $0x0  }
0x382: {  	[sflag:s5] =	ssyncadd.s32 $0xFFFF8000  }
0x383: {  	_ =	sfence.sel $0x180000  }
0x384: {  	[bflag:$0x0] =	sbarrier.arrive $0xFFFF  }
0x385: {  	_ =	strace $0x90000047  }
0x386: {  	s31 =	stileid.u32;
	[bflag:$0x2] =	sbarrier.arrive $0xFFFF  }
0x387: {  	p0 =	sne.s32 s31, $0x0;
	s0 =	rddreg [dreg:$0x2]  }
0x388: {  	s0 =	sadd.s32 @!p0 $0x100000, s0  }
0x389: {  	[sflag:s0] =	ssyncadd.tile.s32 @!p0 $0x1;
	_ =	shalt  }
.Lfunc_end2:
_tile_overlayer_lowered:
.L_overlay_start_2:
0x38a: {  	(tag) =	ssettag $0x2  }
0x38b: {  	s0 =	rddreg [dreg:$0x0];
	s2 =	stileid.u32  }
0x38c: {  	s1 =	rddreg [dreg:$0x1];
	p0 =	sne.s32 s2, $0x0  }
0x38d: {  	s3 =	rddreg [dreg:$0x2];
	[bflag:$0x3] =	sbarrier.arrive $0xFFFF;
	s2 =	simm.s32 @!p0 $0x1C07  }
0x38e: {  	[timem:s3], [sflag:s2] =	dma.local @!p0 [hbm:s0], s1  }
0x38f: {  	s0 =	simm.s32 @!p0 $0x7  }
0x390: {  	_ =	swait.ge @!p0 [sflag:s0], s1  }
0x391: {  	s1 =	ssub.s32 @!p0 $0x0, s1;
	[sflag:s0] =	ssyncset.done @!p0 $0x0  }
0x392: {  	[sflag:s0] =	ssyncadd.s32 @!p0 s1  }
0x393: {  	[bflag:$0x3] =	sbarrier.arrive $0xFFFF  }
0x394: {  	_ =	shalt  }

</sc_bundles>
